<compile_context>
chip_gen: v7x
topology: tpu7x:2x2x1
jax: 0.10.2.dev20260603
libtpu: 0.0.44.dev20260713+nightly
codegen_flags: <defaults>
</compile_context>

<pallas_src>
import functools

import numpy as np
import jax
import jax.numpy as jnp
from jax import lax
from jax.experimental import pallas as pl
from jax.experimental.pallas import tpu as pltpu
from jax.experimental.pallas import tpu_sc as plsc

_B = 8
_N = 1024
_K = 20
_EPS = 1e-5
_INV = float(1.0 / np.sqrt(1.0 + _EPS))
_NEG = -1e30
_BF = jnp.bfloat16


def _leaky(x):
    return jnp.where(x >= 0, x, 0.2 * x)


def _bmm(a, b):
    return lax.dot_general(
        a.astype(_BF), b.astype(_BF), (((1,), (1,)), ((), ())),
        preferred_element_type=jnp.float32)


_BPG = 2


def _knn_body(C, x_ref, idx_ref):
    iota = lax.broadcasted_iota(jnp.int32, (_N, _N), 1)
    iota_k = lax.broadcasted_iota(jnp.int32, (_N, _K), 1)

    Ss, accs = [], []
    for bb in range(_BPG):
        feat = x_ref[bb][:, :C]
        inner = -2.0 * _bmm(feat, feat)
        xx = jnp.sum(feat * feat, axis=1, keepdims=True)
        S = (-jnp.transpose(xx) - inner) - xx
        Ss.append(S)
        accs.append(jnp.zeros((_N, _K), jnp.int32))

    def step(t, carry):
        Ss, accs = carry
        nS, nacc = [], []
        for S, acc in zip(Ss, accs):
            m = jnp.max(S, axis=1, keepdims=True)
            ge = S >= m
            j = jnp.min(jnp.where(ge, iota, _N), axis=1, keepdims=True)
            nacc.append(jnp.where(iota_k == t, j, acc))
            nS.append(jnp.where(iota == j, _NEG, S))
        return tuple(nS), tuple(nacc)

    _, accs = lax.fori_loop(0, _K, step, (tuple(Ss), tuple(accs)))
    for bb in range(_BPG):
        idx_ref[bb] = accs[bb] + (pl.program_id(0) * _BPG + bb) * _N


def _knn_call(C, Cpad, nb):
    return pl.pallas_call(
        functools.partial(_knn_body, C),
        grid=(nb // _BPG,),
        in_specs=[pl.BlockSpec((_BPG, _N, Cpad), lambda b: (b, 0, 0))],
        out_specs=pl.BlockSpec((_BPG, _N, _K), lambda b: (b, 0, 0)),
        out_shape=jax.ShapeDtypeStruct((nb, _N, _K), jnp.int32))


def _gather(feat2d, idxf, Cpad):
    BN = feat2d.shape[0]
    E = idxf.shape[0]
    NW = 32
    EPW = E // NW
    RC = 80
    NCH = EPW // RC
    NBUF = 4
    mesh = plsc.VectorSubcoreMesh(core_axis_name="c", subcore_axis_name="s")

    @functools.partial(
        pl.kernel,
        mesh=mesh,
        out_type=jax.ShapeDtypeStruct((E, Cpad), jnp.float32),
        scratch_types=(
            [pltpu.VMEM((EPW,), jnp.int32)]
            + [pltpu.VMEM((RC, Cpad), jnp.float32)] * NBUF
            + [pltpu.SemaphoreType.DMA] * (2 * NBUF)
        ),
    )
    def gk(f_hbm, i_hbm, o_hbm, idx_v, *bufs_sems):
        rows = bufs_sems[:NBUF]
        gsem = bufs_sems[NBUF:2 * NBUF]
        osem = bufs_sems[2 * NBUF:]
        wid = lax.axis_index("s") * 2 + lax.axis_index("c")
        base = wid * EPW
        pltpu.sync_copy(i_hbm.at[pl.ds(base, EPW)], idx_v)

        def sgather(g, b):
            pltpu.async_copy(
                f_hbm.at[idx_v.at[pl.ds(g * RC, RC)]], rows[b], gsem[b])

        def wgather(g, b):
            pltpu.make_async_copy(
                f_hbm.at[idx_v.at[pl.ds(g * RC, RC)]], rows[b],
                gsem[b]).wait()

        def swrite(g, b):
            pltpu.async_copy(rows[b], o_hbm.at[pl.ds(base + g * RC, RC)],
                             osem[b])

        def wwrite(g, b):
            pltpu.make_async_copy(rows[b],
                                  o_hbm.at[pl.ds(base + g * RC, RC)],
                                  osem[b]).wait()

        for b in range(NBUF):
            sgather(b, b)

        @pl.loop(0, NCH // NBUF)
        def _(i):
            for b in range(NBUF):
                g = i * NBUF + b
                wgather(g, b)
                swrite(g, b)
                wwrite(g, b)
                nxt = g + NBUF

                @pl.when(nxt < NCH)
                def _():
                    sgather(nxt, b)

    return gk(feat2d, idxf)


def _conv_body(C, O, Opad, e_ref, x_ref, W_ref, g_ref, b_ref, y_ref):
    feat = x_ref[0][:, :C]
    e3 = e_ref[0].reshape(_N, _K, -1)[:, :, :C]
    diff = (e3 - feat[:, None, :]).reshape(_N * _K, C)
    yd = _bmm(diff, W_ref[:, :C]).reshape(_N, _K, O)
    md = jnp.max(yd, axis=1)
    pt = _bmm(feat, W_ref[:, C:])
    y = (md + pt) * (g_ref[...] * _INV) + b_ref[...]
    y = _leaky(y)
    if Opad > O:
        y = jnp.concatenate(
            [y, jnp.zeros((_N, Opad - O), jnp.float32)], axis=1)
    y_ref[0] = y


def _conv_call(C, Cpad, O, Opad, nb):
    return pl.pallas_call(
        functools.partial(_conv_body, C, O, Opad),
        grid=(nb,),
        in_specs=[
            pl.BlockSpec((1, _N * _K, Cpad), lambda b: (b, 0, 0)),
            pl.BlockSpec((1, _N, Cpad), lambda b: (b, 0, 0)),
            pl.BlockSpec((O, 2 * C), lambda b: (0, 0)),
            pl.BlockSpec((1, O), lambda b: (0, 0)),
            pl.BlockSpec((1, O), lambda b: (0, 0)),
        ],
        out_specs=pl.BlockSpec((1, _N, Opad), lambda b: (b, 0, 0)),
        out_shape=jax.ShapeDtypeStruct((nb, _N, Opad), jnp.float32))


def _final_body(*refs):
    (y1, y2, y3, y4, W5, g5, b5, Wf1, gf1, bf1, Wf2, gf2, bf2, Wf3, bf3,
     out_ref, p1_ref) = refs

    cat = jnp.concatenate(
        [y1[0][:, :64], y2[0][:, :64], y3[0], y4[0]], axis=1)
    h = _bmm(cat, W5[...])
    h = _leaky(h * (g5[...] * _INV) + b5[...])
    p1 = jnp.max(h, axis=0, keepdims=True)
    p2 = jnp.sum(h, axis=0, keepdims=True) * (1.0 / _N)
    f = jnp.concatenate([p1, p2], axis=1)
    f = _leaky(_bmm(f, Wf1[...]) * (gf1[...] * _INV) + bf1[...])
    f = _leaky(_bmm(f, Wf2[...]) * (gf2[...] * _INV) + bf2[...])
    logits = _bmm(f, Wf3[...]) + bf3[...]
    z = logits - jnp.max(logits, axis=1, keepdims=True)
    out_ref[0] = z - jnp.log(jnp.sum(jnp.exp(z), axis=1, keepdims=True))
    p1_ref[0] = p1


def _final_call(n_classes):
    def row(c):
        return pl.BlockSpec((1, c), lambda b: (0, 0))

    def bnc(c):
        return pl.BlockSpec((1, _N, c), lambda b: (b, 0, 0))

    def w(o, c):
        return pl.BlockSpec((o, c), lambda b: (0, 0))

    in_specs = [
        bnc(128), bnc(128), bnc(128), bnc(256),
        w(1024, 512), row(1024), row(1024),
        w(512, 2048), row(512), row(512),
        w(256, 512), row(256), row(256),
        w(n_classes, 256), row(n_classes),
    ]
    out_specs = [
        pl.BlockSpec((1, 1, n_classes), lambda b: (b, 0, 0)),
        pl.BlockSpec((1, 1, _N), lambda b: (b, 0, 0)),
    ]
    out_shape = [
        jax.ShapeDtypeStruct((_B, 1, n_classes), jnp.float32),
        jax.ShapeDtypeStruct((_B, 1, _N), jnp.float32),
    ]
    return pl.pallas_call(_final_body, grid=(_B,), in_specs=in_specs,
                          out_specs=out_specs, out_shape=out_shape)


def _stage(feats, C, Cpad, W, g, b, O, Opad):
    nb = feats.shape[0]
    idx = _knn_call(C, Cpad, nb)(feats)
    e = _gather(feats.reshape(-1, Cpad), idx.reshape(-1), Cpad)
    return _conv_call(C, Cpad, O, Opad, nb)(
        e.reshape(nb, _N * _K, Cpad), feats, W,
        g.reshape(1, -1), b.reshape(1, -1))


def kernel(x, W1, g1, b1, W2, g2, b2, W3, g3, b3, W4, g4, b4, W5, g5, b5,
           Wf1, gf1, bf1, Wf2, gf2, bf2, Wf3, bf3):
    xT = jnp.transpose(x, (0, 2, 1))
    x0 = jnp.pad(xT, ((0, 0), (0, 0), (0, 125)))

    params = [(3, W1, g1, b1, 64), (64, W2, g2, b2, 64),
              (64, W3, g3, b3, 128), (128, W4, g4, b4, 256)]
    f = x0
    ys = []
    for si, (C, W, g, b, O) in enumerate(params):
        Opad = 256 if O == 256 else 128
        f = _stage(f, C, 128, W, g, b, O, Opad)
        ys.append(f)
    y1, y2, y3, y4 = ys

    n_classes = Wf3.shape[0]
    out, p1 = _final_call(n_classes)(
        y1, y2, y3, y4,
        W5, g5.reshape(1, -1), b5.reshape(1, -1),
        Wf1, gf1.reshape(1, -1), bf1.reshape(1, -1),
        Wf2, gf2.reshape(1, -1), bf2.reshape(1, -1),
        Wf3, bf3.reshape(1, -1))
    return (out.reshape(_B, n_classes), p1.reshape(_B, _N))

# --- scband reference (transcript-rebuilt; emitter-appended) ---
"""Pipeline reference for scband-edge-conv-50242527428999 (READ-ONLY COPY).

The authoritative reference and input builder live on the scoring server;
editing this copy changes nothing except your own understanding.
"""

import jax, jax.numpy as jnp
import numpy as np

K = 20
NUM_CLASSES = 40
EPS = 1e-5


def knn(x, k):
    inner = -2.0 * (x @ x.T)
    xx = jnp.sum(x ** 2, axis=1, keepdims=True)
    pairwise = -xx.T - inner - xx
    _, idx = jax.lax.top_k(pairwise, k)
    return idx


def get_edge_feats(x, k):
    # x: [B, N, d] -> [B, N, k, 2d]  (cat(x_j - x_i, x_i))
    def one(x1):
        idx = knn(x1, k)
        x2 = x1[idx]
        x1e = jnp.broadcast_to(x1[:, None, :], x2.shape)
        return jnp.concatenate([x2 - x1e, x1e], axis=2)
    return jax.vmap(one)(x)


def bn_eval(y, g, b, nd):
    # eval-mode BatchNorm with running_mean=0, running_var=1
    shape = [1, -1] + [1] * (nd - 2)
    return y / jnp.sqrt(1.0 + EPS) * g.reshape(shape) + b.reshape(shape)


def conv2d_block(x, W, g, b):
    y = jnp.einsum('oc,bcnk->bonk', W, x)
    return jax.nn.leaky_relu(bn_eval(y, g, b, 4), 0.2)


def edge_stage(feat, W, g, b):
    # feat: [B, C, N]
    e = get_edge_feats(jnp.transpose(feat, (0, 2, 1)), K)
    e = jnp.transpose(e, (0, 3, 1, 2))  # [B, 2C, N, k]
    h = conv2d_block(e, W, g, b)
    return jnp.max(h, axis=-1)  # [B, C_out, N]


def setup_inputs(seed: int = 0):
    key = jax.random.key(seed)
    ks = jax.random.split(key, 24)
    d = {}
    d['x'] = jax.random.normal(ks[0], (8, 3, 1024), dtype=jnp.float32)

    def w(k, o, i):
        return jax.random.normal(k, (o, i), dtype=jnp.float32) * (1.0 / np.sqrt(i))
    d['W1'] = w(ks[1], 64, 6); d['g1'] = jnp.ones((64,), jnp.float32); d['b1'] = jnp.zeros((64,), jnp.float32)
    d['W2'] = w(ks[2], 64, 128); d['g2'] = jnp.ones((64,), jnp.float32); d['b2'] = jnp.zeros((64,), jnp.float32)
    d['W3'] = w(ks[3], 128, 128); d['g3'] = jnp.ones((128,), jnp.float32); d['b3'] = jnp.zeros((128,), jnp.float32)
    d['W4'] = w(ks[4], 256, 256); d['g4'] = jnp.ones((256,), jnp.float32); d['b4'] = jnp.zeros((256,), jnp.float32)
    d['W5'] = w(ks[5], 1024, 512); d['g5'] = jnp.ones((1024,), jnp.float32); d['b5'] = jnp.zeros((1024,), jnp.float32)
    d['Wf1'] = w(ks[6], 512, 2048); d['gf1'] = jnp.ones((512,), jnp.float32); d['bf1'] = jnp.zeros((512,), jnp.float32)
    d['Wf2'] = w(ks[7], 256, 512); d['gf2'] = jnp.ones((256,), jnp.float32); d['bf2'] = jnp.zeros((256,), jnp.float32)
    d['Wf3'] = w(ks[8], NUM_CLASSES, 256); d['bf3'] = jnp.zeros((NUM_CLASSES,), jnp.float32)
    return d


def reference(x, W1, g1, b1, W2, g2, b2, W3, g3, b3, W4, g4, b4, W5, g5, b5, Wf1, gf1, bf1, Wf2, gf2, bf2, Wf3, bf3):
    x1 = edge_stage(x, W1, g1, b1)   # [B, 64, N]
    x2 = edge_stage(x1, W2, g2, b2)  # [B, 64, N]
    x3 = edge_stage(x2, W3, g3, b3)  # [B, 128, N]
    x4 = edge_stage(x3, W4, g4, b4)  # [B, 256, N]
    cat = jnp.concatenate([x1, x2, x3, x4], axis=1)  # [B, 512, N]
    h = jnp.einsum('oc,bcn->bon', W5, cat)
    h = jax.nn.leaky_relu(bn_eval(h, g5, b5, 3), 0.2)  # [B, 1024, N]
    p1 = jnp.max(h, axis=-1)
    p2 = jnp.mean(h, axis=-1)
    f = jnp.concatenate([p1, p2], axis=1)  # [B, 2048]
    f = jax.nn.leaky_relu(bn_eval(f @ Wf1.T, gf1, bf1, 2), 0.2)
    f = jax.nn.leaky_relu(bn_eval(f @ Wf2.T, gf2, bf2, 2), 0.2)
    logits = f @ Wf3.T + bf3
    out = jax.nn.log_softmax(logits, axis=1)
    return (out, p1)

if __name__ == "__main__":
    import jax
    _d = setup_inputs()
    print(jax.jit(kernel)(*tuple(_d.values())))

</pallas_src>

<mosaic_0001>
#map = affine_map<(d0, d1) -> (0, 0)>
#map1 = affine_map<(d0, d1) -> (0)>
module attributes {stable_mosaic.version = 14 : i64} {
  func.func @gk(%arg0: i32, %arg1: i32, %arg2: memref<8192x128xf32, #tpu.memory_space<hbm>>, %arg3: memref<163840xi32, #tpu.memory_space<hbm>>, %arg4: memref<163840x128xf32, #tpu.memory_space<hbm>>, %arg5: memref<5120xi32, #tpu.memory_space<vmem>>, %arg6: memref<80x128xf32, #tpu.memory_space<vmem>>, %arg7: memref<80x128xf32, #tpu.memory_space<vmem>>, %arg8: memref<80x128xf32, #tpu.memory_space<vmem>>, %arg9: memref<80x128xf32, #tpu.memory_space<vmem>>, %arg10: memref<!tpu.dma_semaphore, #tpu.memory_space<semaphore_mem>>, %arg11: memref<!tpu.dma_semaphore, #tpu.memory_space<semaphore_mem>>, %arg12: memref<!tpu.dma_semaphore, #tpu.memory_space<semaphore_mem>>, %arg13: memref<!tpu.dma_semaphore, #tpu.memory_space<semaphore_mem>>, %arg14: memref<!tpu.dma_semaphore, #tpu.memory_space<semaphore_mem>>, %arg15: memref<!tpu.dma_semaphore, #tpu.memory_space<semaphore_mem>>, %arg16: memref<!tpu.dma_semaphore, #tpu.memory_space<semaphore_mem>>, %arg17: memref<!tpu.dma_semaphore, #tpu.memory_space<semaphore_mem>>) attributes {dimension_semantics = [#tpu.dimension_semantics<core_parallel>, #tpu.dimension_semantics<subcore_parallel>], iteration_bounds = array<i64: 2, 16>, scalar_prefetch = 0 : i64, scratch_operands = 13 : i64, tpu.core_type = #tpu.core_type<sc_vector_subcore>, window_params = [{transform_indices = #map}, {transform_indices = #map1}, {transform_indices = #map}]} {
    %mul3A = arith.constant 2 : i32
    %mul3A_0 = arith.muli %arg1, %mul3A : i32
    %add3A = arith.addi %mul3A_0, %arg0 : i32
    %mul3A_1 = arith.constant 5120 : i32
    %mul3A_2 = arith.muli %add3A, %mul3A_1 : i32
    "tpu.region"() ({
      %run_scoped3A = tpu.sem_alloc : memref<!tpu.dma_semaphore, #tpu.memory_space<semaphore_mem>>
      %dma_start3A_26 = tpu.memref_slice %arg3[%mul3A_2] : memref<163840xi32, #tpu.memory_space<hbm>> -> memref<5120xi32, #tpu.memory_space<hbm>>
      %dma_start3A_27 = tpu.memref_slice %arg3[%mul3A_2] : memref<163840xi32, #tpu.memory_space<hbm>> -> memref<5120xi32, #tpu.memory_space<hbm>>
      tpu.enqueue_dma source(%dma_start3A_27 : memref<5120xi32, #tpu.memory_space<hbm>>) target(%arg5 : memref<5120xi32, #tpu.memory_space<vmem>>) target_semaphore(%run_scoped3A : memref<!tpu.dma_semaphore, #tpu.memory_space<semaphore_mem>>)
      %dma_wait3A = tpu.memref_slice %arg3[%mul3A_2] : memref<163840xi32, #tpu.memory_space<hbm>> -> memref<5120xi32, #tpu.memory_space<hbm>>
      %dma_wait3A_28 = tpu.memref_slice %arg3[%mul3A_2] : memref<163840xi32, #tpu.memory_space<hbm>> -> memref<5120xi32, #tpu.memory_space<hbm>>
      tpu.wait_dma2 semaphore(%run_scoped3A : memref<!tpu.dma_semaphore, #tpu.memory_space<semaphore_mem>>) src(%dma_wait3A_28 : memref<5120xi32, #tpu.memory_space<hbm>>) dst(%arg5 : memref<5120xi32, #tpu.memory_space<vmem>>)
      tpu.yield
    }) : () -> ()
    %dma_start3A = arith.constant 0 : i32
    %dma_start3A_3 = tpu.memref_slice %arg5[%dma_start3A] : memref<5120xi32, #tpu.memory_space<vmem>> -> memref<80xi32, #tpu.memory_space<vmem>>
    %dma_start3A_4 = arith.constant 0 : i32
    %dma_start3A_5 = arith.constant 0 : i32
    %dma_start3A_6 = tpu.memref_slice %arg2[%dma_start3A_4, %dma_start3A_5] : memref<8192x128xf32, #tpu.memory_space<hbm>> -> memref<8192x128xf32, #tpu.memory_space<hbm>>
    tpu.enqueue_indirect_dma source(%dma_start3A_6 : memref<8192x128xf32, #tpu.memory_space<hbm>>) target(%arg6 : memref<80x128xf32, #tpu.memory_space<vmem>>) offsets(%dma_start3A_3 : memref<80xi32, #tpu.memory_space<vmem>>) semaphore(%arg10 : memref<!tpu.dma_semaphore, #tpu.memory_space<semaphore_mem>>)
    %dma_start3A_7 = arith.constant 80 : i32
    %dma_start3A_8 = tpu.memref_slice %arg5[%dma_start3A_7] : memref<5120xi32, #tpu.memory_space<vmem>> -> memref<80xi32, #tpu.memory_space<vmem>>
    %dma_start3A_9 = arith.constant 0 : i32
    %dma_start3A_10 = arith.constant 0 : i32
    %dma_start3A_11 = tpu.memref_slice %arg2[%dma_start3A_9, %dma_start3A_10] : memref<8192x128xf32, #tpu.memory_space<hbm>> -> memref<8192x128xf32, #tpu.memory_space<hbm>>
    tpu.enqueue_indirect_dma source(%dma_start3A_11 : memref<8192x128xf32, #tpu.memory_space<hbm>>) target(%arg7 : memref<80x128xf32, #tpu.memory_space<vmem>>) offsets(%dma_start3A_8 : memref<80xi32, #tpu.memory_space<vmem>>) semaphore(%arg11 : memref<!tpu.dma_semaphore, #tpu.memory_space<semaphore_mem>>)
    %dma_start3A_12 = arith.constant 160 : i32
    %dma_start3A_13 = tpu.memref_slice %arg5[%dma_start3A_12] : memref<5120xi32, #tpu.memory_space<vmem>> -> memref<80xi32, #tpu.memory_space<vmem>>
    %dma_start3A_14 = arith.constant 0 : i32
    %dma_start3A_15 = arith.constant 0 : i32
    %dma_start3A_16 = tpu.memref_slice %arg2[%dma_start3A_14, %dma_start3A_15] : memref<8192x128xf32, #tpu.memory_space<hbm>> -> memref<8192x128xf32, #tpu.memory_space<hbm>>
    tpu.enqueue_indirect_dma source(%dma_start3A_16 : memref<8192x128xf32, #tpu.memory_space<hbm>>) target(%arg8 : memref<80x128xf32, #tpu.memory_space<vmem>>) offsets(%dma_start3A_13 : memref<80xi32, #tpu.memory_space<vmem>>) semaphore(%arg12 : memref<!tpu.dma_semaphore, #tpu.memory_space<semaphore_mem>>)
    %dma_start3A_17 = arith.constant 240 : i32
    %dma_start3A_18 = tpu.memref_slice %arg5[%dma_start3A_17] : memref<5120xi32, #tpu.memory_space<vmem>> -> memref<80xi32, #tpu.memory_space<vmem>>
    %dma_start3A_19 = arith.constant 0 : i32
    %dma_start3A_20 = arith.constant 0 : i32
    %dma_start3A_21 = tpu.memref_slice %arg2[%dma_start3A_19, %dma_start3A_20] : memref<8192x128xf32, #tpu.memory_space<hbm>> -> memref<8192x128xf32, #tpu.memory_space<hbm>>
    tpu.enqueue_indirect_dma source(%dma_start3A_21 : memref<8192x128xf32, #tpu.memory_space<hbm>>) target(%arg9 : memref<80x128xf32, #tpu.memory_space<vmem>>) offsets(%dma_start3A_18 : memref<80xi32, #tpu.memory_space<vmem>>) semaphore(%arg13 : memref<!tpu.dma_semaphore, #tpu.memory_space<semaphore_mem>>)
    %scan3A = arith.constant 0 : i32
    %scan3A_22 = arith.constant 16 : i32
    %scan3A_23 = arith.addi %scan3A, %scan3A_22 : i32
    %scan3A_24 = arith.constant 1 : i32
    scf.for %scan3A_26 = %scan3A to %scan3A_23 step %scan3A_24  : i32 {
      %mul3A_27 = arith.constant 1 : i32
      %mul3A_28 = arith.muli %scan3A_26, %mul3A_27 : i32
      %add3A_29 = arith.constant 0 : i32
      %add3A_30 = arith.addi %add3A_29, %mul3A_28 : i32
      %mul3A_31 = arith.constant 4 : i32
      %mul3A_32 = arith.muli %add3A_30, %mul3A_31 : i32
      %add3A_33 = arith.constant 0 : i32
      %add3A_34 = arith.addi %mul3A_32, %add3A_33 : i32
      %mul3A_35 = arith.constant 80 : i32
      %mul3A_36 = arith.muli %add3A_34, %mul3A_35 : i32
      %dma_wait3A = tpu.memref_slice %arg5[%mul3A_36] : memref<5120xi32, #tpu.memory_space<vmem>> -> memref<80xi32, #tpu.memory_space<vmem>>
      %dma_wait3A_37 = arith.constant 0 : i32
      %dma_wait3A_38 = arith.constant 0 : i32
      %dma_wait3A_39 = tpu.memref_slice %arg2[%dma_wait3A_37, %dma_wait3A_38] : memref<8192x128xf32, #tpu.memory_space<hbm>> -> memref<8192x128xf32, #tpu.memory_space<hbm>>
      tpu.wait_indirect_dma semaphore(%arg10 : memref<!tpu.dma_semaphore, #tpu.memory_space<semaphore_mem>>) src(%dma_wait3A_39 : memref<8192x128xf32, #tpu.memory_space<hbm>>) dst(%arg6 : memref<80x128xf32, #tpu.memory_space<vmem>>)
      %mul3A_40 = arith.constant 80 : i32
      %mul3A_41 = arith.muli %add3A_34, %mul3A_40 : i32
      %add3A_42 = arith.addi %mul3A_2, %mul3A_41 : i32
      %dma_start3A_43 = arith.constant 0 : i32
      %dma_start3A_44 = tpu.memref_slice %arg4[%add3A_42, %dma_start3A_43] : memref<163840x128xf32, #tpu.memory_space<hbm>> -> memref<80x128xf32, #tpu.memory_space<hbm>>
      %dma_start3A_45 = arith.constant 0 : i32
      %dma_start3A_46 = tpu.memref_slice %arg4[%add3A_42, %dma_start3A_45] : memref<163840x128xf32, #tpu.memory_space<hbm>> -> memref<80x128xf32, #tpu.memory_space<hbm>>
      tpu.enqueue_dma source(%arg6 : memref<80x128xf32, #tpu.memory_space<vmem>>) target(%dma_start3A_46 : memref<80x128xf32, #tpu.memory_space<hbm>>) target_semaphore(%arg14 : memref<!tpu.dma_semaphore, #tpu.memory_space<semaphore_mem>>)
      %mul3A_47 = arith.constant 80 : i32
      %mul3A_48 = arith.muli %add3A_34, %mul3A_47 : i32
      %add3A_49 = arith.addi %mul3A_2, %mul3A_48 : i32
      %dma_wait3A_50 = arith.constant 0 : i32
      %dma_wait3A_51 = tpu.memref_slice %arg4[%add3A_49, %dma_wait3A_50] : memref<163840x128xf32, #tpu.memory_space<hbm>> -> memref<80x128xf32, #tpu.memory_space<hbm>>
      %dma_wait3A_52 = arith.constant 0 : i32
      %dma_wait3A_53 = tpu.memref_slice %arg4[%add3A_49, %dma_wait3A_52] : memref<163840x128xf32, #tpu.memory_space<hbm>> -> memref<80x128xf32, #tpu.memory_space<hbm>>
      tpu.wait_dma2 semaphore(%arg14 : memref<!tpu.dma_semaphore, #tpu.memory_space<semaphore_mem>>) src(%arg6 : memref<80x128xf32, #tpu.memory_space<vmem>>) dst(%dma_wait3A_53 : memref<80x128xf32, #tpu.memory_space<hbm>>)
      %add3A_54 = arith.constant 4 : i32
      %add3A_55 = arith.addi %add3A_34, %add3A_54 : i32
      %lt3A = arith.constant 64 : i32
      %lt3A_56 = arith.cmpi slt, %add3A_55, %lt3A : i32
      %convert_element_type3A = arith.extui %lt3A_56 : i1 to i32
      %cond3A = arith.constant 0 : i32
      %cond3A_57 = arith.cmpi ne, %convert_element_type3A, %cond3A : i32
      scf.if %cond3A_57 {
        %mul3A_151 = arith.constant 80 : i32
        %mul3A_152 = arith.muli %add3A_55, %mul3A_151 : i32
        %dma_start3A_153 = tpu.memref_slice %arg5[%mul3A_152] : memref<5120xi32, #tpu.memory_space<vmem>> -> memref<80xi32, #tpu.memory_space<vmem>>
        %dma_start3A_154 = arith.constant 0 : i32
        %dma_start3A_155 = arith.constant 0 : i32
        %dma_start3A_156 = tpu.memref_slice %arg2[%dma_start3A_154, %dma_start3A_155] : memref<8192x128xf32, #tpu.memory_space<hbm>> -> memref<8192x128xf32, #tpu.memory_space<hbm>>
        tpu.enqueue_indirect_dma source(%dma_start3A_156 : memref<8192x128xf32, #tpu.memory_space<hbm>>) target(%arg6 : memref<80x128xf32, #tpu.memory_space<vmem>>) offsets(%dma_start3A_153 : memref<80xi32, #tpu.memory_space<vmem>>) semaphore(%arg10 : memref<!tpu.dma_semaphore, #tpu.memory_space<semaphore_mem>>)
      } else {
      }
      %mul3A_58 = arith.constant 4 : i32
      %mul3A_59 = arith.muli %add3A_30, %mul3A_58 : i32
      %add3A_60 = arith.constant 1 : i32
      %add3A_61 = arith.addi %mul3A_59, %add3A_60 : i32
      %mul3A_62 = arith.constant 80 : i32
      %mul3A_63 = arith.muli %add3A_61, %mul3A_62 : i32
      %dma_wait3A_64 = tpu.memref_slice %arg5[%mul3A_63] : memref<5120xi32, #tpu.memory_space<vmem>> -> memref<80xi32, #tpu.memory_space<vmem>>
      %dma_wait3A_65 = arith.constant 0 : i32
      %dma_wait3A_66 = arith.constant 0 : i32
      %dma_wait3A_67 = tpu.memref_slice %arg2[%dma_wait3A_65, %dma_wait3A_66] : memref<8192x128xf32, #tpu.memory_space<hbm>> -> memref<8192x128xf32, #tpu.memory_space<hbm>>
      tpu.wait_indirect_dma semaphore(%arg11 : memref<!tpu.dma_semaphore, #tpu.memory_space<semaphore_mem>>) src(%dma_wait3A_67 : memref<8192x128xf32, #tpu.memory_space<hbm>>) dst(%arg7 : memref<80x128xf32, #tpu.memory_space<vmem>>)
      %mul3A_68 = arith.constant 80 : i32
      %mul3A_69 = arith.muli %add3A_61, %mul3A_68 : i32
      %add3A_70 = arith.addi %mul3A_2, %mul3A_69 : i32
      %dma_start3A_71 = arith.constant 0 : i32
      %dma_start3A_72 = tpu.memref_slice %arg4[%add3A_70, %dma_start3A_71] : memref<163840x128xf32, #tpu.memory_space<hbm>> -> memref<80x128xf32, #tpu.memory_space<hbm>>
      %dma_start3A_73 = arith.constant 0 : i32
      %dma_start3A_74 = tpu.memref_slice %arg4[%add3A_70, %dma_start3A_73] : memref<163840x128xf32, #tpu.memory_space<hbm>> -> memref<80x128xf32, #tpu.memory_space<hbm>>
      tpu.enqueue_dma source(%arg7 : memref<80x128xf32, #tpu.memory_space<vmem>>) target(%dma_start3A_74 : memref<80x128xf32, #tpu.memory_space<hbm>>) target_semaphore(%arg15 : memref<!tpu.dma_semaphore, #tpu.memory_space<semaphore_mem>>)
      %mul3A_75 = arith.constant 80 : i32
      %mul3A_76 = arith.muli %add3A_61, %mul3A_75 : i32
      %add3A_77 = arith.addi %mul3A_2, %mul3A_76 : i32
      %dma_wait3A_78 = arith.constant 0 : i32
      %dma_wait3A_79 = tpu.memref_slice %arg4[%add3A_77, %dma_wait3A_78] : memref<163840x128xf32, #tpu.memory_space<hbm>> -> memref<80x128xf32, #tpu.memory_space<hbm>>
      %dma_wait3A_80 = arith.constant 0 : i32
      %dma_wait3A_81 = tpu.memref_slice %arg4[%add3A_77, %dma_wait3A_80] : memref<163840x128xf32, #tpu.memory_space<hbm>> -> memref<80x128xf32, #tpu.memory_space<hbm>>
      tpu.wait_dma2 semaphore(%arg15 : memref<!tpu.dma_semaphore, #tpu.memory_space<semaphore_mem>>) src(%arg7 : memref<80x128xf32, #tpu.memory_space<vmem>>) dst(%dma_wait3A_81 : memref<80x128xf32, #tpu.memory_space<hbm>>)
      %add3A_82 = arith.constant 4 : i32
      %add3A_83 = arith.addi %add3A_61, %add3A_82 : i32
      %lt3A_84 = arith.constant 64 : i32
      %lt3A_85 = arith.cmpi slt, %add3A_83, %lt3A_84 : i32
      %convert_element_type3A_86 = arith.extui %lt3A_85 : i1 to i32
      %cond3A_87 = arith.constant 0 : i32
      %cond3A_88 = arith.cmpi ne, %convert_element_type3A_86, %cond3A_87 : i32
      scf.if %cond3A_88 {
        %mul3A_151 = arith.constant 80 : i32
        %mul3A_152 = arith.muli %add3A_83, %mul3A_151 : i32
        %dma_start3A_153 = tpu.memref_slice %arg5[%mul3A_152] : memref<5120xi32, #tpu.memory_space<vmem>> -> memref<80xi32, #tpu.memory_space<vmem>>
        %dma_start3A_154 = arith.constant 0 : i32
        %dma_start3A_155 = arith.constant 0 : i32
        %dma_start3A_156 = tpu.memref_slice %arg2[%dma_start3A_154, %dma_start3A_155] : memref<8192x128xf32, #tpu.memory_space<hbm>> -> memref<8192x128xf32, #tpu.memory_space<hbm>>
        tpu.enqueue_indirect_dma source(%dma_start3A_156 : memref<8192x128xf32, #tpu.memory_space<hbm>>) target(%arg7 : memref<80x128xf32, #tpu.memory_space<vmem>>) offsets(%dma_start3A_153 : memref<80xi32, #tpu.memory_space<vmem>>) semaphore(%arg11 : memref<!tpu.dma_semaphore, #tpu.memory_space<semaphore_mem>>)
      } else {
      }
      %mul3A_89 = arith.constant 4 : i32
      %mul3A_90 = arith.muli %add3A_30, %mul3A_89 : i32
      %add3A_91 = arith.constant 2 : i32
      %add3A_92 = arith.addi %mul3A_90, %add3A_91 : i32
      %mul3A_93 = arith.constant 80 : i32
      %mul3A_94 = arith.muli %add3A_92, %mul3A_93 : i32
      %dma_wait3A_95 = tpu.memref_slice %arg5[%mul3A_94] : memref<5120xi32, #tpu.memory_space<vmem>> -> memref<80xi32, #tpu.memory_space<vmem>>
      %dma_wait3A_96 = arith.constant 0 : i32
      %dma_wait3A_97 = arith.constant 0 : i32
      %dma_wait3A_98 = tpu.memref_slice %arg2[%dma_wait3A_96, %dma_wait3A_97] : memref<8192x128xf32, #tpu.memory_space<hbm>> -> memref<8192x128xf32, #tpu.memory_space<hbm>>
      tpu.wait_indirect_dma semaphore(%arg12 : memref<!tpu.dma_semaphore, #tpu.memory_space<semaphore_mem>>) src(%dma_wait3A_98 : memref<8192x128xf32, #tpu.memory_space<hbm>>) dst(%arg8 : memref<80x128xf32, #tpu.memory_space<vmem>>)
      %mul3A_99 = arith.constant 80 : i32
      %mul3A_100 = arith.muli %add3A_92, %mul3A_99 : i32
      %add3A_101 = arith.addi %mul3A_2, %mul3A_100 : i32
      %dma_start3A_102 = arith.constant 0 : i32
      %dma_start3A_103 = tpu.memref_slice %arg4[%add3A_101, %dma_start3A_102] : memref<163840x128xf32, #tpu.memory_space<hbm>> -> memref<80x128xf32, #tpu.memory_space<hbm>>
      %dma_start3A_104 = arith.constant 0 : i32
      %dma_start3A_105 = tpu.memref_slice %arg4[%add3A_101, %dma_start3A_104] : memref<163840x128xf32, #tpu.memory_space<hbm>> -> memref<80x128xf32, #tpu.memory_space<hbm>>
      tpu.enqueue_dma source(%arg8 : memref<80x128xf32, #tpu.memory_space<vmem>>) target(%dma_start3A_105 : memref<80x128xf32, #tpu.memory_space<hbm>>) target_semaphore(%arg16 : memref<!tpu.dma_semaphore, #tpu.memory_space<semaphore_mem>>)
      %mul3A_106 = arith.constant 80 : i32
      %mul3A_107 = arith.muli %add3A_92, %mul3A_106 : i32
      %add3A_108 = arith.addi %mul3A_2, %mul3A_107 : i32
      %dma_wait3A_109 = arith.constant 0 : i32
      %dma_wait3A_110 = tpu.memref_slice %arg4[%add3A_108, %dma_wait3A_109] : memref<163840x128xf32, #tpu.memory_space<hbm>> -> memref<80x128xf32, #tpu.memory_space<hbm>>
      %dma_wait3A_111 = arith.constant 0 : i32
      %dma_wait3A_112 = tpu.memref_slice %arg4[%add3A_108, %dma_wait3A_111] : memref<163840x128xf32, #tpu.memory_space<hbm>> -> memref<80x128xf32, #tpu.memory_space<hbm>>
      tpu.wait_dma2 semaphore(%arg16 : memref<!tpu.dma_semaphore, #tpu.memory_space<semaphore_mem>>) src(%arg8 : memref<80x128xf32, #tpu.memory_space<vmem>>) dst(%dma_wait3A_112 : memref<80x128xf32, #tpu.memory_space<hbm>>)
      %add3A_113 = arith.constant 4 : i32
      %add3A_114 = arith.addi %add3A_92, %add3A_113 : i32
      %lt3A_115 = arith.constant 64 : i32
      %lt3A_116 = arith.cmpi slt, %add3A_114, %lt3A_115 : i32
      %convert_element_type3A_117 = arith.extui %lt3A_116 : i1 to i32
      %cond3A_118 = arith.constant 0 : i32
      %cond3A_119 = arith.cmpi ne, %convert_element_type3A_117, %cond3A_118 : i32
      scf.if %cond3A_119 {
        %mul3A_151 = arith.constant 80 : i32
        %mul3A_152 = arith.muli %add3A_114, %mul3A_151 : i32
        %dma_start3A_153 = tpu.memref_slice %arg5[%mul3A_152] : memref<5120xi32, #tpu.memory_space<vmem>> -> memref<80xi32, #tpu.memory_space<vmem>>
        %dma_start3A_154 = arith.constant 0 : i32
        %dma_start3A_155 = arith.constant 0 : i32
        %dma_start3A_156 = tpu.memref_slice %arg2[%dma_start3A_154, %dma_start3A_155] : memref<8192x128xf32, #tpu.memory_space<hbm>> -> memref<8192x128xf32, #tpu.memory_space<hbm>>
        tpu.enqueue_indirect_dma source(%dma_start3A_156 : memref<8192x128xf32, #tpu.memory_space<hbm>>) target(%arg8 : memref<80x128xf32, #tpu.memory_space<vmem>>) offsets(%dma_start3A_153 : memref<80xi32, #tpu.memory_space<vmem>>) semaphore(%arg12 : memref<!tpu.dma_semaphore, #tpu.memory_space<semaphore_mem>>)
      } else {
      }
      %mul3A_120 = arith.constant 4 : i32
      %mul3A_121 = arith.muli %add3A_30, %mul3A_120 : i32
      %add3A_122 = arith.constant 3 : i32
      %add3A_123 = arith.addi %mul3A_121, %add3A_122 : i32
      %mul3A_124 = arith.constant 80 : i32
      %mul3A_125 = arith.muli %add3A_123, %mul3A_124 : i32
      %dma_wait3A_126 = tpu.memref_slice %arg5[%mul3A_125] : memref<5120xi32, #tpu.memory_space<vmem>> -> memref<80xi32, #tpu.memory_space<vmem>>
      %dma_wait3A_127 = arith.constant 0 : i32
      %dma_wait3A_128 = arith.constant 0 : i32
      %dma_wait3A_129 = tpu.memref_slice %arg2[%dma_wait3A_127, %dma_wait3A_128] : memref<8192x128xf32, #tpu.memory_space<hbm>> -> memref<8192x128xf32, #tpu.memory_space<hbm>>
      tpu.wait_indirect_dma semaphore(%arg13 : memref<!tpu.dma_semaphore, #tpu.memory_space<semaphore_mem>>) src(%dma_wait3A_129 : memref<8192x128xf32, #tpu.memory_space<hbm>>) dst(%arg9 : memref<80x128xf32, #tpu.memory_space<vmem>>)
      %mul3A_130 = arith.constant 80 : i32
      %mul3A_131 = arith.muli %add3A_123, %mul3A_130 : i32
      %add3A_132 = arith.addi %mul3A_2, %mul3A_131 : i32
      %dma_start3A_133 = arith.constant 0 : i32
      %dma_start3A_134 = tpu.memref_slice %arg4[%add3A_132, %dma_start3A_133] : memref<163840x128xf32, #tpu.memory_space<hbm>> -> memref<80x128xf32, #tpu.memory_space<hbm>>
      %dma_start3A_135 = arith.constant 0 : i32
      %dma_start3A_136 = tpu.memref_slice %arg4[%add3A_132, %dma_start3A_135] : memref<163840x128xf32, #tpu.memory_space<hbm>> -> memref<80x128xf32, #tpu.memory_space<hbm>>
      tpu.enqueue_dma source(%arg9 : memref<80x128xf32, #tpu.memory_space<vmem>>) target(%dma_start3A_136 : memref<80x128xf32, #tpu.memory_space<hbm>>) target_semaphore(%arg17 : memref<!tpu.dma_semaphore, #tpu.memory_space<semaphore_mem>>)
      %mul3A_137 = arith.constant 80 : i32
      %mul3A_138 = arith.muli %add3A_123, %mul3A_137 : i32
      %add3A_139 = arith.addi %mul3A_2, %mul3A_138 : i32
      %dma_wait3A_140 = arith.constant 0 : i32
      %dma_wait3A_141 = tpu.memref_slice %arg4[%add3A_139, %dma_wait3A_140] : memref<163840x128xf32, #tpu.memory_space<hbm>> -> memref<80x128xf32, #tpu.memory_space<hbm>>
      %dma_wait3A_142 = arith.constant 0 : i32
      %dma_wait3A_143 = tpu.memref_slice %arg4[%add3A_139, %dma_wait3A_142] : memref<163840x128xf32, #tpu.memory_space<hbm>> -> memref<80x128xf32, #tpu.memory_space<hbm>>
      tpu.wait_dma2 semaphore(%arg17 : memref<!tpu.dma_semaphore, #tpu.memory_space<semaphore_mem>>) src(%arg9 : memref<80x128xf32, #tpu.memory_space<vmem>>) dst(%dma_wait3A_143 : memref<80x128xf32, #tpu.memory_space<hbm>>)
      %add3A_144 = arith.constant 4 : i32
      %add3A_145 = arith.addi %add3A_123, %add3A_144 : i32
      %lt3A_146 = arith.constant 64 : i32
      %lt3A_147 = arith.cmpi slt, %add3A_145, %lt3A_146 : i32
      %convert_element_type3A_148 = arith.extui %lt3A_147 : i1 to i32
      %cond3A_149 = arith.constant 0 : i32
      %cond3A_150 = arith.cmpi ne, %convert_element_type3A_148, %cond3A_149 : i32
      scf.if %cond3A_150 {
        %mul3A_151 = arith.constant 80 : i32
        %mul3A_152 = arith.muli %add3A_145, %mul3A_151 : i32
        %dma_start3A_153 = tpu.memref_slice %arg5[%mul3A_152] : memref<5120xi32, #tpu.memory_space<vmem>> -> memref<80xi32, #tpu.memory_space<vmem>>
        %dma_start3A_154 = arith.constant 0 : i32
        %dma_start3A_155 = arith.constant 0 : i32
        %dma_start3A_156 = tpu.memref_slice %arg2[%dma_start3A_154, %dma_start3A_155] : memref<8192x128xf32, #tpu.memory_space<hbm>> -> memref<8192x128xf32, #tpu.memory_space<hbm>>
        tpu.enqueue_indirect_dma source(%dma_start3A_156 : memref<8192x128xf32, #tpu.memory_space<hbm>>) target(%arg9 : memref<80x128xf32, #tpu.memory_space<vmem>>) offsets(%dma_start3A_153 : memref<80xi32, #tpu.memory_space<vmem>>) semaphore(%arg13 : memref<!tpu.dma_semaphore, #tpu.memory_space<semaphore_mem>>)
      } else {
      }
    }
    %scan3A_25 = arith.constant 16 : i32
    return
  }
}

#map = affine_map<(d0, d1) -> (0, 0)>
#map1 = affine_map<(d0, d1) -> (0)>
module attributes {stable_mosaic.version = 14 : i64} {
  func.func @gk(%arg0: i32, %arg1: i32, %arg2: memref<8192x128xf32, #tpu.memory_space<hbm>>, %arg3: memref<163840xi32, #tpu.memory_space<hbm>>, %arg4: memref<163840x128xf32, #tpu.memory_space<hbm>>, %arg5: memref<5120xi32, #tpu.memory_space<vmem>>, %arg6: memref<80x128xf32, #tpu.memory_space<vmem>>, %arg7: memref<80x128xf32, #tpu.memory_space<vmem>>, %arg8: memref<80x128xf32, #tpu.memory_space<vmem>>, %arg9: memref<80x128xf32, #tpu.memory_space<vmem>>, %arg10: memref<!tpu.dma_semaphore, #tpu.memory_space<semaphore_mem>>, %arg11: memref<!tpu.dma_semaphore, #tpu.memory_space<semaphore_mem>>, %arg12: memref<!tpu.dma_semaphore, #tpu.memory_space<semaphore_mem>>, %arg13: memref<!tpu.dma_semaphore, #tpu.memory_space<semaphore_mem>>, %arg14: memref<!tpu.dma_semaphore, #tpu.memory_space<semaphore_mem>>, %arg15: memref<!tpu.dma_semaphore, #tpu.memory_space<semaphore_mem>>, %arg16: memref<!tpu.dma_semaphore, #tpu.memory_space<semaphore_mem>>, %arg17: memref<!tpu.dma_semaphore, #tpu.memory_space<semaphore_mem>>) attributes {dimension_semantics = [#tpu.dimension_semantics<core_parallel>, #tpu.dimension_semantics<subcore_parallel>], iteration_bounds = array<i64: 2, 16>, scalar_prefetch = 0 : i64, scratch_operands = 13 : i64, tpu.core_type = #tpu.core_type<sc_vector_subcore>, window_params = [{transform_indices = #map}, {transform_indices = #map1}, {transform_indices = #map}]} {
    %mul3A = arith.constant 2 : i32
    %mul3A_0 = arith.muli %arg1, %mul3A : i32
    %add3A = arith.addi %mul3A_0, %arg0 : i32
    %mul3A_1 = arith.constant 5120 : i32
    %mul3A_2 = arith.muli %add3A, %mul3A_1 : i32
    "tpu.region"() ({
      %run_scoped3A = tpu.sem_alloc : memref<!tpu.dma_semaphore, #tpu.memory_space<semaphore_mem>>
      %dma_start3A_26 = tpu.memref_slice %arg3[%mul3A_2] : memref<163840xi32, #tpu.memory_space<hbm>> -> memref<5120xi32, #tpu.memory_space<hbm>>
      %dma_start3A_27 = tpu.memref_slice %arg3[%mul3A_2] : memref<163840xi32, #tpu.memory_space<hbm>> -> memref<5120xi32, #tpu.memory_space<hbm>>
      tpu.enqueue_dma source(%dma_start3A_27 : memref<5120xi32, #tpu.memory_space<hbm>>) target(%arg5 : memref<5120xi32, #tpu.memory_space<vmem>>) target_semaphore(%run_scoped3A : memref<!tpu.dma_semaphore, #tpu.memory_space<semaphore_mem>>)
      %dma_wait3A = tpu.memref_slice %arg3[%mul3A_2] : memref<163840xi32, #tpu.memory_space<hbm>> -> memref<5120xi32, #tpu.memory_space<hbm>>
      %dma_wait3A_28 = tpu.memref_slice %arg3[%mul3A_2] : memref<163840xi32, #tpu.memory_space<hbm>> -> memref<5120xi32, #tpu.memory_space<hbm>>
      tpu.wait_dma2 semaphore(%run_scoped3A : memref<!tpu.dma_semaphore, #tpu.memory_space<semaphore_mem>>) src(%dma_wait3A_28 : memref<5120xi32, #tpu.memory_space<hbm>>) dst(%arg5 : memref<5120xi32, #tpu.memory_space<vmem>>)
      tpu.yield
    }) : () -> ()
    %dma_start3A = arith.constant 0 : i32
    %dma_start3A_3 = tpu.memref_slice %arg5[%dma_start3A] : memref<5120xi32, #tpu.memory_space<vmem>> -> memref<80xi32, #tpu.memory_space<vmem>>
    %dma_start3A_4 = arith.constant 0 : i32
    %dma_start3A_5 = arith.constant 0 : i32
    %dma_start3A_6 = tpu.memref_slice %arg2[%dma_start3A_4, %dma_start3A_5] : memref<8192x128xf32, #tpu.memory_space<hbm>> -> memref<8192x128xf32, #tpu.memory_space<hbm>>
    tpu.enqueue_indirect_dma source(%dma_start3A_6 : memref<8192x128xf32, #tpu.memory_space<hbm>>) target(%arg6 : memref<80x128xf32, #tpu.memory_space<vmem>>) offsets(%dma_start3A_3 : memref<80xi32, #tpu.memory_space<vmem>>) semaphore(%arg10 : memref<!tpu.dma_semaphore, #tpu.memory_space<semaphore_mem>>)
    %dma_start3A_7 = arith.constant 80 : i32
    %dma_start3A_8 = tpu.memref_slice %arg5[%dma_start3A_7] : memref<5120xi32, #tpu.memory_space<vmem>> -> memref<80xi32, #tpu.memory_space<vmem>>
    %dma_start3A_9 = arith.constant 0 : i32
    %dma_start3A_10 = arith.constant 0 : i32
    %dma_start3A_11 = tpu.memref_slice %arg2[%dma_start3A_9, %dma_start3A_10] : memref<8192x128xf32, #tpu.memory_space<hbm>> -> memref<8192x128xf32, #tpu.memory_space<hbm>>
    tpu.enqueue_indirect_dma source(%dma_start3A_11 : memref<8192x128xf32, #tpu.memory_space<hbm>>) target(%arg7 : memref<80x128xf32, #tpu.memory_space<vmem>>) offsets(%dma_start3A_8 : memref<80xi32, #tpu.memory_space<vmem>>) semaphore(%arg11 : memref<!tpu.dma_semaphore, #tpu.memory_space<semaphore_mem>>)
    %dma_start3A_12 = arith.constant 160 : i32
    %dma_start3A_13 = tpu.memref_slice %arg5[%dma_start3A_12] : memref<5120xi32, #tpu.memory_space<vmem>> -> memref<80xi32, #tpu.memory_space<vmem>>
    %dma_start3A_14 = arith.constant 0 : i32
    %dma_start3A_15 = arith.constant 0 : i32
    %dma_start3A_16 = tpu.memref_slice %arg2[%dma_start3A_14, %dma_start3A_15] : memref<8192x128xf32, #tpu.memory_space<hbm>> -> memref<8192x128xf32, #tpu.memory_space<hbm>>
    tpu.enqueue_indirect_dma source(%dma_start3A_16 : memref<8192x128xf32, #tpu.memory_space<hbm>>) target(%arg8 : memref<80x128xf32, #tpu.memory_space<vmem>>) offsets(%dma_start3A_13 : memref<80xi32, #tpu.memory_space<vmem>>) semaphore(%arg12 : memref<!tpu.dma_semaphore, #tpu.memory_space<semaphore_mem>>)
    %dma_start3A_17 = arith.constant 240 : i32
    %dma_start3A_18 = tpu.memref_slice %arg5[%dma_start3A_17] : memref<5120xi32, #tpu.memory_space<vmem>> -> memref<80xi32, #tpu.memory_space<vmem>>
    %dma_start3A_19 = arith.constant 0 : i32
    %dma_start3A_20 = arith.constant 0 : i32
    %dma_start3A_21 = tpu.memref_slice %arg2[%dma_start3A_19, %dma_start3A_20] : memref<8192x128xf32, #tpu.memory_space<hbm>> -> memref<8192x128xf32, #tpu.memory_space<hbm>>
    tpu.enqueue_indirect_dma source(%dma_start3A_21 : memref<8192x128xf32, #tpu.memory_space<hbm>>) target(%arg9 : memref<80x128xf32, #tpu.memory_space<vmem>>) offsets(%dma_start3A_18 : memref<80xi32, #tpu.memory_space<vmem>>) semaphore(%arg13 : memref<!tpu.dma_semaphore, #tpu.memory_space<semaphore_mem>>)
    %scan3A = arith.constant 0 : i32
    %scan3A_22 = arith.constant 16 : i32
    %scan3A_23 = arith.addi %scan3A, %scan3A_22 : i32
    %scan3A_24 = arith.constant 1 : i32
    scf.for %scan3A_26 = %scan3A to %scan3A_23 step %scan3A_24  : i32 {
      %mul3A_27 = arith.constant 1 : i32
      %mul3A_28 = arith.muli %scan3A_26, %mul3A_27 : i32
      %add3A_29 = arith.constant 0 : i32
      %add3A_30 = arith.addi %add3A_29, %mul3A_28 : i32
      %mul3A_31 = arith.constant 4 : i32
      %mul3A_32 = arith.muli %add3A_30, %mul3A_31 : i32
      %add3A_33 = arith.constant 0 : i32
      %add3A_34 = arith.addi %mul3A_32, %add3A_33 : i32
      %mul3A_35 = arith.constant 80 : i32
      %mul3A_36 = arith.muli %add3A_34, %mul3A_35 : i32
      %dma_wait3A = tpu.memref_slice %arg5[%mul3A_36] : memref<5120xi32, #tpu.memory_space<vmem>> -> memref<80xi32, #tpu.memory_space<vmem>>
      %dma_wait3A_37 = arith.constant 0 : i32
      %dma_wait3A_38 = arith.constant 0 : i32
      %dma_wait3A_39 = tpu.memref_slice %arg2[%dma_wait3A_37, %dma_wait3A_38] : memref<8192x128xf32, #tpu.memory_space<hbm>> -> memref<8192x128xf32, #tpu.memory_space<hbm>>
      tpu.wait_indirect_dma semaphore(%arg10 : memref<!tpu.dma_semaphore, #tpu.memory_space<semaphore_mem>>) src(%dma_wait3A_39 : memref<8192x128xf32, #tpu.memory_space<hbm>>) dst(%arg6 : memref<80x128xf32, #tpu.memory_space<vmem>>)
      %mul3A_40 = arith.constant 80 : i32
      %mul3A_41 = arith.muli %add3A_34, %mul3A_40 : i32
      %add3A_42 = arith.addi %mul3A_2, %mul3A_41 : i32
      %dma_start3A_43 = arith.constant 0 : i32
      %dma_start3A_44 = tpu.memref_slice %arg4[%add3A_42, %dma_start3A_43] : memref<163840x128xf32, #tpu.memory_space<hbm>> -> memref<80x128xf32, #tpu.memory_space<hbm>>
      %dma_start3A_45 = arith.constant 0 : i32
      %dma_start3A_46 = tpu.memref_slice %arg4[%add3A_42, %dma_start3A_45] : memref<163840x128xf32, #tpu.memory_space<hbm>> -> memref<80x128xf32, #tpu.memory_space<hbm>>
      tpu.enqueue_dma source(%arg6 : memref<80x128xf32, #tpu.memory_space<vmem>>) target(%dma_start3A_46 : memref<80x128xf32, #tpu.memory_space<hbm>>) target_semaphore(%arg14 : memref<!tpu.dma_semaphore, #tpu.memory_space<semaphore_mem>>)
      %mul3A_47 = arith.constant 80 : i32
      %mul3A_48 = arith.muli %add3A_34, %mul3A_47 : i32
      %add3A_49 = arith.addi %mul3A_2, %mul3A_48 : i32
      %dma_wait3A_50 = arith.constant 0 : i32
      %dma_wait3A_51 = tpu.memref_slice %arg4[%add3A_49, %dma_wait3A_50] : memref<163840x128xf32, #tpu.memory_space<hbm>> -> memref<80x128xf32, #tpu.memory_space<hbm>>
      %dma_wait3A_52 = arith.constant 0 : i32
      %dma_wait3A_53 = tpu.memref_slice %arg4[%add3A_49, %dma_wait3A_52] : memref<163840x128xf32, #tpu.memory_space<hbm>> -> memref<80x128xf32, #tpu.memory_space<hbm>>
      tpu.wait_dma2 semaphore(%arg14 : memref<!tpu.dma_semaphore, #tpu.memory_space<semaphore_mem>>) src(%arg6 : memref<80x128xf32, #tpu.memory_space<vmem>>) dst(%dma_wait3A_53 : memref<80x128xf32, #tpu.memory_space<hbm>>)
      %add3A_54 = arith.constant 4 : i32
      %add3A_55 = arith.addi %add3A_34, %add3A_54 : i32
      %lt3A = arith.constant 64 : i32
      %lt3A_56 = arith.cmpi slt, %add3A_55, %lt3A : i32
      %convert_element_type3A = arith.extui %lt3A_56 : i1 to i32
      %cond3A = arith.constant 0 : i32
      %cond3A_57 = arith.cmpi ne, %convert_element_type3A, %cond3A : i32
      scf.if %cond3A_57 {
        %mul3A_151 = arith.constant 80 : i32
        %mul3A_152 = arith.muli %add3A_55, %mul3A_151 : i32
        %dma_start3A_153 = tpu.memref_slice %arg5[%mul3A_152] : memref<5120xi32, #tpu.memory_space<vmem>> -> memref<80xi32, #tpu.memory_space<vmem>>
        %dma_start3A_154 = arith.constant 0 : i32
        %dma_start3A_155 = arith.constant 0 : i32
        %dma_start3A_156 = tpu.memref_slice %arg2[%dma_start3A_154, %dma_start3A_155] : memref<8192x128xf32, #tpu.memory_space<hbm>> -> memref<8192x128xf32, #tpu.memory_space<hbm>>
        tpu.enqueue_indirect_dma source(%dma_start3A_156 : memref<8192x128xf32, #tpu.memory_space<hbm>>) target(%arg6 : memref<80x128xf32, #tpu.memory_space<vmem>>) offsets(%dma_start3A_153 : memref<80xi32, #tpu.memory_space<vmem>>) semaphore(%arg10 : memref<!tpu.dma_semaphore, #tpu.memory_space<semaphore_mem>>)
      } else {
      }
      %mul3A_58 = arith.constant 4 : i32
      %mul3A_59 = arith.muli %add3A_30, %mul3A_58 : i32
      %add3A_60 = arith.constant 1 : i32
      %add3A_61 = arith.addi %mul3A_59, %add3A_60 : i32
      %mul3A_62 = arith.constant 80 : i32
      %mul3A_63 = arith.muli %add3A_61, %mul3A_62 : i32
      %dma_wait3A_64 = tpu.memref_slice %arg5[%mul3A_63] : memref<5120xi32, #tpu.memory_space<vmem>> -> memref<80xi32, #tpu.memory_space<vmem>>
      %dma_wait3A_65 = arith.constant 0 : i32
      %dma_wait3A_66 = arith.constant 0 : i32
      %dma_wait3A_67 = tpu.memref_slice %arg2[%dma_wait3A_65, %dma_wait3A_66] : memref<8192x128xf32, #tpu.memory_space<hbm>> -> memref<8192x128xf32, #tpu.memory_space<hbm>>
      tpu.wait_indirect_dma semaphore(%arg11 : memref<!tpu.dma_semaphore, #tpu.memory_space<semaphore_mem>>) src(%dma_wait3A_67 : memref<8192x128xf32, #tpu.memory_space<hbm>>) dst(%arg7 : memref<80x128xf32, #tpu.memory_space<vmem>>)
      %mul3A_68 = arith.constant 80 : i32
      %mul3A_69 = arith.muli %add3A_61, %mul3A_68 : i32
      %add3A_70 = arith.addi %mul3A_2, %mul3A_69 : i32
      %dma_start3A_71 = arith.constant 0 : i32
      %dma_start3A_72 = tpu.memref_slice %arg4[%add3A_70, %dma_start3A_71] : memref<163840x128xf32, #tpu.memory_space<hbm>> -> memref<80x128xf32, #tpu.memory_space<hbm>>
      %dma_start3A_73 = arith.constant 0 : i32
      %dma_start3A_74 = tpu.memref_slice %arg4[%add3A_70, %dma_start3A_73] : memref<163840x128xf32, #tpu.memory_space<hbm>> -> memref<80x128xf32, #tpu.memory_space<hbm>>
      tpu.enqueue_dma source(%arg7 : memref<80x128xf32, #tpu.memory_space<vmem>>) target(%dma_start3A_74 : memref<80x128xf32, #tpu.memory_space<hbm>>) target_semaphore(%arg15 : memref<!tpu.dma_semaphore, #tpu.memory_space<semaphore_mem>>)
      %mul3A_75 = arith.constant 80 : i32
      %mul3A_76 = arith.muli %add3A_61, %mul3A_75 : i32
      %add3A_77 = arith.addi %mul3A_2, %mul3A_76 : i32
      %dma_wait3A_78 = arith.constant 0 : i32
      %dma_wait3A_79 = tpu.memref_slice %arg4[%add3A_77, %dma_wait3A_78] : memref<163840x128xf32, #tpu.memory_space<hbm>> -> memref<80x128xf32, #tpu.memory_space<hbm>>
      %dma_wait3A_80 = arith.constant 0 : i32
      %dma_wait3A_81 = tpu.memref_slice %arg4[%add3A_77, %dma_wait3A_80] : memref<163840x128xf32, #tpu.memory_space<hbm>> -> memref<80x128xf32, #tpu.memory_space<hbm>>
      tpu.wait_dma2 semaphore(%arg15 : memref<!tpu.dma_semaphore, #tpu.memory_space<semaphore_mem>>) src(%arg7 : memref<80x128xf32, #tpu.memory_space<vmem>>) dst(%dma_wait3A_81 : memref<80x128xf32, #tpu.memory_space<hbm>>)
      %add3A_82 = arith.constant 4 : i32
      %add3A_83 = arith.addi %add3A_61, %add3A_82 : i32
      %lt3A_84 = arith.constant 64 : i32
      %lt3A_85 = arith.cmpi slt, %add3A_83, %lt3A_84 : i32
      %convert_element_type3A_86 = arith.extui %lt3A_85 : i1 to i32
      %cond3A_87 = arith.constant 0 : i32
      %cond3A_88 = arith.cmpi ne, %convert_element_type3A_86, %cond3A_87 : i32
      scf.if %cond3A_88 {
        %mul3A_151 = arith.constant 80 : i32
        %mul3A_152 = arith.muli %add3A_83, %mul3A_151 : i32
        %dma_start3A_153 = tpu.memref_slice %arg5[%mul3A_152] : memref<5120xi32, #tpu.memory_space<vmem>> -> memref<80xi32, #tpu.memory_space<vmem>>
        %dma_start3A_154 = arith.constant 0 : i32
        %dma_start3A_155 = arith.constant 0 : i32
        %dma_start3A_156 = tpu.memref_slice %arg2[%dma_start3A_154, %dma_start3A_155] : memref<8192x128xf32, #tpu.memory_space<hbm>> -> memref<8192x128xf32, #tpu.memory_space<hbm>>
        tpu.enqueue_indirect_dma source(%dma_start3A_156 : memref<8192x128xf32, #tpu.memory_space<hbm>>) target(%arg7 : memref<80x128xf32, #tpu.memory_space<vmem>>) offsets(%dma_start3A_153 : memref<80xi32, #tpu.memory_space<vmem>>) semaphore(%arg11 : memref<!tpu.dma_semaphore, #tpu.memory_space<semaphore_mem>>)
      } else {
      }
      %mul3A_89 = arith.constant 4 : i32
      %mul3A_90 = arith.muli %add3A_30, %mul3A_89 : i32
      %add3A_91 = arith.constant 2 : i32
      %add3A_92 = arith.addi %mul3A_90, %add3A_91 : i32
      %mul3A_93 = arith.constant 80 : i32
      %mul3A_94 = arith.muli %add3A_92, %mul3A_93 : i32
      %dma_wait3A_95 = tpu.memref_slice %arg5[%mul3A_94] : memref<5120xi32, #tpu.memory_space<vmem>> -> memref<80xi32, #tpu.memory_space<vmem>>
      %dma_wait3A_96 = arith.constant 0 : i32
      %dma_wait3A_97 = arith.constant 0 : i32
      %dma_wait3A_98 = tpu.memref_slice %arg2[%dma_wait3A_96, %dma_wait3A_97] : memref<8192x128xf32, #tpu.memory_space<hbm>> -> memref<8192x128xf32, #tpu.memory_space<hbm>>
      tpu.wait_indirect_dma semaphore(%arg12 : memref<!tpu.dma_semaphore, #tpu.memory_space<semaphore_mem>>) src(%dma_wait3A_98 : memref<8192x128xf32, #tpu.memory_space<hbm>>) dst(%arg8 : memref<80x128xf32, #tpu.memory_space<vmem>>)
      %mul3A_99 = arith.constant 80 : i32
      %mul3A_100 = arith.muli %add3A_92, %mul3A_99 : i32
      %add3A_101 = arith.addi %mul3A_2, %mul3A_100 : i32
      %dma_start3A_102 = arith.constant 0 : i32
      %dma_start3A_103 = tpu.memref_slice %arg4[%add3A_101, %dma_start3A_102] : memref<163840x128xf32, #tpu.memory_space<hbm>> -> memref<80x128xf32, #tpu.memory_space<hbm>>
      %dma_start3A_104 = arith.constant 0 : i32
      %dma_start3A_105 = tpu.memref_slice %arg4[%add3A_101, %dma_start3A_104] : memref<163840x128xf32, #tpu.memory_space<hbm>> -> memref<80x128xf32, #tpu.memory_space<hbm>>
      tpu.enqueue_dma source(%arg8 : memref<80x128xf32, #tpu.memory_space<vmem>>) target(%dma_start3A_105 : memref<80x128xf32, #tpu.memory_space<hbm>>) target_semaphore(%arg16 : memref<!tpu.dma_semaphore, #tpu.memory_space<semaphore_mem>>)
      %mul3A_106 = arith.constant 80 : i32
      %mul3A_107 = arith.muli %add3A_92, %mul3A_106 : i32
      %add3A_108 = arith.addi %mul3A_2, %mul3A_107 : i32
      %dma_wait3A_109 = arith.constant 0 : i32
      %dma_wait3A_110 = tpu.memref_slice %arg4[%add3A_108, %dma_wait3A_109] : memref<163840x128xf32, #tpu.memory_space<hbm>> -> memref<80x128xf32, #tpu.memory_space<hbm>>
      %dma_wait3A_111 = arith.constant 0 : i32
      %dma_wait3A_112 = tpu.memref_slice %arg4[%add3A_108, %dma_wait3A_111] : memref<163840x128xf32, #tpu.memory_space<hbm>> -> memref<80x128xf32, #tpu.memory_space<hbm>>
      tpu.wait_dma2 semaphore(%arg16 : memref<!tpu.dma_semaphore, #tpu.memory_space<semaphore_mem>>) src(%arg8 : memref<80x128xf32, #tpu.memory_space<vmem>>) dst(%dma_wait3A_112 : memref<80x128xf32, #tpu.memory_space<hbm>>)
      %add3A_113 = arith.constant 4 : i32
      %add3A_114 = arith.addi %add3A_92, %add3A_113 : i32
      %lt3A_115 = arith.constant 64 : i32
      %lt3A_116 = arith.cmpi slt, %add3A_114, %lt3A_115 : i32
      %convert_element_type3A_117 = arith.extui %lt3A_116 : i1 to i32
      %cond3A_118 = arith.constant 0 : i32
      %cond3A_119 = arith.cmpi ne, %convert_element_type3A_117, %cond3A_118 : i32
      scf.if %cond3A_119 {
        %mul3A_151 = arith.constant 80 : i32
        %mul3A_152 = arith.muli %add3A_114, %mul3A_151 : i32
        %dma_start3A_153 = tpu.memref_slice %arg5[%mul3A_152] : memref<5120xi32, #tpu.memory_space<vmem>> -> memref<80xi32, #tpu.memory_space<vmem>>
        %dma_start3A_154 = arith.constant 0 : i32
        %dma_start3A_155 = arith.constant 0 : i32
        %dma_start3A_156 = tpu.memref_slice %arg2[%dma_start3A_154, %dma_start3A_155] : memref<8192x128xf32, #tpu.memory_space<hbm>> -> memref<8192x128xf32, #tpu.memory_space<hbm>>
        tpu.enqueue_indirect_dma source(%dma_start3A_156 : memref<8192x128xf32, #tpu.memory_space<hbm>>) target(%arg8 : memref<80x128xf32, #tpu.memory_space<vmem>>) offsets(%dma_start3A_153 : memref<80xi32, #tpu.memory_space<vmem>>) semaphore(%arg12 : memref<!tpu.dma_semaphore, #tpu.memory_space<semaphore_mem>>)
      } else {
      }
      %mul3A_120 = arith.constant 4 : i32
      %mul3A_121 = arith.muli %add3A_30, %mul3A_120 : i32
      %add3A_122 = arith.constant 3 : i32
      %add3A_123 = arith.addi %mul3A_121, %add3A_122 : i32
      %mul3A_124 = arith.constant 80 : i32
      %mul3A_125 = arith.muli %add3A_123, %mul3A_124 : i32
      %dma_wait3A_126 = tpu.memref_slice %arg5[%mul3A_125] : memref<5120xi32, #tpu.memory_space<vmem>> -> memref<80xi32, #tpu.memory_space<vmem>>
      %dma_wait3A_127 = arith.constant 0 : i32
      %dma_wait3A_128 = arith.constant 0 : i32
      %dma_wait3A_129 = tpu.memref_slice %arg2[%dma_wait3A_127, %dma_wait3A_128] : memref<8192x128xf32, #tpu.memory_space<hbm>> -> memref<8192x128xf32, #tpu.memory_space<hbm>>
      tpu.wait_indirect_dma semaphore(%arg13 : memref<!tpu.dma_semaphore, #tpu.memory_space<semaphore_mem>>) src(%dma_wait3A_129 : memref<8192x128xf32, #tpu.memory_space<hbm>>) dst(%arg9 : memref<80x128xf32, #tpu.memory_space<vmem>>)
      %mul3A_130 = arith.constant 80 : i32
      %mul3A_131 = arith.muli %add3A_123, %mul3A_130 : i32
      %add3A_132 = arith.addi %mul3A_2, %mul3A_131 : i32
      %dma_start3A_133 = arith.constant 0 : i32
      %dma_start3A_134 = tpu.memref_slice %arg4[%add3A_132, %dma_start3A_133] : memref<163840x128xf32, #tpu.memory_space<hbm>> -> memref<80x128xf32, #tpu.memory_space<hbm>>
      %dma_start3A_135 = arith.constant 0 : i32
      %dma_start3A_136 = tpu.memref_slice %arg4[%add3A_132, %dma_start3A_135] : memref<163840x128xf32, #tpu.memory_space<hbm>> -> memref<80x128xf32, #tpu.memory_space<hbm>>
      tpu.enqueue_dma source(%arg9 : memref<80x128xf32, #tpu.memory_space<vmem>>) target(%dma_start3A_136 : memref<80x128xf32, #tpu.memory_space<hbm>>) target_semaphore(%arg17 : memref<!tpu.dma_semaphore, #tpu.memory_space<semaphore_mem>>)
      %mul3A_137 = arith.constant 80 : i32
      %mul3A_138 = arith.muli %add3A_123, %mul3A_137 : i32
      %add3A_139 = arith.addi %mul3A_2, %mul3A_138 : i32
      %dma_wait3A_140 = arith.constant 0 : i32
      %dma_wait3A_141 = tpu.memref_slice %arg4[%add3A_139, %dma_wait3A_140] : memref<163840x128xf32, #tpu.memory_space<hbm>> -> memref<80x128xf32, #tpu.memory_space<hbm>>
      %dma_wait3A_142 = arith.constant 0 : i32
      %dma_wait3A_143 = tpu.memref_slice %arg4[%add3A_139, %dma_wait3A_142] : memref<163840x128xf32, #tpu.memory_space<hbm>> -> memref<80x128xf32, #tpu.memory_space<hbm>>
      tpu.wait_dma2 semaphore(%arg17 : memref<!tpu.dma_semaphore, #tpu.memory_space<semaphore_mem>>) src(%arg9 : memref<80x128xf32, #tpu.memory_space<vmem>>) dst(%dma_wait3A_143 : memref<80x128xf32, #tpu.memory_space<hbm>>)
      %add3A_144 = arith.constant 4 : i32
      %add3A_145 = arith.addi %add3A_123, %add3A_144 : i32
      %lt3A_146 = arith.constant 64 : i32
      %lt3A_147 = arith.cmpi slt, %add3A_145, %lt3A_146 : i32
      %convert_element_type3A_148 = arith.extui %lt3A_147 : i1 to i32
      %cond3A_149 = arith.constant 0 : i32
      %cond3A_150 = arith.cmpi ne, %convert_element_type3A_148, %cond3A_149 : i32
      scf.if %cond3A_150 {
        %mul3A_151 = arith.constant 80 : i32
        %mul3A_152 = arith.muli %add3A_145, %mul3A_151 : i32
        %dma_start3A_153 = tpu.memref_slice %arg5[%mul3A_152] : memref<5120xi32, #tpu.memory_space<vmem>> -> memref<80xi32, #tpu.memory_space<vmem>>
        %dma_start3A_154 = arith.constant 0 : i32
        %dma_start3A_155 = arith.constant 0 : i32
        %dma_start3A_156 = tpu.memref_slice %arg2[%dma_start3A_154, %dma_start3A_155] : memref<8192x128xf32, #tpu.memory_space<hbm>> -> memref<8192x128xf32, #tpu.memory_space<hbm>>
        tpu.enqueue_indirect_dma source(%dma_start3A_156 : memref<8192x128xf32, #tpu.memory_space<hbm>>) target(%arg9 : memref<80x128xf32, #tpu.memory_space<vmem>>) offsets(%dma_start3A_153 : memref<80xi32, #tpu.memory_space<vmem>>) semaphore(%arg13 : memref<!tpu.dma_semaphore, #tpu.memory_space<semaphore_mem>>)
      } else {
      }
    }
    %scan3A_25 = arith.constant 16 : i32
    return
  }
}

#map = affine_map<(d0, d1) -> (0, 0)>
#map1 = affine_map<(d0, d1) -> (0)>
module attributes {stable_mosaic.version = 14 : i64} {
  func.func @gk(%arg0: i32, %arg1: i32, %arg2: memref<8192x128xf32, #tpu.memory_space<hbm>>, %arg3: memref<163840xi32, #tpu.memory_space<hbm>>, %arg4: memref<163840x128xf32, #tpu.memory_space<hbm>>, %arg5: memref<5120xi32, #tpu.memory_space<vmem>>, %arg6: memref<80x128xf32, #tpu.memory_space<vmem>>, %arg7: memref<80x128xf32, #tpu.memory_space<vmem>>, %arg8: memref<80x128xf32, #tpu.memory_space<vmem>>, %arg9: memref<80x128xf32, #tpu.memory_space<vmem>>, %arg10: memref<!tpu.dma_semaphore, #tpu.memory_space<semaphore_mem>>, %arg11: memref<!tpu.dma_semaphore, #tpu.memory_space<semaphore_mem>>, %arg12: memref<!tpu.dma_semaphore, #tpu.memory_space<semaphore_mem>>, %arg13: memref<!tpu.dma_semaphore, #tpu.memory_space<semaphore_mem>>, %arg14: memref<!tpu.dma_semaphore, #tpu.memory_space<semaphore_mem>>, %arg15: memref<!tpu.dma_semaphore, #tpu.memory_space<semaphore_mem>>, %arg16: memref<!tpu.dma_semaphore, #tpu.memory_space<semaphore_mem>>, %arg17: memref<!tpu.dma_semaphore, #tpu.memory_space<semaphore_mem>>) attributes {dimension_semantics = [#tpu.dimension_semantics<core_parallel>, #tpu.dimension_semantics<subcore_parallel>], iteration_bounds = array<i64: 2, 16>, scalar_prefetch = 0 : i64, scratch_operands = 13 : i64, tpu.core_type = #tpu.core_type<sc_vector_subcore>, window_params = [{transform_indices = #map}, {transform_indices = #map1}, {transform_indices = #map}]} {
    %mul3A = arith.constant 2 : i32
    %mul3A_0 = arith.muli %arg1, %mul3A : i32
    %add3A = arith.addi %mul3A_0, %arg0 : i32
    %mul3A_1 = arith.constant 5120 : i32
    %mul3A_2 = arith.muli %add3A, %mul3A_1 : i32
    "tpu.region"() ({
      %run_scoped3A = tpu.sem_alloc : memref<!tpu.dma_semaphore, #tpu.memory_space<semaphore_mem>>
      %dma_start3A_26 = tpu.memref_slice %arg3[%mul3A_2] : memref<163840xi32, #tpu.memory_space<hbm>> -> memref<5120xi32, #tpu.memory_space<hbm>>
      %dma_start3A_27 = tpu.memref_slice %arg3[%mul3A_2] : memref<163840xi32, #tpu.memory_space<hbm>> -> memref<5120xi32, #tpu.memory_space<hbm>>
      tpu.enqueue_dma source(%dma_start3A_27 : memref<5120xi32, #tpu.memory_space<hbm>>) target(%arg5 : memref<5120xi32, #tpu.memory_space<vmem>>) target_semaphore(%run_scoped3A : memref<!tpu.dma_semaphore, #tpu.memory_space<semaphore_mem>>)
      %dma_wait3A = tpu.memref_slice %arg3[%mul3A_2] : memref<163840xi32, #tpu.memory_space<hbm>> -> memref<5120xi32, #tpu.memory_space<hbm>>
      %dma_wait3A_28 = tpu.memref_slice %arg3[%mul3A_2] : memref<163840xi32, #tpu.memory_space<hbm>> -> memref<5120xi32, #tpu.memory_space<hbm>>
      tpu.wait_dma2 semaphore(%run_scoped3A : memref<!tpu.dma_semaphore, #tpu.memory_space<semaphore_mem>>) src(%dma_wait3A_28 : memref<5120xi32, #tpu.memory_space<hbm>>) dst(%arg5 : memref<5120xi32, #tpu.memory_space<vmem>>)
      tpu.yield
    }) : () -> ()
    %dma_start3A = arith.constant 0 : i32
    %dma_start3A_3 = tpu.memref_slice %arg5[%dma_start3A] : memref<5120xi32, #tpu.memory_space<vmem>> -> memref<80xi32, #tpu.memory_space<vmem>>
    %dma_start3A_4 = arith.constant 0 : i32
    %dma_start3A_5 = arith.constant 0 : i32
    %dma_start3A_6 = tpu.memref_slice %arg2[%dma_start3A_4, %dma_start3A_5] : memref<8192x128xf32, #tpu.memory_space<hbm>> -> memref<8192x128xf32, #tpu.memory_space<hbm>>
    tpu.enqueue_indirect_dma source(%dma_start3A_6 : memref<8192x128xf32, #tpu.memory_space<hbm>>) target(%arg6 : memref<80x128xf32, #tpu.memory_space<vmem>>) offsets(%dma_start3A_3 : memref<80xi32, #tpu.memory_space<vmem>>) semaphore(%arg10 : memref<!tpu.dma_semaphore, #tpu.memory_space<semaphore_mem>>)
    %dma_start3A_7 = arith.constant 80 : i32
    %dma_start3A_8 = tpu.memref_slice %arg5[%dma_start3A_7] : memref<5120xi32, #tpu.memory_space<vmem>> -> memref<80xi32, #tpu.memory_space<vmem>>
    %dma_start3A_9 = arith.constant 0 : i32
    %dma_start3A_10 = arith.constant 0 : i32
    %dma_start3A_11 = tpu.memref_slice %arg2[%dma_start3A_9, %dma_start3A_10] : memref<8192x128xf32, #tpu.memory_space<hbm>> -> memref<8192x128xf32, #tpu.memory_space<hbm>>
    tpu.enqueue_indirect_dma source(%dma_start3A_11 : memref<8192x128xf32, #tpu.memory_space<hbm>>) target(%arg7 : memref<80x128xf32, #tpu.memory_space<vmem>>) offsets(%dma_start3A_8 : memref<80xi32, #tpu.memory_space<vmem>>) semaphore(%arg11 : memref<!tpu.dma_semaphore, #tpu.memory_space<semaphore_mem>>)
    %dma_start3A_12 = arith.constant 160 : i32
    %dma_start3A_13 = tpu.memref_slice %arg5[%dma_start3A_12] : memref<5120xi32, #tpu.memory_space<vmem>> -> memref<80xi32, #tpu.memory_space<vmem>>
    %dma_start3A_14 = arith.constant 0 : i32
    %dma_start3A_15 = arith.constant 0 : i32
    %dma_start3A_16 = tpu.memref_slice %arg2[%dma_start3A_14, %dma_start3A_15] : memref<8192x128xf32, #tpu.memory_space<hbm>> -> memref<8192x128xf32, #tpu.memory_space<hbm>>
    tpu.enqueue_indirect_dma source(%dma_start3A_16 : memref<8192x128xf32, #tpu.memory_space<hbm>>) target(%arg8 : memref<80x128xf32, #tpu.memory_space<vmem>>) offsets(%dma_start3A_13 : memref<80xi32, #tpu.memory_space<vmem>>) semaphore(%arg12 : memref<!tpu.dma_semaphore, #tpu.memory_space<semaphore_mem>>)
    %dma_start3A_17 = arith.constant 240 : i32
    %dma_start3A_18 = tpu.memref_slice %arg5[%dma_start3A_17] : memref<5120xi32, #tpu.memory_space<vmem>> -> memref<80xi32, #tpu.memory_space<vmem>>
    %dma_start3A_19 = arith.constant 0 : i32
    %dma_start3A_20 = arith.constant 0 : i32
    %dma_start3A_21 = tpu.memref_slice %arg2[%dma_start3A_19, %dma_start3A_20] : memref<8192x128xf32, #tpu.memory_space<hbm>> -> memref<8192x128xf32, #tpu.memory_space<hbm>>
    tpu.enqueue_indirect_dma source(%dma_start3A_21 : memref<8192x128xf32, #tpu.memory_space<hbm>>) target(%arg9 : memref<80x128xf32, #tpu.memory_space<vmem>>) offsets(%dma_start3A_18 : memref<80xi32, #tpu.memory_space<vmem>>) semaphore(%arg13 : memref<!tpu.dma_semaphore, #tpu.memory_space<semaphore_mem>>)
    %scan3A = arith.constant 0 : i32
    %scan3A_22 = arith.constant 16 : i32
    %scan3A_23 = arith.addi %scan3A, %scan3A_22 : i32
    %scan3A_24 = arith.constant 1 : i32
    scf.for %scan3A_26 = %scan3A to %scan3A_23 step %scan3A_24  : i32 {
      %mul3A_27 = arith.constant 1 : i32
      %mul3A_28 = arith.muli %scan3A_26, %mul3A_27 : i32
      %add3A_29 = arith.constant 0 : i32
      %add3A_30 = arith.addi %add3A_29, %mul3A_28 : i32
      %mul3A_31 = arith.constant 4 : i32
      %mul3A_32 = arith.muli %add3A_30, %mul3A_31 : i32
      %add3A_33 = arith.constant 0 : i32
      %add3A_34 = arith.addi %mul3A_32, %add3A_33 : i32
      %mul3A_35 = arith.constant 80 : i32
      %mul3A_36 = arith.muli %add3A_34, %mul3A_35 : i32
      %dma_wait3A = tpu.memref_slice %arg5[%mul3A_36] : memref<5120xi32, #tpu.memory_space<vmem>> -> memref<80xi32, #tpu.memory_space<vmem>>
      %dma_wait3A_37 = arith.constant 0 : i32
      %dma_wait3A_38 = arith.constant 0 : i32
      %dma_wait3A_39 = tpu.memref_slice %arg2[%dma_wait3A_37, %dma_wait3A_38] : memref<8192x128xf32, #tpu.memory_space<hbm>> -> memref<8192x128xf32, #tpu.memory_space<hbm>>
      tpu.wait_indirect_dma semaphore(%arg10 : memref<!tpu.dma_semaphore, #tpu.memory_space<semaphore_mem>>) src(%dma_wait3A_39 : memref<8192x128xf32, #tpu.memory_space<hbm>>) dst(%arg6 : memref<80x128xf32, #tpu.memory_space<vmem>>)
      %mul3A_40 = arith.constant 80 : i32
      %mul3A_41 = arith.muli %add3A_34, %mul3A_40 : i32
      %add3A_42 = arith.addi %mul3A_2, %mul3A_41 : i32
      %dma_start3A_43 = arith.constant 0 : i32
      %dma_start3A_44 = tpu.memref_slice %arg4[%add3A_42, %dma_start3A_43] : memref<163840x128xf32, #tpu.memory_space<hbm>> -> memref<80x128xf32, #tpu.memory_space<hbm>>
      %dma_start3A_45 = arith.constant 0 : i32
      %dma_start3A_46 = tpu.memref_slice %arg4[%add3A_42, %dma_start3A_45] : memref<163840x128xf32, #tpu.memory_space<hbm>> -> memref<80x128xf32, #tpu.memory_space<hbm>>
      tpu.enqueue_dma source(%arg6 : memref<80x128xf32, #tpu.memory_space<vmem>>) target(%dma_start3A_46 : memref<80x128xf32, #tpu.memory_space<hbm>>) target_semaphore(%arg14 : memref<!tpu.dma_semaphore, #tpu.memory_space<semaphore_mem>>)
      %mul3A_47 = arith.constant 80 : i32
      %mul3A_48 = arith.muli %add3A_34, %mul3A_47 : i32
      %add3A_49 = arith.addi %mul3A_2, %mul3A_48 : i32
      %dma_wait3A_50 = arith.constant 0 : i32
      %dma_wait3A_51 = tpu.memref_slice %arg4[%add3A_49, %dma_wait3A_50] : memref<163840x128xf32, #tpu.memory_space<hbm>> -> memref<80x128xf32, #tpu.memory_space<hbm>>
      %dma_wait3A_52 = arith.constant 0 : i32
      %dma_wait3A_53 = tpu.memref_slice %arg4[%add3A_49, %dma_wait3A_52] : memref<163840x128xf32, #tpu.memory_space<hbm>> -> memref<80x128xf32, #tpu.memory_space<hbm>>
      tpu.wait_dma2 semaphore(%arg14 : memref<!tpu.dma_semaphore, #tpu.memory_space<semaphore_mem>>) src(%arg6 : memref<80x128xf32, #tpu.memory_space<vmem>>) dst(%dma_wait3A_53 : memref<80x128xf32, #tpu.memory_space<hbm>>)
      %add3A_54 = arith.constant 4 : i32
      %add3A_55 = arith.addi %add3A_34, %add3A_54 : i32
      %lt3A = arith.constant 64 : i32
      %lt3A_56 = arith.cmpi slt, %add3A_55, %lt3A : i32
      %convert_element_type3A = arith.extui %lt3A_56 : i1 to i32
      %cond3A = arith.constant 0 : i32
      %cond3A_57 = arith.cmpi ne, %convert_element_type3A, %cond3A : i32
      scf.if %cond3A_57 {
        %mul3A_151 = arith.constant 80 : i32
        %mul3A_152 = arith.muli %add3A_55, %mul3A_151 : i32
        %dma_start3A_153 = tpu.memref_slice %arg5[%mul3A_152] : memref<5120xi32, #tpu.memory_space<vmem>> -> memref<80xi32, #tpu.memory_space<vmem>>
        %dma_start3A_154 = arith.constant 0 : i32
        %dma_start3A_155 = arith.constant 0 : i32
        %dma_start3A_156 = tpu.memref_slice %arg2[%dma_start3A_154, %dma_start3A_155] : memref<8192x128xf32, #tpu.memory_space<hbm>> -> memref<8192x128xf32, #tpu.memory_space<hbm>>
        tpu.enqueue_indirect_dma source(%dma_start3A_156 : memref<8192x128xf32, #tpu.memory_space<hbm>>) target(%arg6 : memref<80x128xf32, #tpu.memory_space<vmem>>) offsets(%dma_start3A_153 : memref<80xi32, #tpu.memory_space<vmem>>) semaphore(%arg10 : memref<!tpu.dma_semaphore, #tpu.memory_space<semaphore_mem>>)
      } else {
      }
      %mul3A_58 = arith.constant 4 : i32
      %mul3A_59 = arith.muli %add3A_30, %mul3A_58 : i32
      %add3A_60 = arith.constant 1 : i32
      %add3A_61 = arith.addi %mul3A_59, %add3A_60 : i32
      %mul3A_62 = arith.constant 80 : i32
      %mul3A_63 = arith.muli %add3A_61, %mul3A_62 : i32
      %dma_wait3A_64 = tpu.memref_slice %arg5[%mul3A_63] : memref<5120xi32, #tpu.memory_space<vmem>> -> memref<80xi32, #tpu.memory_space<vmem>>
      %dma_wait3A_65 = arith.constant 0 : i32
      %dma_wait3A_66 = arith.constant 0 : i32
      %dma_wait3A_67 = tpu.memref_slice %arg2[%dma_wait3A_65, %dma_wait3A_66] : memref<8192x128xf32, #tpu.memory_space<hbm>> -> memref<8192x128xf32, #tpu.memory_space<hbm>>
      tpu.wait_indirect_dma semaphore(%arg11 : memref<!tpu.dma_semaphore, #tpu.memory_space<semaphore_mem>>) src(%dma_wait3A_67 : memref<8192x128xf32, #tpu.memory_space<hbm>>) dst(%arg7 : memref<80x128xf32, #tpu.memory_space<vmem>>)
      %mul3A_68 = arith.constant 80 : i32
      %mul3A_69 = arith.muli %add3A_61, %mul3A_68 : i32
      %add3A_70 = arith.addi %mul3A_2, %mul3A_69 : i32
      %dma_start3A_71 = arith.constant 0 : i32
      %dma_start3A_72 = tpu.memref_slice %arg4[%add3A_70, %dma_start3A_71] : memref<163840x128xf32, #tpu.memory_space<hbm>> -> memref<80x128xf32, #tpu.memory_space<hbm>>
      %dma_start3A_73 = arith.constant 0 : i32
      %dma_start3A_74 = tpu.memref_slice %arg4[%add3A_70, %dma_start3A_73] : memref<163840x128xf32, #tpu.memory_space<hbm>> -> memref<80x128xf32, #tpu.memory_space<hbm>>
      tpu.enqueue_dma source(%arg7 : memref<80x128xf32, #tpu.memory_space<vmem>>) target(%dma_start3A_74 : memref<80x128xf32, #tpu.memory_space<hbm>>) target_semaphore(%arg15 : memref<!tpu.dma_semaphore, #tpu.memory_space<semaphore_mem>>)
      %mul3A_75 = arith.constant 80 : i32
      %mul3A_76 = arith.muli %add3A_61, %mul3A_75 : i32
      %add3A_77 = arith.addi %mul3A_2, %mul3A_76 : i32
      %dma_wait3A_78 = arith.constant 0 : i32
      %dma_wait3A_79 = tpu.memref_slice %arg4[%add3A_77, %dma_wait3A_78] : memref<163840x128xf32, #tpu.memory_space<hbm>> -> memref<80x128xf32, #tpu.memory_space<hbm>>
      %dma_wait3A_80 = arith.constant 0 : i32
      %dma_wait3A_81 = tpu.memref_slice %arg4[%add3A_77, %dma_wait3A_80] : memref<163840x128xf32, #tpu.memory_space<hbm>> -> memref<80x128xf32, #tpu.memory_space<hbm>>
      tpu.wait_dma2 semaphore(%arg15 : memref<!tpu.dma_semaphore, #tpu.memory_space<semaphore_mem>>) src(%arg7 : memref<80x128xf32, #tpu.memory_space<vmem>>) dst(%dma_wait3A_81 : memref<80x128xf32, #tpu.memory_space<hbm>>)
      %add3A_82 = arith.constant 4 : i32
      %add3A_83 = arith.addi %add3A_61, %add3A_82 : i32
      %lt3A_84 = arith.constant 64 : i32
      %lt3A_85 = arith.cmpi slt, %add3A_83, %lt3A_84 : i32
      %convert_element_type3A_86 = arith.extui %lt3A_85 : i1 to i32
      %cond3A_87 = arith.constant 0 : i32
      %cond3A_88 = arith.cmpi ne, %convert_element_type3A_86, %cond3A_87 : i32
      scf.if %cond3A_88 {
        %mul3A_151 = arith.constant 80 : i32
        %mul3A_152 = arith.muli %add3A_83, %mul3A_151 : i32
        %dma_start3A_153 = tpu.memref_slice %arg5[%mul3A_152] : memref<5120xi32, #tpu.memory_space<vmem>> -> memref<80xi32, #tpu.memory_space<vmem>>
        %dma_start3A_154 = arith.constant 0 : i32
        %dma_start3A_155 = arith.constant 0 : i32
        %dma_start3A_156 = tpu.memref_slice %arg2[%dma_start3A_154, %dma_start3A_155] : memref<8192x128xf32, #tpu.memory_space<hbm>> -> memref<8192x128xf32, #tpu.memory_space<hbm>>
        tpu.enqueue_indirect_dma source(%dma_start3A_156 : memref<8192x128xf32, #tpu.memory_space<hbm>>) target(%arg7 : memref<80x128xf32, #tpu.memory_space<vmem>>) offsets(%dma_start3A_153 : memref<80xi32, #tpu.memory_space<vmem>>) semaphore(%arg11 : memref<!tpu.dma_semaphore, #tpu.memory_space<semaphore_mem>>)
      } else {
      }
      %mul3A_89 = arith.constant 4 : i32
      %mul3A_90 = arith.muli %add3A_30, %mul3A_89 : i32
      %add3A_91 = arith.constant 2 : i32
      %add3A_92 = arith.addi %mul3A_90, %add3A_91 : i32
      %mul3A_93 = arith.constant 80 : i32
      %mul3A_94 = arith.muli %add3A_92, %mul3A_93 : i32
      %dma_wait3A_95 = tpu.memref_slice %arg5[%mul3A_94] : memref<5120xi32, #tpu.memory_space<vmem>> -> memref<80xi32, #tpu.memory_space<vmem>>
      %dma_wait3A_96 = arith.constant 0 : i32
      %dma_wait3A_97 = arith.constant 0 : i32
      %dma_wait3A_98 = tpu.memref_slice %arg2[%dma_wait3A_96, %dma_wait3A_97] : memref<8192x128xf32, #tpu.memory_space<hbm>> -> memref<8192x128xf32, #tpu.memory_space<hbm>>
      tpu.wait_indirect_dma semaphore(%arg12 : memref<!tpu.dma_semaphore, #tpu.memory_space<semaphore_mem>>) src(%dma_wait3A_98 : memref<8192x128xf32, #tpu.memory_space<hbm>>) dst(%arg8 : memref<80x128xf32, #tpu.memory_space<vmem>>)
      %mul3A_99 = arith.constant 80 : i32
      %mul3A_100 = arith.muli %add3A_92, %mul3A_99 : i32
      %add3A_101 = arith.addi %mul3A_2, %mul3A_100 : i32
      %dma_start3A_102 = arith.constant 0 : i32
      %dma_start3A_103 = tpu.memref_slice %arg4[%add3A_101, %dma_start3A_102] : memref<163840x128xf32, #tpu.memory_space<hbm>> -> memref<80x128xf32, #tpu.memory_space<hbm>>
      %dma_start3A_104 = arith.constant 0 : i32
      %dma_start3A_105 = tpu.memref_slice %arg4[%add3A_101, %dma_start3A_104] : memref<163840x128xf32, #tpu.memory_space<hbm>> -> memref<80x128xf32, #tpu.memory_space<hbm>>
      tpu.enqueue_dma source(%arg8 : memref<80x128xf32, #tpu.memory_space<vmem>>) target(%dma_start3A_105 : memref<80x128xf32, #tpu.memory_space<hbm>>) target_semaphore(%arg16 : memref<!tpu.dma_semaphore, #tpu.memory_space<semaphore_mem>>)
      %mul3A_106 = arith.constant 80 : i32
      %mul3A_107 = arith.muli %add3A_92, %mul3A_106 : i32
      %add3A_108 = arith.addi %mul3A_2, %mul3A_107 : i32
      %dma_wait3A_109 = arith.constant 0 : i32
      %dma_wait3A_110 = tpu.memref_slice %arg4[%add3A_108, %dma_wait3A_109] : memref<163840x128xf32, #tpu.memory_space<hbm>> -> memref<80x128xf32, #tpu.memory_space<hbm>>
      %dma_wait3A_111 = arith.constant 0 : i32
      %dma_wait3A_112 = tpu.memref_slice %arg4[%add3A_108, %dma_wait3A_111] : memref<163840x128xf32, #tpu.memory_space<hbm>> -> memref<80x128xf32, #tpu.memory_space<hbm>>
      tpu.wait_dma2 semaphore(%arg16 : memref<!tpu.dma_semaphore, #tpu.memory_space<semaphore_mem>>) src(%arg8 : memref<80x128xf32, #tpu.memory_space<vmem>>) dst(%dma_wait3A_112 : memref<80x128xf32, #tpu.memory_space<hbm>>)
      %add3A_113 = arith.constant 4 : i32
      %add3A_114 = arith.addi %add3A_92, %add3A_113 : i32
      %lt3A_115 = arith.constant 64 : i32
      %lt3A_116 = arith.cmpi slt, %add3A_114, %lt3A_115 : i32
      %convert_element_type3A_117 = arith.extui %lt3A_116 : i1 to i32
      %cond3A_118 = arith.constant 0 : i32
      %cond3A_119 = arith.cmpi ne, %convert_element_type3A_117, %cond3A_118 : i32
      scf.if %cond3A_119 {
        %mul3A_151 = arith.constant 80 : i32
        %mul3A_152 = arith.muli %add3A_114, %mul3A_151 : i32
        %dma_start3A_153 = tpu.memref_slice %arg5[%mul3A_152] : memref<5120xi32, #tpu.memory_space<vmem>> -> memref<80xi32, #tpu.memory_space<vmem>>
        %dma_start3A_154 = arith.constant 0 : i32
        %dma_start3A_155 = arith.constant 0 : i32
        %dma_start3A_156 = tpu.memref_slice %arg2[%dma_start3A_154, %dma_start3A_155] : memref<8192x128xf32, #tpu.memory_space<hbm>> -> memref<8192x128xf32, #tpu.memory_space<hbm>>
        tpu.enqueue_indirect_dma source(%dma_start3A_156 : memref<8192x128xf32, #tpu.memory_space<hbm>>) target(%arg8 : memref<80x128xf32, #tpu.memory_space<vmem>>) offsets(%dma_start3A_153 : memref<80xi32, #tpu.memory_space<vmem>>) semaphore(%arg12 : memref<!tpu.dma_semaphore, #tpu.memory_space<semaphore_mem>>)
      } else {
      }
      %mul3A_120 = arith.constant 4 : i32
      %mul3A_121 = arith.muli %add3A_30, %mul3A_120 : i32
      %add3A_122 = arith.constant 3 : i32
      %add3A_123 = arith.addi %mul3A_121, %add3A_122 : i32
      %mul3A_124 = arith.constant 80 : i32
      %mul3A_125 = arith.muli %add3A_123, %mul3A_124 : i32
      %dma_wait3A_126 = tpu.memref_slice %arg5[%mul3A_125] : memref<5120xi32, #tpu.memory_space<vmem>> -> memref<80xi32, #tpu.memory_space<vmem>>
      %dma_wait3A_127 = arith.constant 0 : i32
      %dma_wait3A_128 = arith.constant 0 : i32
      %dma_wait3A_129 = tpu.memref_slice %arg2[%dma_wait3A_127, %dma_wait3A_128] : memref<8192x128xf32, #tpu.memory_space<hbm>> -> memref<8192x128xf32, #tpu.memory_space<hbm>>
      tpu.wait_indirect_dma semaphore(%arg13 : memref<!tpu.dma_semaphore, #tpu.memory_space<semaphore_mem>>) src(%dma_wait3A_129 : memref<8192x128xf32, #tpu.memory_space<hbm>>) dst(%arg9 : memref<80x128xf32, #tpu.memory_space<vmem>>)
      %mul3A_130 = arith.constant 80 : i32
      %mul3A_131 = arith.muli %add3A_123, %mul3A_130 : i32
      %add3A_132 = arith.addi %mul3A_2, %mul3A_131 : i32
      %dma_start3A_133 = arith.constant 0 : i32
      %dma_start3A_134 = tpu.memref_slice %arg4[%add3A_132, %dma_start3A_133] : memref<163840x128xf32, #tpu.memory_space<hbm>> -> memref<80x128xf32, #tpu.memory_space<hbm>>
      %dma_start3A_135 = arith.constant 0 : i32
      %dma_start3A_136 = tpu.memref_slice %arg4[%add3A_132, %dma_start3A_135] : memref<163840x128xf32, #tpu.memory_space<hbm>> -> memref<80x128xf32, #tpu.memory_space<hbm>>
      tpu.enqueue_dma source(%arg9 : memref<80x128xf32, #tpu.memory_space<vmem>>) target(%dma_start3A_136 : memref<80x128xf32, #tpu.memory_space<hbm>>) target_semaphore(%arg17 : memref<!tpu.dma_semaphore, #tpu.memory_space<semaphore_mem>>)
      %mul3A_137 = arith.constant 80 : i32
      %mul3A_138 = arith.muli %add3A_123, %mul3A_137 : i32
      %add3A_139 = arith.addi %mul3A_2, %mul3A_138 : i32
      %dma_wait3A_140 = arith.constant 0 : i32
      %dma_wait3A_141 = tpu.memref_slice %arg4[%add3A_139, %dma_wait3A_140] : memref<163840x128xf32, #tpu.memory_space<hbm>> -> memref<80x128xf32, #tpu.memory_space<hbm>>
      %dma_wait3A_142 = arith.constant 0 : i32
      %dma_wait3A_143 = tpu.memref_slice %arg4[%add3A_139, %dma_wait3A_142] : memref<163840x128xf32, #tpu.memory_space<hbm>> -> memref<80x128xf32, #tpu.memory_space<hbm>>
      tpu.wait_dma2 semaphore(%arg17 : memref<!tpu.dma_semaphore, #tpu.memory_space<semaphore_mem>>) src(%arg9 : memref<80x128xf32, #tpu.memory_space<vmem>>) dst(%dma_wait3A_143 : memref<80x128xf32, #tpu.memory_space<hbm>>)
      %add3A_144 = arith.constant 4 : i32
      %add3A_145 = arith.addi %add3A_123, %add3A_144 : i32
      %lt3A_146 = arith.constant 64 : i32
      %lt3A_147 = arith.cmpi slt, %add3A_145, %lt3A_146 : i32
      %convert_element_type3A_148 = arith.extui %lt3A_147 : i1 to i32
      %cond3A_149 = arith.constant 0 : i32
      %cond3A_150 = arith.cmpi ne, %convert_element_type3A_148, %cond3A_149 : i32
      scf.if %cond3A_150 {
        %mul3A_151 = arith.constant 80 : i32
        %mul3A_152 = arith.muli %add3A_145, %mul3A_151 : i32
        %dma_start3A_153 = tpu.memref_slice %arg5[%mul3A_152] : memref<5120xi32, #tpu.memory_space<vmem>> -> memref<80xi32, #tpu.memory_space<vmem>>
        %dma_start3A_154 = arith.constant 0 : i32
        %dma_start3A_155 = arith.constant 0 : i32
        %dma_start3A_156 = tpu.memref_slice %arg2[%dma_start3A_154, %dma_start3A_155] : memref<8192x128xf32, #tpu.memory_space<hbm>> -> memref<8192x128xf32, #tpu.memory_space<hbm>>
        tpu.enqueue_indirect_dma source(%dma_start3A_156 : memref<8192x128xf32, #tpu.memory_space<hbm>>) target(%arg9 : memref<80x128xf32, #tpu.memory_space<vmem>>) offsets(%dma_start3A_153 : memref<80xi32, #tpu.memory_space<vmem>>) semaphore(%arg13 : memref<!tpu.dma_semaphore, #tpu.memory_space<semaphore_mem>>)
      } else {
      }
    }
    %scan3A_25 = arith.constant 16 : i32
    return
  }
}

#map = affine_map<(d0, d1) -> (0, 0)>
#map1 = affine_map<(d0, d1) -> (0)>
module attributes {stable_mosaic.version = 14 : i64} {
  func.func @gk(%arg0: i32, %arg1: i32, %arg2: memref<8192x128xf32, #tpu.memory_space<hbm>>, %arg3: memref<163840xi32, #tpu.memory_space<hbm>>, %arg4: memref<163840x128xf32, #tpu.memory_space<hbm>>, %arg5: memref<5120xi32, #tpu.memory_space<vmem>>, %arg6: memref<80x128xf32, #tpu.memory_space<vmem>>, %arg7: memref<80x128xf32, #tpu.memory_space<vmem>>, %arg8: memref<80x128xf32, #tpu.memory_space<vmem>>, %arg9: memref<80x128xf32, #tpu.memory_space<vmem>>, %arg10: memref<!tpu.dma_semaphore, #tpu.memory_space<semaphore_mem>>, %arg11: memref<!tpu.dma_semaphore, #tpu.memory_space<semaphore_mem>>, %arg12: memref<!tpu.dma_semaphore, #tpu.memory_space<semaphore_mem>>, %arg13: memref<!tpu.dma_semaphore, #tpu.memory_space<semaphore_mem>>, %arg14: memref<!tpu.dma_semaphore, #tpu.memory_space<semaphore_mem>>, %arg15: memref<!tpu.dma_semaphore, #tpu.memory_space<semaphore_mem>>, %arg16: memref<!tpu.dma_semaphore, #tpu.memory_space<semaphore_mem>>, %arg17: memref<!tpu.dma_semaphore, #tpu.memory_space<semaphore_mem>>) attributes {dimension_semantics = [#tpu.dimension_semantics<core_parallel>, #tpu.dimension_semantics<subcore_parallel>], iteration_bounds = array<i64: 2, 16>, scalar_prefetch = 0 : i64, scratch_operands = 13 : i64, tpu.core_type = #tpu.core_type<sc_vector_subcore>, window_params = [{transform_indices = #map}, {transform_indices = #map1}, {transform_indices = #map}]} {
    %mul3A = arith.constant 2 : i32
    %mul3A_0 = arith.muli %arg1, %mul3A : i32
    %add3A = arith.addi %mul3A_0, %arg0 : i32
    %mul3A_1 = arith.constant 5120 : i32
    %mul3A_2 = arith.muli %add3A, %mul3A_1 : i32
    "tpu.region"() ({
      %run_scoped3A = tpu.sem_alloc : memref<!tpu.dma_semaphore, #tpu.memory_space<semaphore_mem>>
      %dma_start3A_26 = tpu.memref_slice %arg3[%mul3A_2] : memref<163840xi32, #tpu.memory_space<hbm>> -> memref<5120xi32, #tpu.memory_space<hbm>>
      %dma_start3A_27 = tpu.memref_slice %arg3[%mul3A_2] : memref<163840xi32, #tpu.memory_space<hbm>> -> memref<5120xi32, #tpu.memory_space<hbm>>
      tpu.enqueue_dma source(%dma_start3A_27 : memref<5120xi32, #tpu.memory_space<hbm>>) target(%arg5 : memref<5120xi32, #tpu.memory_space<vmem>>) target_semaphore(%run_scoped3A : memref<!tpu.dma_semaphore, #tpu.memory_space<semaphore_mem>>)
      %dma_wait3A = tpu.memref_slice %arg3[%mul3A_2] : memref<163840xi32, #tpu.memory_space<hbm>> -> memref<5120xi32, #tpu.memory_space<hbm>>
      %dma_wait3A_28 = tpu.memref_slice %arg3[%mul3A_2] : memref<163840xi32, #tpu.memory_space<hbm>> -> memref<5120xi32, #tpu.memory_space<hbm>>
      tpu.wait_dma2 semaphore(%run_scoped3A : memref<!tpu.dma_semaphore, #tpu.memory_space<semaphore_mem>>) src(%dma_wait3A_28 : memref<5120xi32, #tpu.memory_space<hbm>>) dst(%arg5 : memref<5120xi32, #tpu.memory_space<vmem>>)
      tpu.yield
    }) : () -> ()
    %dma_start3A = arith.constant 0 : i32
    %dma_start3A_3 = tpu.memref_slice %arg5[%dma_start3A] : memref<5120xi32, #tpu.memory_space<vmem>> -> memref<80xi32, #tpu.memory_space<vmem>>
    %dma_start3A_4 = arith.constant 0 : i32
    %dma_start3A_5 = arith.constant 0 : i32
    %dma_start3A_6 = tpu.memref_slice %arg2[%dma_start3A_4, %dma_start3A_5] : memref<8192x128xf32, #tpu.memory_space<hbm>> -> memref<8192x128xf32, #tpu.memory_space<hbm>>
    tpu.enqueue_indirect_dma source(%dma_start3A_6 : memref<8192x128xf32, #tpu.memory_space<hbm>>) target(%arg6 : memref<80x128xf32, #tpu.memory_space<vmem>>) offsets(%dma_start3A_3 : memref<80xi32, #tpu.memory_space<vmem>>) semaphore(%arg10 : memref<!tpu.dma_semaphore, #tpu.memory_space<semaphore_mem>>)
    %dma_start3A_7 = arith.constant 80 : i32
    %dma_start3A_8 = tpu.memref_slice %arg5[%dma_start3A_7] : memref<5120xi32, #tpu.memory_space<vmem>> -> memref<80xi32, #tpu.memory_space<vmem>>
    %dma_start3A_9 = arith.constant 0 : i32
    %dma_start3A_10 = arith.constant 0 : i32
    %dma_start3A_11 = tpu.memref_slice %arg2[%dma_start3A_9, %dma_start3A_10] : memref<8192x128xf32, #tpu.memory_space<hbm>> -> memref<8192x128xf32, #tpu.memory_space<hbm>>
    tpu.enqueue_indirect_dma source(%dma_start3A_11 : memref<8192x128xf32, #tpu.memory_space<hbm>>) target(%arg7 : memref<80x128xf32, #tpu.memory_space<vmem>>) offsets(%dma_start3A_8 : memref<80xi32, #tpu.memory_space<vmem>>) semaphore(%arg11 : memref<!tpu.dma_semaphore, #tpu.memory_space<semaphore_mem>>)
    %dma_start3A_12 = arith.constant 160 : i32
    %dma_start3A_13 = tpu.memref_slice %arg5[%dma_start3A_12] : memref<5120xi32, #tpu.memory_space<vmem>> -> memref<80xi32, #tpu.memory_space<vmem>>
    %dma_start3A_14 = arith.constant 0 : i32
    %dma_start3A_15 = arith.constant 0 : i32
    %dma_start3A_16 = tpu.memref_slice %arg2[%dma_start3A_14, %dma_start3A_15] : memref<8192x128xf32, #tpu.memory_space<hbm>> -> memref<8192x128xf32, #tpu.memory_space<hbm>>
    tpu.enqueue_indirect_dma source(%dma_start3A_16 : memref<8192x128xf32, #tpu.memory_space<hbm>>) target(%arg8 : memref<80x128xf32, #tpu.memory_space<vmem>>) offsets(%dma_start3A_13 : memref<80xi32, #tpu.memory_space<vmem>>) semaphore(%arg12 : memref<!tpu.dma_semaphore, #tpu.memory_space<semaphore_mem>>)
    %dma_start3A_17 = arith.constant 240 : i32
    %dma_start3A_18 = tpu.memref_slice %arg5[%dma_start3A_17] : memref<5120xi32, #tpu.memory_space<vmem>> -> memref<80xi32, #tpu.memory_space<vmem>>
    %dma_start3A_19 = arith.constant 0 : i32
    %dma_start3A_20 = arith.constant 0 : i32
    %dma_start3A_21 = tpu.memref_slice %arg2[%dma_start3A_19, %dma_start3A_20] : memref<8192x128xf32, #tpu.memory_space<hbm>> -> memref<8192x128xf32, #tpu.memory_space<hbm>>
    tpu.enqueue_indirect_dma source(%dma_start3A_21 : memref<8192x128xf32, #tpu.memory_space<hbm>>) target(%arg9 : memref<80x128xf32, #tpu.memory_space<vmem>>) offsets(%dma_start3A_18 : memref<80xi32, #tpu.memory_space<vmem>>) semaphore(%arg13 : memref<!tpu.dma_semaphore, #tpu.memory_space<semaphore_mem>>)
    %scan3A = arith.constant 0 : i32
    %scan3A_22 = arith.constant 16 : i32
    %scan3A_23 = arith.addi %scan3A, %scan3A_22 : i32
    %scan3A_24 = arith.constant 1 : i32
    scf.for %scan3A_26 = %scan3A to %scan3A_23 step %scan3A_24  : i32 {
      %mul3A_27 = arith.constant 1 : i32
      %mul3A_28 = arith.muli %scan3A_26, %mul3A_27 : i32
      %add3A_29 = arith.constant 0 : i32
      %add3A_30 = arith.addi %add3A_29, %mul3A_28 : i32
      %mul3A_31 = arith.constant 4 : i32
      %mul3A_32 = arith.muli %add3A_30, %mul3A_31 : i32
      %add3A_33 = arith.constant 0 : i32
      %add3A_34 = arith.addi %mul3A_32, %add3A_33 : i32
      %mul3A_35 = arith.constant 80 : i32
      %mul3A_36 = arith.muli %add3A_34, %mul3A_35 : i32
      %dma_wait3A = tpu.memref_slice %arg5[%mul3A_36] : memref<5120xi32, #tpu.memory_space<vmem>> -> memref<80xi32, #tpu.memory_space<vmem>>
      %dma_wait3A_37 = arith.constant 0 : i32
      %dma_wait3A_38 = arith.constant 0 : i32
      %dma_wait3A_39 = tpu.memref_slice %arg2[%dma_wait3A_37, %dma_wait3A_38] : memref<8192x128xf32, #tpu.memory_space<hbm>> -> memref<8192x128xf32, #tpu.memory_space<hbm>>
      tpu.wait_indirect_dma semaphore(%arg10 : memref<!tpu.dma_semaphore, #tpu.memory_space<semaphore_mem>>) src(%dma_wait3A_39 : memref<8192x128xf32, #tpu.memory_space<hbm>>) dst(%arg6 : memref<80x128xf32, #tpu.memory_space<vmem>>)
      %mul3A_40 = arith.constant 80 : i32
      %mul3A_41 = arith.muli %add3A_34, %mul3A_40 : i32
      %add3A_42 = arith.addi %mul3A_2, %mul3A_41 : i32
      %dma_start3A_43 = arith.constant 0 : i32
      %dma_start3A_44 = tpu.memref_slice %arg4[%add3A_42, %dma_start3A_43] : memref<163840x128xf32, #tpu.memory_space<hbm>> -> memref<80x128xf32, #tpu.memory_space<hbm>>
      %dma_start3A_45 = arith.constant 0 : i32
      %dma_start3A_46 = tpu.memref_slice %arg4[%add3A_42, %dma_start3A_45] : memref<163840x128xf32, #tpu.memory_space<hbm>> -> memref<80x128xf32, #tpu.memory_space<hbm>>
      tpu.enqueue_dma source(%arg6 : memref<80x128xf32, #tpu.memory_space<vmem>>) target(%dma_start3A_46 : memref<80x128xf32, #tpu.memory_space<hbm>>) target_semaphore(%arg14 : memref<!tpu.dma_semaphore, #tpu.memory_space<semaphore_mem>>)
      %mul3A_47 = arith.constant 80 : i32
      %mul3A_48 = arith.muli %add3A_34, %mul3A_47 : i32
      %add3A_49 = arith.addi %mul3A_2, %mul3A_48 : i32
      %dma_wait3A_50 = arith.constant 0 : i32
      %dma_wait3A_51 = tpu.memref_slice %arg4[%add3A_49, %dma_wait3A_50] : memref<163840x128xf32, #tpu.memory_space<hbm>> -> memref<80x128xf32, #tpu.memory_space<hbm>>
      %dma_wait3A_52 = arith.constant 0 : i32
      %dma_wait3A_53 = tpu.memref_slice %arg4[%add3A_49, %dma_wait3A_52] : memref<163840x128xf32, #tpu.memory_space<hbm>> -> memref<80x128xf32, #tpu.memory_space<hbm>>
      tpu.wait_dma2 semaphore(%arg14 : memref<!tpu.dma_semaphore, #tpu.memory_space<semaphore_mem>>) src(%arg6 : memref<80x128xf32, #tpu.memory_space<vmem>>) dst(%dma_wait3A_53 : memref<80x128xf32, #tpu.memory_space<hbm>>)
      %add3A_54 = arith.constant 4 : i32
      %add3A_55 = arith.addi %add3A_34, %add3A_54 : i32
      %lt3A = arith.constant 64 : i32
      %lt3A_56 = arith.cmpi slt, %add3A_55, %lt3A : i32
      %convert_element_type3A = arith.extui %lt3A_56 : i1 to i32
      %cond3A = arith.constant 0 : i32
      %cond3A_57 = arith.cmpi ne, %convert_element_type3A, %cond3A : i32
      scf.if %cond3A_57 {
        %mul3A_151 = arith.constant 80 : i32
        %mul3A_152 = arith.muli %add3A_55, %mul3A_151 : i32
        %dma_start3A_153 = tpu.memref_slice %arg5[%mul3A_152] : memref<5120xi32, #tpu.memory_space<vmem>> -> memref<80xi32, #tpu.memory_space<vmem>>
        %dma_start3A_154 = arith.constant 0 : i32
        %dma_start3A_155 = arith.constant 0 : i32
        %dma_start3A_156 = tpu.memref_slice %arg2[%dma_start3A_154, %dma_start3A_155] : memref<8192x128xf32, #tpu.memory_space<hbm>> -> memref<8192x128xf32, #tpu.memory_space<hbm>>
        tpu.enqueue_indirect_dma source(%dma_start3A_156 : memref<8192x128xf32, #tpu.memory_space<hbm>>) target(%arg6 : memref<80x128xf32, #tpu.memory_space<vmem>>) offsets(%dma_start3A_153 : memref<80xi32, #tpu.memory_space<vmem>>) semaphore(%arg10 : memref<!tpu.dma_semaphore, #tpu.memory_space<semaphore_mem>>)
      } else {
      }
      %mul3A_58 = arith.constant 4 : i32
      %mul3A_59 = arith.muli %add3A_30, %mul3A_58 : i32
      %add3A_60 = arith.constant 1 : i32
      %add3A_61 = arith.addi %mul3A_59, %add3A_60 : i32
      %mul3A_62 = arith.constant 80 : i32
      %mul3A_63 = arith.muli %add3A_61, %mul3A_62 : i32
      %dma_wait3A_64 = tpu.memref_slice %arg5[%mul3A_63] : memref<5120xi32, #tpu.memory_space<vmem>> -> memref<80xi32, #tpu.memory_space<vmem>>
      %dma_wait3A_65 = arith.constant 0 : i32
      %dma_wait3A_66 = arith.constant 0 : i32
      %dma_wait3A_67 = tpu.memref_slice %arg2[%dma_wait3A_65, %dma_wait3A_66] : memref<8192x128xf32, #tpu.memory_space<hbm>> -> memref<8192x128xf32, #tpu.memory_space<hbm>>
      tpu.wait_indirect_dma semaphore(%arg11 : memref<!tpu.dma_semaphore, #tpu.memory_space<semaphore_mem>>) src(%dma_wait3A_67 : memref<8192x128xf32, #tpu.memory_space<hbm>>) dst(%arg7 : memref<80x128xf32, #tpu.memory_space<vmem>>)
      %mul3A_68 = arith.constant 80 : i32
      %mul3A_69 = arith.muli %add3A_61, %mul3A_68 : i32
      %add3A_70 = arith.addi %mul3A_2, %mul3A_69 : i32
      %dma_start3A_71 = arith.constant 0 : i32
      %dma_start3A_72 = tpu.memref_slice %arg4[%add3A_70, %dma_start3A_71] : memref<163840x128xf32, #tpu.memory_space<hbm>> -> memref<80x128xf32, #tpu.memory_space<hbm>>
      %dma_start3A_73 = arith.constant 0 : i32
      %dma_start3A_74 = tpu.memref_slice %arg4[%add3A_70, %dma_start3A_73] : memref<163840x128xf32, #tpu.memory_space<hbm>> -> memref<80x128xf32, #tpu.memory_space<hbm>>
      tpu.enqueue_dma source(%arg7 : memref<80x128xf32, #tpu.memory_space<vmem>>) target(%dma_start3A_74 : memref<80x128xf32, #tpu.memory_space<hbm>>) target_semaphore(%arg15 : memref<!tpu.dma_semaphore, #tpu.memory_space<semaphore_mem>>)
      %mul3A_75 = arith.constant 80 : i32
      %mul3A_76 = arith.muli %add3A_61, %mul3A_75 : i32
      %add3A_77 = arith.addi %mul3A_2, %mul3A_76 : i32
      %dma_wait3A_78 = arith.constant 0 : i32
      %dma_wait3A_79 = tpu.memref_slice %arg4[%add3A_77, %dma_wait3A_78] : memref<163840x128xf32, #tpu.memory_space<hbm>> -> memref<80x128xf32, #tpu.memory_space<hbm>>
      %dma_wait3A_80 = arith.constant 0 : i32
      %dma_wait3A_81 = tpu.memref_slice %arg4[%add3A_77, %dma_wait3A_80] : memref<163840x128xf32, #tpu.memory_space<hbm>> -> memref<80x128xf32, #tpu.memory_space<hbm>>
      tpu.wait_dma2 semaphore(%arg15 : memref<!tpu.dma_semaphore, #tpu.memory_space<semaphore_mem>>) src(%arg7 : memref<80x128xf32, #tpu.memory_space<vmem>>) dst(%dma_wait3A_81 : memref<80x128xf32, #tpu.memory_space<hbm>>)
      %add3A_82 = arith.constant 4 : i32
      %add3A_83 = arith.addi %add3A_61, %add3A_82 : i32
      %lt3A_84 = arith.constant 64 : i32
      %lt3A_85 = arith.cmpi slt, %add3A_83, %lt3A_84 : i32
      %convert_element_type3A_86 = arith.extui %lt3A_85 : i1 to i32
      %cond3A_87 = arith.constant 0 : i32
      %cond3A_88 = arith.cmpi ne, %convert_element_type3A_86, %cond3A_87 : i32
      scf.if %cond3A_88 {
        %mul3A_151 = arith.constant 80 : i32
        %mul3A_152 = arith.muli %add3A_83, %mul3A_151 : i32
        %dma_start3A_153 = tpu.memref_slice %arg5[%mul3A_152] : memref<5120xi32, #tpu.memory_space<vmem>> -> memref<80xi32, #tpu.memory_space<vmem>>
        %dma_start3A_154 = arith.constant 0 : i32
        %dma_start3A_155 = arith.constant 0 : i32
        %dma_start3A_156 = tpu.memref_slice %arg2[%dma_start3A_154, %dma_start3A_155] : memref<8192x128xf32, #tpu.memory_space<hbm>> -> memref<8192x128xf32, #tpu.memory_space<hbm>>
        tpu.enqueue_indirect_dma source(%dma_start3A_156 : memref<8192x128xf32, #tpu.memory_space<hbm>>) target(%arg7 : memref<80x128xf32, #tpu.memory_space<vmem>>) offsets(%dma_start3A_153 : memref<80xi32, #tpu.memory_space<vmem>>) semaphore(%arg11 : memref<!tpu.dma_semaphore, #tpu.memory_space<semaphore_mem>>)
      } else {
      }
      %mul3A_89 = arith.constant 4 : i32
      %mul3A_90 = arith.muli %add3A_30, %mul3A_89 : i32
      %add3A_91 = arith.constant 2 : i32
      %add3A_92 = arith.addi %mul3A_90, %add3A_91 : i32
      %mul3A_93 = arith.constant 80 : i32
      %mul3A_94 = arith.muli %add3A_92, %mul3A_93 : i32
      %dma_wait3A_95 = tpu.memref_slice %arg5[%mul3A_94] : memref<5120xi32, #tpu.memory_space<vmem>> -> memref<80xi32, #tpu.memory_space<vmem>>
      %dma_wait3A_96 = arith.constant 0 : i32
      %dma_wait3A_97 = arith.constant 0 : i32
      %dma_wait3A_98 = tpu.memref_slice %arg2[%dma_wait3A_96, %dma_wait3A_97] : memref<8192x128xf32, #tpu.memory_space<hbm>> -> memref<8192x128xf32, #tpu.memory_space<hbm>>
      tpu.wait_indirect_dma semaphore(%arg12 : memref<!tpu.dma_semaphore, #tpu.memory_space<semaphore_mem>>) src(%dma_wait3A_98 : memref<8192x128xf32, #tpu.memory_space<hbm>>) dst(%arg8 : memref<80x128xf32, #tpu.memory_space<vmem>>)
      %mul3A_99 = arith.constant 80 : i32
      %mul3A_100 = arith.muli %add3A_92, %mul3A_99 : i32
      %add3A_101 = arith.addi %mul3A_2, %mul3A_100 : i32
      %dma_start3A_102 = arith.constant 0 : i32
      %dma_start3A_103 = tpu.memref_slice %arg4[%add3A_101, %dma_start3A_102] : memref<163840x128xf32, #tpu.memory_space<hbm>> -> memref<80x128xf32, #tpu.memory_space<hbm>>
      %dma_start3A_104 = arith.constant 0 : i32
      %dma_start3A_105 = tpu.memref_slice %arg4[%add3A_101, %dma_start3A_104] : memref<163840x128xf32, #tpu.memory_space<hbm>> -> memref<80x128xf32, #tpu.memory_space<hbm>>
      tpu.enqueue_dma source(%arg8 : memref<80x128xf32, #tpu.memory_space<vmem>>) target(%dma_start3A_105 : memref<80x128xf32, #tpu.memory_space<hbm>>) target_semaphore(%arg16 : memref<!tpu.dma_semaphore, #tpu.memory_space<semaphore_mem>>)
      %mul3A_106 = arith.constant 80 : i32
      %mul3A_107 = arith.muli %add3A_92, %mul3A_106 : i32
      %add3A_108 = arith.addi %mul3A_2, %mul3A_107 : i32
      %dma_wait3A_109 = arith.constant 0 : i32
      %dma_wait3A_110 = tpu.memref_slice %arg4[%add3A_108, %dma_wait3A_109] : memref<163840x128xf32, #tpu.memory_space<hbm>> -> memref<80x128xf32, #tpu.memory_space<hbm>>
      %dma_wait3A_111 = arith.constant 0 : i32
      %dma_wait3A_112 = tpu.memref_slice %arg4[%add3A_108, %dma_wait3A_111] : memref<163840x128xf32, #tpu.memory_space<hbm>> -> memref<80x128xf32, #tpu.memory_space<hbm>>
      tpu.wait_dma2 semaphore(%arg16 : memref<!tpu.dma_semaphore, #tpu.memory_space<semaphore_mem>>) src(%arg8 : memref<80x128xf32, #tpu.memory_space<vmem>>) dst(%dma_wait3A_112 : memref<80x128xf32, #tpu.memory_space<hbm>>)
      %add3A_113 = arith.constant 4 : i32
      %add3A_114 = arith.addi %add3A_92, %add3A_113 : i32
      %lt3A_115 = arith.constant 64 : i32
      %lt3A_116 = arith.cmpi slt, %add3A_114, %lt3A_115 : i32
      %convert_element_type3A_117 = arith.extui %lt3A_116 : i1 to i32
      %cond3A_118 = arith.constant 0 : i32
      %cond3A_119 = arith.cmpi ne, %convert_element_type3A_117, %cond3A_118 : i32
      scf.if %cond3A_119 {
        %mul3A_151 = arith.constant 80 : i32
        %mul3A_152 = arith.muli %add3A_114, %mul3A_151 : i32
        %dma_start3A_153 = tpu.memref_slice %arg5[%mul3A_152] : memref<5120xi32, #tpu.memory_space<vmem>> -> memref<80xi32, #tpu.memory_space<vmem>>
        %dma_start3A_154 = arith.constant 0 : i32
        %dma_start3A_155 = arith.constant 0 : i32
        %dma_start3A_156 = tpu.memref_slice %arg2[%dma_start3A_154, %dma_start3A_155] : memref<8192x128xf32, #tpu.memory_space<hbm>> -> memref<8192x128xf32, #tpu.memory_space<hbm>>
        tpu.enqueue_indirect_dma source(%dma_start3A_156 : memref<8192x128xf32, #tpu.memory_space<hbm>>) target(%arg8 : memref<80x128xf32, #tpu.memory_space<vmem>>) offsets(%dma_start3A_153 : memref<80xi32, #tpu.memory_space<vmem>>) semaphore(%arg12 : memref<!tpu.dma_semaphore, #tpu.memory_space<semaphore_mem>>)
      } else {
      }
      %mul3A_120 = arith.constant 4 : i32
      %mul3A_121 = arith.muli %add3A_30, %mul3A_120 : i32
      %add3A_122 = arith.constant 3 : i32
      %add3A_123 = arith.addi %mul3A_121, %add3A_122 : i32
      %mul3A_124 = arith.constant 80 : i32
      %mul3A_125 = arith.muli %add3A_123, %mul3A_124 : i32
      %dma_wait3A_126 = tpu.memref_slice %arg5[%mul3A_125] : memref<5120xi32, #tpu.memory_space<vmem>> -> memref<80xi32, #tpu.memory_space<vmem>>
      %dma_wait3A_127 = arith.constant 0 : i32
      %dma_wait3A_128 = arith.constant 0 : i32
      %dma_wait3A_129 = tpu.memref_slice %arg2[%dma_wait3A_127, %dma_wait3A_128] : memref<8192x128xf32, #tpu.memory_space<hbm>> -> memref<8192x128xf32, #tpu.memory_space<hbm>>
      tpu.wait_indirect_dma semaphore(%arg13 : memref<!tpu.dma_semaphore, #tpu.memory_space<semaphore_mem>>) src(%dma_wait3A_129 : memref<8192x128xf32, #tpu.memory_space<hbm>>) dst(%arg9 : memref<80x128xf32, #tpu.memory_space<vmem>>)
      %mul3A_130 = arith.constant 80 : i32
      %mul3A_131 = arith.muli %add3A_123, %mul3A_130 : i32
      %add3A_132 = arith.addi %mul3A_2, %mul3A_131 : i32
      %dma_start3A_133 = arith.constant 0 : i32
      %dma_start3A_134 = tpu.memref_slice %arg4[%add3A_132, %dma_start3A_133] : memref<163840x128xf32, #tpu.memory_space<hbm>> -> memref<80x128xf32, #tpu.memory_space<hbm>>
      %dma_start3A_135 = arith.constant 0 : i32
      %dma_start3A_136 = tpu.memref_slice %arg4[%add3A_132, %dma_start3A_135] : memref<163840x128xf32, #tpu.memory_space<hbm>> -> memref<80x128xf32, #tpu.memory_space<hbm>>
      tpu.enqueue_dma source(%arg9 : memref<80x128xf32, #tpu.memory_space<vmem>>) target(%dma_start3A_136 : memref<80x128xf32, #tpu.memory_space<hbm>>) target_semaphore(%arg17 : memref<!tpu.dma_semaphore, #tpu.memory_space<semaphore_mem>>)
      %mul3A_137 = arith.constant 80 : i32
      %mul3A_138 = arith.muli %add3A_123, %mul3A_137 : i32
      %add3A_139 = arith.addi %mul3A_2, %mul3A_138 : i32
      %dma_wait3A_140 = arith.constant 0 : i32
      %dma_wait3A_141 = tpu.memref_slice %arg4[%add3A_139, %dma_wait3A_140] : memref<163840x128xf32, #tpu.memory_space<hbm>> -> memref<80x128xf32, #tpu.memory_space<hbm>>
      %dma_wait3A_142 = arith.constant 0 : i32
      %dma_wait3A_143 = tpu.memref_slice %arg4[%add3A_139, %dma_wait3A_142] : memref<163840x128xf32, #tpu.memory_space<hbm>> -> memref<80x128xf32, #tpu.memory_space<hbm>>
      tpu.wait_dma2 semaphore(%arg17 : memref<!tpu.dma_semaphore, #tpu.memory_space<semaphore_mem>>) src(%arg9 : memref<80x128xf32, #tpu.memory_space<vmem>>) dst(%dma_wait3A_143 : memref<80x128xf32, #tpu.memory_space<hbm>>)
      %add3A_144 = arith.constant 4 : i32
      %add3A_145 = arith.addi %add3A_123, %add3A_144 : i32
      %lt3A_146 = arith.constant 64 : i32
      %lt3A_147 = arith.cmpi slt, %add3A_145, %lt3A_146 : i32
      %convert_element_type3A_148 = arith.extui %lt3A_147 : i1 to i32
      %cond3A_149 = arith.constant 0 : i32
      %cond3A_150 = arith.cmpi ne, %convert_element_type3A_148, %cond3A_149 : i32
      scf.if %cond3A_150 {
        %mul3A_151 = arith.constant 80 : i32
        %mul3A_152 = arith.muli %add3A_145, %mul3A_151 : i32
        %dma_start3A_153 = tpu.memref_slice %arg5[%mul3A_152] : memref<5120xi32, #tpu.memory_space<vmem>> -> memref<80xi32, #tpu.memory_space<vmem>>
        %dma_start3A_154 = arith.constant 0 : i32
        %dma_start3A_155 = arith.constant 0 : i32
        %dma_start3A_156 = tpu.memref_slice %arg2[%dma_start3A_154, %dma_start3A_155] : memref<8192x128xf32, #tpu.memory_space<hbm>> -> memref<8192x128xf32, #tpu.memory_space<hbm>>
        tpu.enqueue_indirect_dma source(%dma_start3A_156 : memref<8192x128xf32, #tpu.memory_space<hbm>>) target(%arg9 : memref<80x128xf32, #tpu.memory_space<vmem>>) offsets(%dma_start3A_153 : memref<80xi32, #tpu.memory_space<vmem>>) semaphore(%arg13 : memref<!tpu.dma_semaphore, #tpu.memory_space<semaphore_mem>>)
      } else {
      }
    }
    %scan3A_25 = arith.constant 16 : i32
    return
  }
}

module attributes {stable_mosaic.version = 14 : i64} {
  func.func @_knn_body(%arg0: i32, %arg1: memref<2x1024x128xf32, #tpu.memory_space<vmem>>, %arg2: memref<2x1024x20xi32, #tpu.memory_space<vmem>>) attributes {dimension_semantics = [#tpu.dimension_semantics<arbitrary>], iteration_bounds = array<i64: 4>, scalar_prefetch = 0 : i64, scratch_operands = 0 : i64, tpu.core_type = #tpu.core_type<tc>, window_params = [{transform_indices = @transform_0, window_bounds = array<i64: 2, 1024, 128>}, {transform_indices = @transform_1, window_bounds = array<i64: 2, 1024, 20>}]} {
    %iota3A = tpu.iota {dimensions = array<i32: 1>} : vector<1024x1024xi32>
    %iota3A_0 = tpu.iota {dimensions = array<i32: 1>} : vector<1024x20xi32>
    %get3A = arith.constant 0 : index
    %get3A_1 = arith.constant 0 : index
    %get3A_2 = arith.constant 0 : index
    %get3A_3 = vector.load %arg1[%get3A, %get3A_1, %get3A_2] : memref<2x1024x128xf32, #tpu.memory_space<vmem>>, vector<1x1024x128xf32>
    %get3A_4 = vector.shape_cast %get3A_3 : vector<1x1024x128xf32> to vector<1024x128xf32>
    %slice3A = vector.extract_strided_slice %get3A_4 {offsets = [0, 0], sizes = [1024, 3], strides = [1, 1]} : vector<1024x128xf32> to vector<1024x3xf32>
    %convert_element_type3A = arith.truncf %slice3A : vector<1024x3xf32> to vector<1024x3xbf16>
    %convert_element_type3A_5 = arith.truncf %slice3A : vector<1024x3xf32> to vector<1024x3xbf16>
    %dot_general3A = arith.constant dense<0.000000e+00> : vector<1024x1024xf32>
    %dot_general3A_6 = tpu.matmul %convert_element_type3A, %convert_element_type3A_5, %dot_general3A {dimension_numbers = #tpu.dot_dimension_numbers<[1], [1], [0], [0], [0, 0, 1, 0], [], []>, transpose_lhs_hint = false} : vector<1024x3xbf16>, vector<1024x3xbf16>, vector<1024x1024xf32> -> vector<1024x1024xf32>
    %mul3A = arith.constant -2.000000e+00 : f32
    %mul3A_7 = vector.broadcast %mul3A : f32 to vector<1024x1024xf32>
    %mul3A_8 = arith.mulf %mul3A_7, %dot_general3A_6 : vector<1024x1024xf32>
    %mul3A_9 = arith.mulf %slice3A, %slice3A : vector<1024x3xf32>
    %reduce_sum3A = arith.constant dense<0.000000e+00> : vector<1024xf32>
    %reduce_sum3A_10 = vector.multi_reduction <add>, %mul3A_9, %reduce_sum3A [1] : vector<1024x3xf32> to vector<1024xf32>
    %broadcast_in_dim3A = vector.shape_cast %reduce_sum3A_10 : vector<1024xf32> to vector<1024x1xf32>
    %transpose3A = tpu.transpose %broadcast_in_dim3A, [1, 0] : vector<1024x1xf32> -> vector<1x1024xf32>
    %neg3A = arith.constant 0.000000e+00 : f32
    %neg3A_11 = vector.broadcast %neg3A : f32 to vector<1x1024xf32>
    %neg3A_12 = arith.subf %neg3A_11, %transpose3A : vector<1x1024xf32>
    %sub3A = vector.broadcast %neg3A_12 : vector<1x1024xf32> to vector<1024x1024xf32>
    %sub3A_13 = arith.subf %sub3A, %mul3A_8 : vector<1024x1024xf32>
    %sub3A_14 = vector.broadcast %broadcast_in_dim3A : vector<1024x1xf32> to vector<1024x1024xf32>
    %sub3A_15 = arith.subf %sub3A_13, %sub3A_14 : vector<1024x1024xf32>
    %broadcast_in_dim3A_16 = arith.constant 0 : i32
    %broadcast_in_dim3A_17 = vector.broadcast %broadcast_in_dim3A_16 : i32 to vector<1024x20xi32>
    %get3A_18 = arith.constant 1 : index
    %get3A_19 = arith.constant 0 : index
    %get3A_20 = arith.constant 0 : index
    %get3A_21 = vector.load %arg1[%get3A_18, %get3A_19, %get3A_20] : memref<2x1024x128xf32, #tpu.memory_space<vmem>>, vector<1x1024x128xf32>
    %get3A_22 = vector.shape_cast %get3A_21 : vector<1x1024x128xf32> to vector<1024x128xf32>
    %slice3A_23 = vector.extract_strided_slice %get3A_22 {offsets = [0, 0], sizes = [1024, 3], strides = [1, 1]} : vector<1024x128xf32> to vector<1024x3xf32>
    %convert_element_type3A_24 = arith.truncf %slice3A_23 : vector<1024x3xf32> to vector<1024x3xbf16>
    %convert_element_type3A_25 = arith.truncf %slice3A_23 : vector<1024x3xf32> to vector<1024x3xbf16>
    %dot_general3A_26 = arith.constant dense<0.000000e+00> : vector<1024x1024xf32>
    %dot_general3A_27 = tpu.matmul %convert_element_type3A_24, %convert_element_type3A_25, %dot_general3A_26 {dimension_numbers = #tpu.dot_dimension_numbers<[1], [1], [0], [0], [0, 0, 1, 0], [], []>, transpose_lhs_hint = false} : vector<1024x3xbf16>, vector<1024x3xbf16>, vector<1024x1024xf32> -> vector<1024x1024xf32>
    %mul3A_28 = arith.constant -2.000000e+00 : f32
    %mul3A_29 = vector.broadcast %mul3A_28 : f32 to vector<1024x1024xf32>
    %mul3A_30 = arith.mulf %mul3A_29, %dot_general3A_27 : vector<1024x1024xf32>
    %mul3A_31 = arith.mulf %slice3A_23, %slice3A_23 : vector<1024x3xf32>
    %reduce_sum3A_32 = arith.constant dense<0.000000e+00> : vector<1024xf32>
    %reduce_sum3A_33 = vector.multi_reduction <add>, %mul3A_31, %reduce_sum3A_32 [1] : vector<1024x3xf32> to vector<1024xf32>
    %broadcast_in_dim3A_34 = vector.shape_cast %reduce_sum3A_33 : vector<1024xf32> to vector<1024x1xf32>
    %transpose3A_35 = tpu.transpose %broadcast_in_dim3A_34, [1, 0] : vector<1024x1xf32> -> vector<1x1024xf32>
    %neg3A_36 = arith.constant 0.000000e+00 : f32
    %neg3A_37 = vector.broadcast %neg3A_36 : f32 to vector<1x1024xf32>
    %neg3A_38 = arith.subf %neg3A_37, %transpose3A_35 : vector<1x1024xf32>
    %sub3A_39 = vector.broadcast %neg3A_38 : vector<1x1024xf32> to vector<1024x1024xf32>
    %sub3A_40 = arith.subf %sub3A_39, %mul3A_30 : vector<1024x1024xf32>
    %sub3A_41 = vector.broadcast %broadcast_in_dim3A_34 : vector<1024x1xf32> to vector<1024x1024xf32>
    %sub3A_42 = arith.subf %sub3A_40, %sub3A_41 : vector<1024x1024xf32>
    %broadcast_in_dim3A_43 = arith.constant 0 : i32
    %broadcast_in_dim3A_44 = vector.broadcast %broadcast_in_dim3A_43 : i32 to vector<1024x20xi32>
    %scan3A = arith.constant 0 : i32
    %scan3A_45 = arith.constant 20 : i32
    %scan3A_46 = arith.addi %scan3A, %scan3A_45 : i32
    %scan3A_47 = arith.constant 1 : i32
    %scan3A_48:4 = scf.for %scan3A_76 = %scan3A to %scan3A_46 step %scan3A_47 iter_args(%scan3A_77 = %sub3A_15, %scan3A_78 = %sub3A_42, %scan3A_79 = %broadcast_in_dim3A_17, %scan3A_80 = %broadcast_in_dim3A_44) -> (vector<1024x1024xf32>, vector<1024x1024xf32>, vector<1024x20xi32>, vector<1024x20xi32>)  : i32 {
      %reduce_max3A = arith.constant dense<0xFF800000> : vector<1024xf32>
      %reduce_max3A_81 = vector.multi_reduction <maximumf>, %scan3A_77, %reduce_max3A [1] : vector<1024x1024xf32> to vector<1024xf32>
      %broadcast_in_dim3A_82 = vector.shape_cast %reduce_max3A_81 : vector<1024xf32> to vector<1024x1xf32>
      %ge3A = vector.broadcast %broadcast_in_dim3A_82 : vector<1024x1xf32> to vector<1024x1024xf32>
      %ge3A_83 = arith.cmpf oge, %scan3A_77, %ge3A : vector<1024x1024xf32>
      %jit3A = arith.constant 1024 : i32
      %broadcast_in_dim3A_84 = vector.broadcast %jit3A : i32 to vector<1024x1024xi32>
      %select_n3A = arith.select %ge3A_83, %iota3A, %broadcast_in_dim3A_84 : vector<1024x1024xi1>, vector<1024x1024xi32>
      %reduce_min3A = arith.constant dense<2147483647> : vector<1024xi32>
      %reduce_min3A_85 = vector.multi_reduction <minsi>, %select_n3A, %reduce_min3A [1] : vector<1024x1024xi32> to vector<1024xi32>
      %broadcast_in_dim3A_86 = vector.shape_cast %reduce_min3A_85 : vector<1024xi32> to vector<1024x1xi32>
      %eq3A = vector.broadcast %scan3A_76 : i32 to vector<1024x20xi32>
      %eq3A_87 = arith.cmpi eq, %iota3A_0, %eq3A : vector<1024x20xi32>
      %broadcast_in_dim3A_88 = vector.shape_cast %broadcast_in_dim3A_86 : vector<1024x1xi32> to vector<1024x1xi32>
      %broadcast_in_dim3A_89 = vector.broadcast %broadcast_in_dim3A_88 : vector<1024x1xi32> to vector<1024x20xi32>
      %select_n3A_90 = arith.select %eq3A_87, %broadcast_in_dim3A_89, %scan3A_79 : vector<1024x20xi1>, vector<1024x20xi32>
      %eq3A_91 = vector.broadcast %broadcast_in_dim3A_86 : vector<1024x1xi32> to vector<1024x1024xi32>
      %eq3A_92 = arith.cmpi eq, %iota3A, %eq3A_91 : vector<1024x1024xi32>
      %jit3A_93 = arith.constant -1.000000e+30 : f32
      %broadcast_in_dim3A_94 = vector.broadcast %jit3A_93 : f32 to vector<1024x1024xf32>
      %select_n3A_95 = arith.select %eq3A_92, %broadcast_in_dim3A_94, %scan3A_77 : vector<1024x1024xi1>, vector<1024x1024xf32>
      %reduce_max3A_96 = arith.constant dense<0xFF800000> : vector<1024xf32>
      %reduce_max3A_97 = vector.multi_reduction <maximumf>, %scan3A_78, %reduce_max3A_96 [1] : vector<1024x1024xf32> to vector<1024xf32>
      %broadcast_in_dim3A_98 = vector.shape_cast %reduce_max3A_97 : vector<1024xf32> to vector<1024x1xf32>
      %ge3A_99 = vector.broadcast %broadcast_in_dim3A_98 : vector<1024x1xf32> to vector<1024x1024xf32>
      %ge3A_100 = arith.cmpf oge, %scan3A_78, %ge3A_99 : vector<1024x1024xf32>
      %jit3A_101 = arith.constant 1024 : i32
      %broadcast_in_dim3A_102 = vector.broadcast %jit3A_101 : i32 to vector<1024x1024xi32>
      %select_n3A_103 = arith.select %ge3A_100, %iota3A, %broadcast_in_dim3A_102 : vector<1024x1024xi1>, vector<1024x1024xi32>
      %reduce_min3A_104 = arith.constant dense<2147483647> : vector<1024xi32>
      %reduce_min3A_105 = vector.multi_reduction <minsi>, %select_n3A_103, %reduce_min3A_104 [1] : vector<1024x1024xi32> to vector<1024xi32>
      %broadcast_in_dim3A_106 = vector.shape_cast %reduce_min3A_105 : vector<1024xi32> to vector<1024x1xi32>
      %eq3A_107 = vector.broadcast %scan3A_76 : i32 to vector<1024x20xi32>
      %eq3A_108 = arith.cmpi eq, %iota3A_0, %eq3A_107 : vector<1024x20xi32>
      %broadcast_in_dim3A_109 = vector.shape_cast %broadcast_in_dim3A_106 : vector<1024x1xi32> to vector<1024x1xi32>
      %broadcast_in_dim3A_110 = vector.broadcast %broadcast_in_dim3A_109 : vector<1024x1xi32> to vector<1024x20xi32>
      %select_n3A_111 = arith.select %eq3A_108, %broadcast_in_dim3A_110, %scan3A_80 : vector<1024x20xi1>, vector<1024x20xi32>
      %eq3A_112 = vector.broadcast %broadcast_in_dim3A_106 : vector<1024x1xi32> to vector<1024x1024xi32>
      %eq3A_113 = arith.cmpi eq, %iota3A, %eq3A_112 : vector<1024x1024xi32>
      %jit3A_114 = arith.constant -1.000000e+30 : f32
      %broadcast_in_dim3A_115 = vector.broadcast %jit3A_114 : f32 to vector<1024x1024xf32>
      %select_n3A_116 = arith.select %eq3A_113, %broadcast_in_dim3A_115, %scan3A_78 : vector<1024x1024xi1>, vector<1024x1024xf32>
      scf.yield %select_n3A_95, %select_n3A_116, %select_n3A_90, %select_n3A_111 : vector<1024x1024xf32>, vector<1024x1024xf32>, vector<1024x20xi32>, vector<1024x20xi32>
    }
    %scan3A_49 = arith.constant 20 : i32
    %mul3A_50 = arith.constant 2 : i32
    %mul3A_51 = arith.muli %arg0, %mul3A_50 : i32
    %add3A = arith.constant 0 : i32
    %add3A_52 = arith.addi %mul3A_51, %add3A : i32
    %mul3A_53 = arith.constant 1024 : i32
    %mul3A_54 = arith.muli %add3A_52, %mul3A_53 : i32
    %add3A_55 = vector.broadcast %mul3A_54 : i32 to vector<1024x20xi32>
    %add3A_56 = arith.addi %scan3A_48#2, %add3A_55 : vector<1024x20xi32>
    %swap3A = arith.constant 0 : index
    %swap3A_57 = arith.constant 0 : index
    %swap3A_58 = arith.constant 0 : index
    %swap3A_59 = vector.load %arg2[%swap3A, %swap3A_57, %swap3A_58] : memref<2x1024x20xi32, #tpu.memory_space<vmem>>, vector<1x1024x20xi32>
    %swap3A_60 = vector.shape_cast %swap3A_59 : vector<1x1024x20xi32> to vector<1024x20xi32>
    %swap3A_61 = vector.shape_cast %add3A_56 : vector<1024x20xi32> to vector<1x1024x20xi32>
    tpu.vector_store %arg2[%swap3A, %swap3A_57, %swap3A_58], %swap3A_61 {strides = array<i32>} : memref<2x1024x20xi32, #tpu.memory_space<vmem>>, vector<1x1024x20xi32>,
    %mul3A_62 = arith.constant 2 : i32
    %mul3A_63 = arith.muli %arg0, %mul3A_62 : i32
    %add3A_64 = arith.constant 1 : i32
    %add3A_65 = arith.addi %mul3A_63, %add3A_64 : i32
    %mul3A_66 = arith.constant 1024 : i32
    %mul3A_67 = arith.muli %add3A_65, %mul3A_66 : i32
    %add3A_68 = vector.broadcast %mul3A_67 : i32 to vector<1024x20xi32>
    %add3A_69 = arith.addi %scan3A_48#3, %add3A_68 : vector<1024x20xi32>
    %swap3A_70 = arith.constant 1 : index
    %swap3A_71 = arith.constant 0 : index
    %swap3A_72 = arith.constant 0 : index
    %swap3A_73 = vector.load %arg2[%swap3A_70, %swap3A_71, %swap3A_72] : memref<2x1024x20xi32, #tpu.memory_space<vmem>>, vector<1x1024x20xi32>
    %swap3A_74 = vector.shape_cast %swap3A_73 : vector<1x1024x20xi32> to vector<1024x20xi32>
    %swap3A_75 = vector.shape_cast %add3A_69 : vector<1024x20xi32> to vector<1x1024x20xi32>
    tpu.vector_store %arg2[%swap3A_70, %swap3A_71, %swap3A_72], %swap3A_75 {strides = array<i32>} : memref<2x1024x20xi32, #tpu.memory_space<vmem>>, vector<1x1024x20xi32>,
    return
  }
  func.func @transform_0(%arg0: i32) -> (i32, i32, i32) {
    %c0_i32 = arith.constant 0 : i32
    %c0_i32_0 = arith.constant 0 : i32
    %c0_i32_1 = arith.constant 0 : i32
    return %arg0, %c0_i32, %c0_i32_0 : i32, i32, i32
  }
  func.func @transform_1(%arg0: i32) -> (i32, i32, i32) {
    %c0_i32 = arith.constant 0 : i32
    %c0_i32_0 = arith.constant 0 : i32
    %c0_i32_1 = arith.constant 0 : i32
    return %arg0, %c0_i32, %c0_i32_0 : i32, i32, i32
  }
}

module attributes {stable_mosaic.version = 14 : i64} {
  func.func @_conv_body(%arg0: i32, %arg1: memref<1x20480x128xf32, #tpu.memory_space<vmem>>, %arg2: memref<1x1024x128xf32, #tpu.memory_space<vmem>>, %arg3: memref<64x6xf32, #tpu.memory_space<vmem>>, %arg4: memref<1x64xf32, #tpu.memory_space<vmem>>, %arg5: memref<1x64xf32, #tpu.memory_space<vmem>>, %arg6: memref<1x1024x128xf32, #tpu.memory_space<vmem>>) attributes {dimension_semantics = [#tpu.dimension_semantics<arbitrary>], iteration_bounds = array<i64: 8>, scalar_prefetch = 0 : i64, scratch_operands = 0 : i64, tpu.core_type = #tpu.core_type<tc>, window_params = [{transform_indices = @transform_0, window_bounds = array<i64: 1, 20480, 128>}, {transform_indices = @transform_1, window_bounds = array<i64: 1, 1024, 128>}, {pipeline_mode = #tpu.pipeline_mode<synchronous>, transform_indices = @transform_2, window_bounds = array<i64: 64, 6>}, {pipeline_mode = #tpu.pipeline_mode<synchronous>, transform_indices = @transform_3, window_bounds = array<i64: 1, 64>}, {pipeline_mode = #tpu.pipeline_mode<synchronous>, transform_indices = @transform_4, window_bounds = array<i64: 1, 64>}, {transform_indices = @transform_5, window_bounds = array<i64: 1, 1024, 128>}]} {
    %get3A = arith.constant 0 : index
    %get3A_0 = arith.constant 0 : index
    %get3A_1 = arith.constant 0 : index
    %get3A_2 = vector.load %arg2[%get3A, %get3A_0, %get3A_1] : memref<1x1024x128xf32, #tpu.memory_space<vmem>>, vector<1x1024x128xf32>
    %get3A_3 = vector.shape_cast %get3A_2 : vector<1x1024x128xf32> to vector<1024x128xf32>
    %slice3A = vector.extract_strided_slice %get3A_3 {offsets = [0, 0], sizes = [1024, 3], strides = [1, 1]} : vector<1024x128xf32> to vector<1024x3xf32>
    %get3A_4 = arith.constant 0 : index
    %get3A_5 = arith.constant 0 : index
    %get3A_6 = arith.constant 0 : index
    %get3A_7 = vector.load %arg1[%get3A_4, %get3A_5, %get3A_6] : memref<1x20480x128xf32, #tpu.memory_space<vmem>>, vector<1x20480x128xf32>
    %get3A_8 = vector.shape_cast %get3A_7 : vector<1x20480x128xf32> to vector<20480x128xf32>
    %reshape3A = vector.shape_cast %get3A_8 : vector<20480x128xf32> to vector<1024x20x128xf32>
    %slice3A_9 = vector.extract_strided_slice %reshape3A {offsets = [0, 0, 0], sizes = [1024, 20, 3], strides = [1, 1, 1]} : vector<1024x20x128xf32> to vector<1024x20x3xf32>
    %broadcast_in_dim3A = vector.shape_cast %slice3A : vector<1024x3xf32> to vector<1024x1x3xf32>
    %sub3A = vector.broadcast %broadcast_in_dim3A : vector<1024x1x3xf32> to vector<1024x20x3xf32>
    %sub3A_10 = arith.subf %slice3A_9, %sub3A : vector<1024x20x3xf32>
    %reshape3A_11 = vector.shape_cast %sub3A_10 : vector<1024x20x3xf32> to vector<20480x3xf32>
    %get3A_12 = arith.constant 0 : index
    %get3A_13 = arith.constant 0 : index
    %get3A_14 = vector.load %arg3[%get3A_12, %get3A_13] : memref<64x6xf32, #tpu.memory_space<vmem>>, vector<64x3xf32>
    %convert_element_type3A = arith.truncf %reshape3A_11 : vector<20480x3xf32> to vector<20480x3xbf16>
    %convert_element_type3A_15 = arith.truncf %get3A_14 : vector<64x3xf32> to vector<64x3xbf16>
    %dot_general3A = arith.constant dense<0.000000e+00> : vector<20480x64xf32>
    %dot_general3A_16 = tpu.matmul %convert_element_type3A, %convert_element_type3A_15, %dot_general3A {dimension_numbers = #tpu.dot_dimension_numbers<[1], [1], [0], [0], [0, 0, 1, 0], [], []>, transpose_lhs_hint = false} : vector<20480x3xbf16>, vector<64x3xbf16>, vector<20480x64xf32> -> vector<20480x64xf32>
    %reshape3A_17 = vector.shape_cast %dot_general3A_16 : vector<20480x64xf32> to vector<1024x20x64xf32>
    %reduce_max3A = arith.constant dense<0xFF800000> : vector<1024x64xf32>
    %reduce_max3A_18 = vector.multi_reduction <maximumf>, %reshape3A_17, %reduce_max3A [1] : vector<1024x20x64xf32> to vector<1024x64xf32>
    %get3A_19 = arith.constant 0 : index
    %get3A_20 = arith.constant 3 : index
    %get3A_21 = vector.load %arg3[%get3A_19, %get3A_20] : memref<64x6xf32, #tpu.memory_space<vmem>>, vector<64x3xf32>
    %convert_element_type3A_22 = arith.truncf %slice3A : vector<1024x3xf32> to vector<1024x3xbf16>
    %convert_element_type3A_23 = arith.truncf %get3A_21 : vector<64x3xf32> to vector<64x3xbf16>
    %dot_general3A_24 = arith.constant dense<0.000000e+00> : vector<1024x64xf32>
    %dot_general3A_25 = tpu.matmul %convert_element_type3A_22, %convert_element_type3A_23, %dot_general3A_24 {dimension_numbers = #tpu.dot_dimension_numbers<[1], [1], [0], [0], [0, 0, 1, 0], [], []>, transpose_lhs_hint = false} : vector<1024x3xbf16>, vector<64x3xbf16>, vector<1024x64xf32> -> vector<1024x64xf32>
    %add3A = arith.addf %reduce_max3A_18, %dot_general3A_25 : vector<1024x64xf32>
    %get3A_26 = arith.constant 0 : index
    %get3A_27 = arith.constant 0 : index
    %get3A_28 = vector.load %arg4[%get3A_26, %get3A_27] : memref<1x64xf32, #tpu.memory_space<vmem>>, vector<1x64xf32>
    %mul3A = arith.constant 0.999994993 : f32
    %mul3A_29 = vector.broadcast %mul3A : f32 to vector<1x64xf32>
    %mul3A_30 = arith.mulf %get3A_28, %mul3A_29 : vector<1x64xf32>
    %mul3A_31 = vector.broadcast %mul3A_30 : vector<1x64xf32> to vector<1024x64xf32>
    %mul3A_32 = arith.mulf %add3A, %mul3A_31 : vector<1024x64xf32>
    %get3A_33 = arith.constant 0 : index
    %get3A_34 = arith.constant 0 : index
    %get3A_35 = vector.load %arg5[%get3A_33, %get3A_34] : memref<1x64xf32, #tpu.memory_space<vmem>>, vector<1x64xf32>
    %add3A_36 = vector.broadcast %get3A_35 : vector<1x64xf32> to vector<1024x64xf32>
    %add3A_37 = arith.addf %mul3A_32, %add3A_36 : vector<1024x64xf32>
    %ge3A = arith.constant 0.000000e+00 : f32
    %ge3A_38 = vector.broadcast %ge3A : f32 to vector<1024x64xf32>
    %ge3A_39 = arith.cmpf oge, %add3A_37, %ge3A_38 : vector<1024x64xf32>
    %mul3A_40 = arith.constant 2.000000e-01 : f32
    %mul3A_41 = vector.broadcast %mul3A_40 : f32 to vector<1024x64xf32>
    %mul3A_42 = arith.mulf %mul3A_41, %add3A_37 : vector<1024x64xf32>
    %select_n3A = arith.select %ge3A_39, %add3A_37, %mul3A_42 : vector<1024x64xi1>, vector<1024x64xf32>
    %broadcast_in_dim3A_43 = arith.constant 0.000000e+00 : f32
    %broadcast_in_dim3A_44 = vector.broadcast %broadcast_in_dim3A_43 : f32 to vector<1024x64xf32>
    %concatenate3A = tpu.concatenate %select_n3A, %broadcast_in_dim3A_44 in 1 : vector<1024x64xf32>, vector<1024x64xf32> -> vector<1024x128xf32>
    %swap3A = arith.constant 0 : index
    %swap3A_45 = arith.constant 0 : index
    %swap3A_46 = arith.constant 0 : index
    %swap3A_47 = vector.load %arg6[%swap3A, %swap3A_45, %swap3A_46] : memref<1x1024x128xf32, #tpu.memory_space<vmem>>, vector<1x1024x128xf32>
    %swap3A_48 = vector.shape_cast %swap3A_47 : vector<1x1024x128xf32> to vector<1024x128xf32>
    %swap3A_49 = vector.shape_cast %concatenate3A : vector<1024x128xf32> to vector<1x1024x128xf32>
    tpu.vector_store %arg6[%swap3A, %swap3A_45, %swap3A_46], %swap3A_49 {strides = array<i32>} : memref<1x1024x128xf32, #tpu.memory_space<vmem>>, vector<1x1024x128xf32>,
    return
  }
  func.func @transform_0(%arg0: i32) -> (i32, i32, i32) {
    %c0_i32 = arith.constant 0 : i32
    %c0_i32_0 = arith.constant 0 : i32
    %c0_i32_1 = arith.constant 0 : i32
    return %arg0, %c0_i32, %c0_i32_0 : i32, i32, i32
  }
  func.func @transform_1(%arg0: i32) -> (i32, i32, i32) {
    %c0_i32 = arith.constant 0 : i32
    %c0_i32_0 = arith.constant 0 : i32
    %c0_i32_1 = arith.constant 0 : i32
    return %arg0, %c0_i32, %c0_i32_0 : i32, i32, i32
  }
  func.func @transform_2(%arg0: i32) -> (i32, i32) {
    %c0_i32 = arith.constant 0 : i32
    %c0_i32_0 = arith.constant 0 : i32
    %c0_i32_1 = arith.constant 0 : i32
    return %c0_i32, %c0_i32_0 : i32, i32
  }
  func.func @transform_3(%arg0: i32) -> (i32, i32) {
    %c0_i32 = arith.constant 0 : i32
    %c0_i32_0 = arith.constant 0 : i32
    %c0_i32_1 = arith.constant 0 : i32
    return %c0_i32, %c0_i32_0 : i32, i32
  }
  func.func @transform_4(%arg0: i32) -> (i32, i32) {
    %c0_i32 = arith.constant 0 : i32
    %c0_i32_0 = arith.constant 0 : i32
    %c0_i32_1 = arith.constant 0 : i32
    return %c0_i32, %c0_i32_0 : i32, i32
  }
  func.func @transform_5(%arg0: i32) -> (i32, i32, i32) {
    %c0_i32 = arith.constant 0 : i32
    %c0_i32_0 = arith.constant 0 : i32
    %c0_i32_1 = arith.constant 0 : i32
    return %arg0, %c0_i32, %c0_i32_0 : i32, i32, i32
  }
}

module attributes {stable_mosaic.version = 14 : i64} {
  func.func @_knn_body(%arg0: i32, %arg1: memref<2x1024x128xf32, #tpu.memory_space<vmem>>, %arg2: memref<2x1024x20xi32, #tpu.memory_space<vmem>>) attributes {dimension_semantics = [#tpu.dimension_semantics<arbitrary>], iteration_bounds = array<i64: 4>, scalar_prefetch = 0 : i64, scratch_operands = 0 : i64, tpu.core_type = #tpu.core_type<tc>, window_params = [{transform_indices = @transform_0, window_bounds = array<i64: 2, 1024, 128>}, {transform_indices = @transform_1, window_bounds = array<i64: 2, 1024, 20>}]} {
    %iota3A = tpu.iota {dimensions = array<i32: 1>} : vector<1024x1024xi32>
    %iota3A_0 = tpu.iota {dimensions = array<i32: 1>} : vector<1024x20xi32>
    %get3A = arith.constant 0 : index
    %get3A_1 = arith.constant 0 : index
    %get3A_2 = arith.constant 0 : index
    %get3A_3 = vector.load %arg1[%get3A, %get3A_1, %get3A_2] : memref<2x1024x128xf32, #tpu.memory_space<vmem>>, vector<1x1024x128xf32>
    %get3A_4 = vector.shape_cast %get3A_3 : vector<1x1024x128xf32> to vector<1024x128xf32>
    %slice3A = vector.extract_strided_slice %get3A_4 {offsets = [0, 0], sizes = [1024, 64], strides = [1, 1]} : vector<1024x128xf32> to vector<1024x64xf32>
    %convert_element_type3A = arith.truncf %slice3A : vector<1024x64xf32> to vector<1024x64xbf16>
    %convert_element_type3A_5 = arith.truncf %slice3A : vector<1024x64xf32> to vector<1024x64xbf16>
    %dot_general3A = arith.constant dense<0.000000e+00> : vector<1024x1024xf32>
    %dot_general3A_6 = tpu.matmul %convert_element_type3A, %convert_element_type3A_5, %dot_general3A {dimension_numbers = #tpu.dot_dimension_numbers<[1], [1], [0], [0], [0, 0, 1, 0], [], []>, transpose_lhs_hint = false} : vector<1024x64xbf16>, vector<1024x64xbf16>, vector<1024x1024xf32> -> vector<1024x1024xf32>
    %mul3A = arith.constant -2.000000e+00 : f32
    %mul3A_7 = vector.broadcast %mul3A : f32 to vector<1024x1024xf32>
    %mul3A_8 = arith.mulf %mul3A_7, %dot_general3A_6 : vector<1024x1024xf32>
    %mul3A_9 = arith.mulf %slice3A, %slice3A : vector<1024x64xf32>
    %reduce_sum3A = arith.constant dense<0.000000e+00> : vector<1024xf32>
    %reduce_sum3A_10 = vector.multi_reduction <add>, %mul3A_9, %reduce_sum3A [1] : vector<1024x64xf32> to vector<1024xf32>
    %broadcast_in_dim3A = vector.shape_cast %reduce_sum3A_10 : vector<1024xf32> to vector<1024x1xf32>
    %transpose3A = tpu.transpose %broadcast_in_dim3A, [1, 0] : vector<1024x1xf32> -> vector<1x1024xf32>
    %neg3A = arith.constant 0.000000e+00 : f32
    %neg3A_11 = vector.broadcast %neg3A : f32 to vector<1x1024xf32>
    %neg3A_12 = arith.subf %neg3A_11, %transpose3A : vector<1x1024xf32>
    %sub3A = vector.broadcast %neg3A_12 : vector<1x1024xf32> to vector<1024x1024xf32>
    %sub3A_13 = arith.subf %sub3A, %mul3A_8 : vector<1024x1024xf32>
    %sub3A_14 = vector.broadcast %broadcast_in_dim3A : vector<1024x1xf32> to vector<1024x1024xf32>
    %sub3A_15 = arith.subf %sub3A_13, %sub3A_14 : vector<1024x1024xf32>
    %broadcast_in_dim3A_16 = arith.constant 0 : i32
    %broadcast_in_dim3A_17 = vector.broadcast %broadcast_in_dim3A_16 : i32 to vector<1024x20xi32>
    %get3A_18 = arith.constant 1 : index
    %get3A_19 = arith.constant 0 : index
    %get3A_20 = arith.constant 0 : index
    %get3A_21 = vector.load %arg1[%get3A_18, %get3A_19, %get3A_20] : memref<2x1024x128xf32, #tpu.memory_space<vmem>>, vector<1x1024x128xf32>
    %get3A_22 = vector.shape_cast %get3A_21 : vector<1x1024x128xf32> to vector<1024x128xf32>
    %slice3A_23 = vector.extract_strided_slice %get3A_22 {offsets = [0, 0], sizes = [1024, 64], strides = [1, 1]} : vector<1024x128xf32> to vector<1024x64xf32>
    %convert_element_type3A_24 = arith.truncf %slice3A_23 : vector<1024x64xf32> to vector<1024x64xbf16>
    %convert_element_type3A_25 = arith.truncf %slice3A_23 : vector<1024x64xf32> to vector<1024x64xbf16>
    %dot_general3A_26 = arith.constant dense<0.000000e+00> : vector<1024x1024xf32>
    %dot_general3A_27 = tpu.matmul %convert_element_type3A_24, %convert_element_type3A_25, %dot_general3A_26 {dimension_numbers = #tpu.dot_dimension_numbers<[1], [1], [0], [0], [0, 0, 1, 0], [], []>, transpose_lhs_hint = false} : vector<1024x64xbf16>, vector<1024x64xbf16>, vector<1024x1024xf32> -> vector<1024x1024xf32>
    %mul3A_28 = arith.constant -2.000000e+00 : f32
    %mul3A_29 = vector.broadcast %mul3A_28 : f32 to vector<1024x1024xf32>
    %mul3A_30 = arith.mulf %mul3A_29, %dot_general3A_27 : vector<1024x1024xf32>
    %mul3A_31 = arith.mulf %slice3A_23, %slice3A_23 : vector<1024x64xf32>
    %reduce_sum3A_32 = arith.constant dense<0.000000e+00> : vector<1024xf32>
    %reduce_sum3A_33 = vector.multi_reduction <add>, %mul3A_31, %reduce_sum3A_32 [1] : vector<1024x64xf32> to vector<1024xf32>
    %broadcast_in_dim3A_34 = vector.shape_cast %reduce_sum3A_33 : vector<1024xf32> to vector<1024x1xf32>
    %transpose3A_35 = tpu.transpose %broadcast_in_dim3A_34, [1, 0] : vector<1024x1xf32> -> vector<1x1024xf32>
    %neg3A_36 = arith.constant 0.000000e+00 : f32
    %neg3A_37 = vector.broadcast %neg3A_36 : f32 to vector<1x1024xf32>
    %neg3A_38 = arith.subf %neg3A_37, %transpose3A_35 : vector<1x1024xf32>
    %sub3A_39 = vector.broadcast %neg3A_38 : vector<1x1024xf32> to vector<1024x1024xf32>
    %sub3A_40 = arith.subf %sub3A_39, %mul3A_30 : vector<1024x1024xf32>
    %sub3A_41 = vector.broadcast %broadcast_in_dim3A_34 : vector<1024x1xf32> to vector<1024x1024xf32>
    %sub3A_42 = arith.subf %sub3A_40, %sub3A_41 : vector<1024x1024xf32>
    %broadcast_in_dim3A_43 = arith.constant 0 : i32
    %broadcast_in_dim3A_44 = vector.broadcast %broadcast_in_dim3A_43 : i32 to vector<1024x20xi32>
    %scan3A = arith.constant 0 : i32
    %scan3A_45 = arith.constant 20 : i32
    %scan3A_46 = arith.addi %scan3A, %scan3A_45 : i32
    %scan3A_47 = arith.constant 1 : i32
    %scan3A_48:4 = scf.for %scan3A_76 = %scan3A to %scan3A_46 step %scan3A_47 iter_args(%scan3A_77 = %sub3A_15, %scan3A_78 = %sub3A_42, %scan3A_79 = %broadcast_in_dim3A_17, %scan3A_80 = %broadcast_in_dim3A_44) -> (vector<1024x1024xf32>, vector<1024x1024xf32>, vector<1024x20xi32>, vector<1024x20xi32>)  : i32 {
      %reduce_max3A = arith.constant dense<0xFF800000> : vector<1024xf32>
      %reduce_max3A_81 = vector.multi_reduction <maximumf>, %scan3A_77, %reduce_max3A [1] : vector<1024x1024xf32> to vector<1024xf32>
      %broadcast_in_dim3A_82 = vector.shape_cast %reduce_max3A_81 : vector<1024xf32> to vector<1024x1xf32>
      %ge3A = vector.broadcast %broadcast_in_dim3A_82 : vector<1024x1xf32> to vector<1024x1024xf32>
      %ge3A_83 = arith.cmpf oge, %scan3A_77, %ge3A : vector<1024x1024xf32>
      %jit3A = arith.constant 1024 : i32
      %broadcast_in_dim3A_84 = vector.broadcast %jit3A : i32 to vector<1024x1024xi32>
      %select_n3A = arith.select %ge3A_83, %iota3A, %broadcast_in_dim3A_84 : vector<1024x1024xi1>, vector<1024x1024xi32>
      %reduce_min3A = arith.constant dense<2147483647> : vector<1024xi32>
      %reduce_min3A_85 = vector.multi_reduction <minsi>, %select_n3A, %reduce_min3A [1] : vector<1024x1024xi32> to vector<1024xi32>
      %broadcast_in_dim3A_86 = vector.shape_cast %reduce_min3A_85 : vector<1024xi32> to vector<1024x1xi32>
      %eq3A = vector.broadcast %scan3A_76 : i32 to vector<1024x20xi32>
      %eq3A_87 = arith.cmpi eq, %iota3A_0, %eq3A : vector<1024x20xi32>
      %broadcast_in_dim3A_88 = vector.shape_cast %broadcast_in_dim3A_86 : vector<1024x1xi32> to vector<1024x1xi32>
      %broadcast_in_dim3A_89 = vector.broadcast %broadcast_in_dim3A_88 : vector<1024x1xi32> to vector<1024x20xi32>
      %select_n3A_90 = arith.select %eq3A_87, %broadcast_in_dim3A_89, %scan3A_79 : vector<1024x20xi1>, vector<1024x20xi32>
      %eq3A_91 = vector.broadcast %broadcast_in_dim3A_86 : vector<1024x1xi32> to vector<1024x1024xi32>
      %eq3A_92 = arith.cmpi eq, %iota3A, %eq3A_91 : vector<1024x1024xi32>
      %jit3A_93 = arith.constant -1.000000e+30 : f32
      %broadcast_in_dim3A_94 = vector.broadcast %jit3A_93 : f32 to vector<1024x1024xf32>
      %select_n3A_95 = arith.select %eq3A_92, %broadcast_in_dim3A_94, %scan3A_77 : vector<1024x1024xi1>, vector<1024x1024xf32>
      %reduce_max3A_96 = arith.constant dense<0xFF800000> : vector<1024xf32>
      %reduce_max3A_97 = vector.multi_reduction <maximumf>, %scan3A_78, %reduce_max3A_96 [1] : vector<1024x1024xf32> to vector<1024xf32>
      %broadcast_in_dim3A_98 = vector.shape_cast %reduce_max3A_97 : vector<1024xf32> to vector<1024x1xf32>
      %ge3A_99 = vector.broadcast %broadcast_in_dim3A_98 : vector<1024x1xf32> to vector<1024x1024xf32>
      %ge3A_100 = arith.cmpf oge, %scan3A_78, %ge3A_99 : vector<1024x1024xf32>
      %jit3A_101 = arith.constant 1024 : i32
      %broadcast_in_dim3A_102 = vector.broadcast %jit3A_101 : i32 to vector<1024x1024xi32>
      %select_n3A_103 = arith.select %ge3A_100, %iota3A, %broadcast_in_dim3A_102 : vector<1024x1024xi1>, vector<1024x1024xi32>
      %reduce_min3A_104 = arith.constant dense<2147483647> : vector<1024xi32>
      %reduce_min3A_105 = vector.multi_reduction <minsi>, %select_n3A_103, %reduce_min3A_104 [1] : vector<1024x1024xi32> to vector<1024xi32>
      %broadcast_in_dim3A_106 = vector.shape_cast %reduce_min3A_105 : vector<1024xi32> to vector<1024x1xi32>
      %eq3A_107 = vector.broadcast %scan3A_76 : i32 to vector<1024x20xi32>
      %eq3A_108 = arith.cmpi eq, %iota3A_0, %eq3A_107 : vector<1024x20xi32>
      %broadcast_in_dim3A_109 = vector.shape_cast %broadcast_in_dim3A_106 : vector<1024x1xi32> to vector<1024x1xi32>
      %broadcast_in_dim3A_110 = vector.broadcast %broadcast_in_dim3A_109 : vector<1024x1xi32> to vector<1024x20xi32>
      %select_n3A_111 = arith.select %eq3A_108, %broadcast_in_dim3A_110, %scan3A_80 : vector<1024x20xi1>, vector<1024x20xi32>
      %eq3A_112 = vector.broadcast %broadcast_in_dim3A_106 : vector<1024x1xi32> to vector<1024x1024xi32>
      %eq3A_113 = arith.cmpi eq, %iota3A, %eq3A_112 : vector<1024x1024xi32>
      %jit3A_114 = arith.constant -1.000000e+30 : f32
      %broadcast_in_dim3A_115 = vector.broadcast %jit3A_114 : f32 to vector<1024x1024xf32>
      %select_n3A_116 = arith.select %eq3A_113, %broadcast_in_dim3A_115, %scan3A_78 : vector<1024x1024xi1>, vector<1024x1024xf32>
      scf.yield %select_n3A_95, %select_n3A_116, %select_n3A_90, %select_n3A_111 : vector<1024x1024xf32>, vector<1024x1024xf32>, vector<1024x20xi32>, vector<1024x20xi32>
    }
    %scan3A_49 = arith.constant 20 : i32
    %mul3A_50 = arith.constant 2 : i32
    %mul3A_51 = arith.muli %arg0, %mul3A_50 : i32
    %add3A = arith.constant 0 : i32
    %add3A_52 = arith.addi %mul3A_51, %add3A : i32
    %mul3A_53 = arith.constant 1024 : i32
    %mul3A_54 = arith.muli %add3A_52, %mul3A_53 : i32
    %add3A_55 = vector.broadcast %mul3A_54 : i32 to vector<1024x20xi32>
    %add3A_56 = arith.addi %scan3A_48#2, %add3A_55 : vector<1024x20xi32>
    %swap3A = arith.constant 0 : index
    %swap3A_57 = arith.constant 0 : index
    %swap3A_58 = arith.constant 0 : index
    %swap3A_59 = vector.load %arg2[%swap3A, %swap3A_57, %swap3A_58] : memref<2x1024x20xi32, #tpu.memory_space<vmem>>, vector<1x1024x20xi32>
    %swap3A_60 = vector.shape_cast %swap3A_59 : vector<1x1024x20xi32> to vector<1024x20xi32>
    %swap3A_61 = vector.shape_cast %add3A_56 : vector<1024x20xi32> to vector<1x1024x20xi32>
    tpu.vector_store %arg2[%swap3A, %swap3A_57, %swap3A_58], %swap3A_61 {strides = array<i32>} : memref<2x1024x20xi32, #tpu.memory_space<vmem>>, vector<1x1024x20xi32>,
    %mul3A_62 = arith.constant 2 : i32
    %mul3A_63 = arith.muli %arg0, %mul3A_62 : i32
    %add3A_64 = arith.constant 1 : i32
    %add3A_65 = arith.addi %mul3A_63, %add3A_64 : i32
    %mul3A_66 = arith.constant 1024 : i32
    %mul3A_67 = arith.muli %add3A_65, %mul3A_66 : i32
    %add3A_68 = vector.broadcast %mul3A_67 : i32 to vector<1024x20xi32>
    %add3A_69 = arith.addi %scan3A_48#3, %add3A_68 : vector<1024x20xi32>
    %swap3A_70 = arith.constant 1 : index
    %swap3A_71 = arith.constant 0 : index
    %swap3A_72 = arith.constant 0 : index
    %swap3A_73 = vector.load %arg2[%swap3A_70, %swap3A_71, %swap3A_72] : memref<2x1024x20xi32, #tpu.memory_space<vmem>>, vector<1x1024x20xi32>
    %swap3A_74 = vector.shape_cast %swap3A_73 : vector<1x1024x20xi32> to vector<1024x20xi32>
    %swap3A_75 = vector.shape_cast %add3A_69 : vector<1024x20xi32> to vector<1x1024x20xi32>
    tpu.vector_store %arg2[%swap3A_70, %swap3A_71, %swap3A_72], %swap3A_75 {strides = array<i32>} : memref<2x1024x20xi32, #tpu.memory_space<vmem>>, vector<1x1024x20xi32>,
    return
  }
  func.func @transform_0(%arg0: i32) -> (i32, i32, i32) {
    %c0_i32 = arith.constant 0 : i32
    %c0_i32_0 = arith.constant 0 : i32
    %c0_i32_1 = arith.constant 0 : i32
    return %arg0, %c0_i32, %c0_i32_0 : i32, i32, i32
  }
  func.func @transform_1(%arg0: i32) -> (i32, i32, i32) {
    %c0_i32 = arith.constant 0 : i32
    %c0_i32_0 = arith.constant 0 : i32
    %c0_i32_1 = arith.constant 0 : i32
    return %arg0, %c0_i32, %c0_i32_0 : i32, i32, i32
  }
}

module attributes {stable_mosaic.version = 14 : i64} {
  func.func @_conv_body(%arg0: i32, %arg1: memref<1x20480x128xf32, #tpu.memory_space<vmem>>, %arg2: memref<1x1024x128xf32, #tpu.memory_space<vmem>>, %arg3: memref<64x128xf32, #tpu.memory_space<vmem>>, %arg4: memref<1x64xf32, #tpu.memory_space<vmem>>, %arg5: memref<1x64xf32, #tpu.memory_space<vmem>>, %arg6: memref<1x1024x128xf32, #tpu.memory_space<vmem>>) attributes {dimension_semantics = [#tpu.dimension_semantics<arbitrary>], iteration_bounds = array<i64: 8>, scalar_prefetch = 0 : i64, scratch_operands = 0 : i64, tpu.core_type = #tpu.core_type<tc>, window_params = [{transform_indices = @transform_0, window_bounds = array<i64: 1, 20480, 128>}, {transform_indices = @transform_1, window_bounds = array<i64: 1, 1024, 128>}, {pipeline_mode = #tpu.pipeline_mode<synchronous>, transform_indices = @transform_2, window_bounds = array<i64: 64, 128>}, {pipeline_mode = #tpu.pipeline_mode<synchronous>, transform_indices = @transform_3, window_bounds = array<i64: 1, 64>}, {pipeline_mode = #tpu.pipeline_mode<synchronous>, transform_indices = @transform_4, window_bounds = array<i64: 1, 64>}, {transform_indices = @transform_5, window_bounds = array<i64: 1, 1024, 128>}]} {
    %get3A = arith.constant 0 : index
    %get3A_0 = arith.constant 0 : index
    %get3A_1 = arith.constant 0 : index
    %get3A_2 = vector.load %arg2[%get3A, %get3A_0, %get3A_1] : memref<1x1024x128xf32, #tpu.memory_space<vmem>>, vector<1x1024x128xf32>
    %get3A_3 = vector.shape_cast %get3A_2 : vector<1x1024x128xf32> to vector<1024x128xf32>
    %slice3A = vector.extract_strided_slice %get3A_3 {offsets = [0, 0], sizes = [1024, 64], strides = [1, 1]} : vector<1024x128xf32> to vector<1024x64xf32>
    %get3A_4 = arith.constant 0 : index
    %get3A_5 = arith.constant 0 : index
    %get3A_6 = arith.constant 0 : index
    %get3A_7 = vector.load %arg1[%get3A_4, %get3A_5, %get3A_6] : memref<1x20480x128xf32, #tpu.memory_space<vmem>>, vector<1x20480x128xf32>
    %get3A_8 = vector.shape_cast %get3A_7 : vector<1x20480x128xf32> to vector<20480x128xf32>
    %reshape3A = vector.shape_cast %get3A_8 : vector<20480x128xf32> to vector<1024x20x128xf32>
    %slice3A_9 = vector.extract_strided_slice %reshape3A {offsets = [0, 0, 0], sizes = [1024, 20, 64], strides = [1, 1, 1]} : vector<1024x20x128xf32> to vector<1024x20x64xf32>
    %broadcast_in_dim3A = vector.shape_cast %slice3A : vector<1024x64xf32> to vector<1024x1x64xf32>
    %sub3A = vector.broadcast %broadcast_in_dim3A : vector<1024x1x64xf32> to vector<1024x20x64xf32>
    %sub3A_10 = arith.subf %slice3A_9, %sub3A : vector<1024x20x64xf32>
    %reshape3A_11 = vector.shape_cast %sub3A_10 : vector<1024x20x64xf32> to vector<20480x64xf32>
    %get3A_12 = arith.constant 0 : index
    %get3A_13 = arith.constant 0 : index
    %get3A_14 = vector.load %arg3[%get3A_12, %get3A_13] : memref<64x128xf32, #tpu.memory_space<vmem>>, vector<64x64xf32>
    %convert_element_type3A = arith.truncf %reshape3A_11 : vector<20480x64xf32> to vector<20480x64xbf16>
    %convert_element_type3A_15 = arith.truncf %get3A_14 : vector<64x64xf32> to vector<64x64xbf16>
    %dot_general3A = arith.constant dense<0.000000e+00> : vector<20480x64xf32>
    %dot_general3A_16 = tpu.matmul %convert_element_type3A, %convert_element_type3A_15, %dot_general3A {dimension_numbers = #tpu.dot_dimension_numbers<[1], [1], [0], [0], [0, 0, 1, 0], [], []>, transpose_lhs_hint = false} : vector<20480x64xbf16>, vector<64x64xbf16>, vector<20480x64xf32> -> vector<20480x64xf32>
    %reshape3A_17 = vector.shape_cast %dot_general3A_16 : vector<20480x64xf32> to vector<1024x20x64xf32>
    %reduce_max3A = arith.constant dense<0xFF800000> : vector<1024x64xf32>
    %reduce_max3A_18 = vector.multi_reduction <maximumf>, %reshape3A_17, %reduce_max3A [1] : vector<1024x20x64xf32> to vector<1024x64xf32>
    %get3A_19 = arith.constant 0 : index
    %get3A_20 = arith.constant 64 : index
    %get3A_21 = vector.load %arg3[%get3A_19, %get3A_20] : memref<64x128xf32, #tpu.memory_space<vmem>>, vector<64x64xf32>
    %convert_element_type3A_22 = arith.truncf %slice3A : vector<1024x64xf32> to vector<1024x64xbf16>
    %convert_element_type3A_23 = arith.truncf %get3A_21 : vector<64x64xf32> to vector<64x64xbf16>
    %dot_general3A_24 = arith.constant dense<0.000000e+00> : vector<1024x64xf32>
    %dot_general3A_25 = tpu.matmul %convert_element_type3A_22, %convert_element_type3A_23, %dot_general3A_24 {dimension_numbers = #tpu.dot_dimension_numbers<[1], [1], [0], [0], [0, 0, 1, 0], [], []>, transpose_lhs_hint = false} : vector<1024x64xbf16>, vector<64x64xbf16>, vector<1024x64xf32> -> vector<1024x64xf32>
    %add3A = arith.addf %reduce_max3A_18, %dot_general3A_25 : vector<1024x64xf32>
    %get3A_26 = arith.constant 0 : index
    %get3A_27 = arith.constant 0 : index
    %get3A_28 = vector.load %arg4[%get3A_26, %get3A_27] : memref<1x64xf32, #tpu.memory_space<vmem>>, vector<1x64xf32>
    %mul3A = arith.constant 0.999994993 : f32
    %mul3A_29 = vector.broadcast %mul3A : f32 to vector<1x64xf32>
    %mul3A_30 = arith.mulf %get3A_28, %mul3A_29 : vector<1x64xf32>
    %mul3A_31 = vector.broadcast %mul3A_30 : vector<1x64xf32> to vector<1024x64xf32>
    %mul3A_32 = arith.mulf %add3A, %mul3A_31 : vector<1024x64xf32>
    %get3A_33 = arith.constant 0 : index
    %get3A_34 = arith.constant 0 : index
    %get3A_35 = vector.load %arg5[%get3A_33, %get3A_34] : memref<1x64xf32, #tpu.memory_space<vmem>>, vector<1x64xf32>
    %add3A_36 = vector.broadcast %get3A_35 : vector<1x64xf32> to vector<1024x64xf32>
    %add3A_37 = arith.addf %mul3A_32, %add3A_36 : vector<1024x64xf32>
    %ge3A = arith.constant 0.000000e+00 : f32
    %ge3A_38 = vector.broadcast %ge3A : f32 to vector<1024x64xf32>
    %ge3A_39 = arith.cmpf oge, %add3A_37, %ge3A_38 : vector<1024x64xf32>
    %mul3A_40 = arith.constant 2.000000e-01 : f32
    %mul3A_41 = vector.broadcast %mul3A_40 : f32 to vector<1024x64xf32>
    %mul3A_42 = arith.mulf %mul3A_41, %add3A_37 : vector<1024x64xf32>
    %select_n3A = arith.select %ge3A_39, %add3A_37, %mul3A_42 : vector<1024x64xi1>, vector<1024x64xf32>
    %broadcast_in_dim3A_43 = arith.constant 0.000000e+00 : f32
    %broadcast_in_dim3A_44 = vector.broadcast %broadcast_in_dim3A_43 : f32 to vector<1024x64xf32>
    %concatenate3A = tpu.concatenate %select_n3A, %broadcast_in_dim3A_44 in 1 : vector<1024x64xf32>, vector<1024x64xf32> -> vector<1024x128xf32>
    %swap3A = arith.constant 0 : index
    %swap3A_45 = arith.constant 0 : index
    %swap3A_46 = arith.constant 0 : index
    %swap3A_47 = vector.load %arg6[%swap3A, %swap3A_45, %swap3A_46] : memref<1x1024x128xf32, #tpu.memory_space<vmem>>, vector<1x1024x128xf32>
    %swap3A_48 = vector.shape_cast %swap3A_47 : vector<1x1024x128xf32> to vector<1024x128xf32>
    %swap3A_49 = vector.shape_cast %concatenate3A : vector<1024x128xf32> to vector<1x1024x128xf32>
    tpu.vector_store %arg6[%swap3A, %swap3A_45, %swap3A_46], %swap3A_49 {strides = array<i32>} : memref<1x1024x128xf32, #tpu.memory_space<vmem>>, vector<1x1024x128xf32>,
    return
  }
  func.func @transform_0(%arg0: i32) -> (i32, i32, i32) {
    %c0_i32 = arith.constant 0 : i32
    %c0_i32_0 = arith.constant 0 : i32
    %c0_i32_1 = arith.constant 0 : i32
    return %arg0, %c0_i32, %c0_i32_0 : i32, i32, i32
  }
  func.func @transform_1(%arg0: i32) -> (i32, i32, i32) {
    %c0_i32 = arith.constant 0 : i32
    %c0_i32_0 = arith.constant 0 : i32
    %c0_i32_1 = arith.constant 0 : i32
    return %arg0, %c0_i32, %c0_i32_0 : i32, i32, i32
  }
  func.func @transform_2(%arg0: i32) -> (i32, i32) {
    %c0_i32 = arith.constant 0 : i32
    %c0_i32_0 = arith.constant 0 : i32
    %c0_i32_1 = arith.constant 0 : i32
    return %c0_i32, %c0_i32_0 : i32, i32
  }
  func.func @transform_3(%arg0: i32) -> (i32, i32) {
    %c0_i32 = arith.constant 0 : i32
    %c0_i32_0 = arith.constant 0 : i32
    %c0_i32_1 = arith.constant 0 : i32
    return %c0_i32, %c0_i32_0 : i32, i32
  }
  func.func @transform_4(%arg0: i32) -> (i32, i32) {
    %c0_i32 = arith.constant 0 : i32
    %c0_i32_0 = arith.constant 0 : i32
    %c0_i32_1 = arith.constant 0 : i32
    return %c0_i32, %c0_i32_0 : i32, i32
  }
  func.func @transform_5(%arg0: i32) -> (i32, i32, i32) {
    %c0_i32 = arith.constant 0 : i32
    %c0_i32_0 = arith.constant 0 : i32
    %c0_i32_1 = arith.constant 0 : i32
    return %arg0, %c0_i32, %c0_i32_0 : i32, i32, i32
  }
}

module attributes {stable_mosaic.version = 14 : i64} {
  func.func @_conv_body(%arg0: i32, %arg1: memref<1x20480x128xf32, #tpu.memory_space<vmem>>, %arg2: memref<1x1024x128xf32, #tpu.memory_space<vmem>>, %arg3: memref<128x128xf32, #tpu.memory_space<vmem>>, %arg4: memref<1x128xf32, #tpu.memory_space<vmem>>, %arg5: memref<1x128xf32, #tpu.memory_space<vmem>>, %arg6: memref<1x1024x128xf32, #tpu.memory_space<vmem>>) attributes {dimension_semantics = [#tpu.dimension_semantics<arbitrary>], iteration_bounds = array<i64: 8>, scalar_prefetch = 0 : i64, scratch_operands = 0 : i64, tpu.core_type = #tpu.core_type<tc>, window_params = [{transform_indices = @transform_0, window_bounds = array<i64: 1, 20480, 128>}, {transform_indices = @transform_1, window_bounds = array<i64: 1, 1024, 128>}, {pipeline_mode = #tpu.pipeline_mode<synchronous>, transform_indices = @transform_2, window_bounds = array<i64: 128, 128>}, {pipeline_mode = #tpu.pipeline_mode<synchronous>, transform_indices = @transform_3, window_bounds = array<i64: 1, 128>}, {pipeline_mode = #tpu.pipeline_mode<synchronous>, transform_indices = @transform_4, window_bounds = array<i64: 1, 128>}, {transform_indices = @transform_5, window_bounds = array<i64: 1, 1024, 128>}]} {
    %get3A = arith.constant 0 : index
    %get3A_0 = arith.constant 0 : index
    %get3A_1 = arith.constant 0 : index
    %get3A_2 = vector.load %arg2[%get3A, %get3A_0, %get3A_1] : memref<1x1024x128xf32, #tpu.memory_space<vmem>>, vector<1x1024x128xf32>
    %get3A_3 = vector.shape_cast %get3A_2 : vector<1x1024x128xf32> to vector<1024x128xf32>
    %slice3A = vector.extract_strided_slice %get3A_3 {offsets = [0, 0], sizes = [1024, 64], strides = [1, 1]} : vector<1024x128xf32> to vector<1024x64xf32>
    %get3A_4 = arith.constant 0 : index
    %get3A_5 = arith.constant 0 : index
    %get3A_6 = arith.constant 0 : index
    %get3A_7 = vector.load %arg1[%get3A_4, %get3A_5, %get3A_6] : memref<1x20480x128xf32, #tpu.memory_space<vmem>>, vector<1x20480x128xf32>
    %get3A_8 = vector.shape_cast %get3A_7 : vector<1x20480x128xf32> to vector<20480x128xf32>
    %reshape3A = vector.shape_cast %get3A_8 : vector<20480x128xf32> to vector<1024x20x128xf32>
    %slice3A_9 = vector.extract_strided_slice %reshape3A {offsets = [0, 0, 0], sizes = [1024, 20, 64], strides = [1, 1, 1]} : vector<1024x20x128xf32> to vector<1024x20x64xf32>
    %broadcast_in_dim3A = vector.shape_cast %slice3A : vector<1024x64xf32> to vector<1024x1x64xf32>
    %sub3A = vector.broadcast %broadcast_in_dim3A : vector<1024x1x64xf32> to vector<1024x20x64xf32>
    %sub3A_10 = arith.subf %slice3A_9, %sub3A : vector<1024x20x64xf32>
    %reshape3A_11 = vector.shape_cast %sub3A_10 : vector<1024x20x64xf32> to vector<20480x64xf32>
    %get3A_12 = arith.constant 0 : index
    %get3A_13 = arith.constant 0 : index
    %get3A_14 = vector.load %arg3[%get3A_12, %get3A_13] : memref<128x128xf32, #tpu.memory_space<vmem>>, vector<128x64xf32>
    %convert_element_type3A = arith.truncf %reshape3A_11 : vector<20480x64xf32> to vector<20480x64xbf16>
    %convert_element_type3A_15 = arith.truncf %get3A_14 : vector<128x64xf32> to vector<128x64xbf16>
    %dot_general3A = arith.constant dense<0.000000e+00> : vector<20480x128xf32>
    %dot_general3A_16 = tpu.matmul %convert_element_type3A, %convert_element_type3A_15, %dot_general3A {dimension_numbers = #tpu.dot_dimension_numbers<[1], [1], [0], [0], [0, 0, 1, 0], [], []>, transpose_lhs_hint = false} : vector<20480x64xbf16>, vector<128x64xbf16>, vector<20480x128xf32> -> vector<20480x128xf32>
    %reshape3A_17 = vector.shape_cast %dot_general3A_16 : vector<20480x128xf32> to vector<1024x20x128xf32>
    %reduce_max3A = arith.constant dense<0xFF800000> : vector<1024x128xf32>
    %reduce_max3A_18 = vector.multi_reduction <maximumf>, %reshape3A_17, %reduce_max3A [1] : vector<1024x20x128xf32> to vector<1024x128xf32>
    %get3A_19 = arith.constant 0 : index
    %get3A_20 = arith.constant 64 : index
    %get3A_21 = vector.load %arg3[%get3A_19, %get3A_20] : memref<128x128xf32, #tpu.memory_space<vmem>>, vector<128x64xf32>
    %convert_element_type3A_22 = arith.truncf %slice3A : vector<1024x64xf32> to vector<1024x64xbf16>
    %convert_element_type3A_23 = arith.truncf %get3A_21 : vector<128x64xf32> to vector<128x64xbf16>
    %dot_general3A_24 = arith.constant dense<0.000000e+00> : vector<1024x128xf32>
    %dot_general3A_25 = tpu.matmul %convert_element_type3A_22, %convert_element_type3A_23, %dot_general3A_24 {dimension_numbers = #tpu.dot_dimension_numbers<[1], [1], [0], [0], [0, 0, 1, 0], [], []>, transpose_lhs_hint = false} : vector<1024x64xbf16>, vector<128x64xbf16>, vector<1024x128xf32> -> vector<1024x128xf32>
    %add3A = arith.addf %reduce_max3A_18, %dot_general3A_25 : vector<1024x128xf32>
    %get3A_26 = arith.constant 0 : index
    %get3A_27 = arith.constant 0 : index
    %get3A_28 = vector.load %arg4[%get3A_26, %get3A_27] : memref<1x128xf32, #tpu.memory_space<vmem>>, vector<1x128xf32>
    %mul3A = arith.constant 0.999994993 : f32
    %mul3A_29 = vector.broadcast %mul3A : f32 to vector<1x128xf32>
    %mul3A_30 = arith.mulf %get3A_28, %mul3A_29 : vector<1x128xf32>
    %mul3A_31 = vector.broadcast %mul3A_30 : vector<1x128xf32> to vector<1024x128xf32>
    %mul3A_32 = arith.mulf %add3A, %mul3A_31 : vector<1024x128xf32>
    %get3A_33 = arith.constant 0 : index
    %get3A_34 = arith.constant 0 : index
    %get3A_35 = vector.load %arg5[%get3A_33, %get3A_34] : memref<1x128xf32, #tpu.memory_space<vmem>>, vector<1x128xf32>
    %add3A_36 = vector.broadcast %get3A_35 : vector<1x128xf32> to vector<1024x128xf32>
    %add3A_37 = arith.addf %mul3A_32, %add3A_36 : vector<1024x128xf32>
    %ge3A = arith.constant 0.000000e+00 : f32
    %ge3A_38 = vector.broadcast %ge3A : f32 to vector<1024x128xf32>
    %ge3A_39 = arith.cmpf oge, %add3A_37, %ge3A_38 : vector<1024x128xf32>
    %mul3A_40 = arith.constant 2.000000e-01 : f32
    %mul3A_41 = vector.broadcast %mul3A_40 : f32 to vector<1024x128xf32>
    %mul3A_42 = arith.mulf %mul3A_41, %add3A_37 : vector<1024x128xf32>
    %select_n3A = arith.select %ge3A_39, %add3A_37, %mul3A_42 : vector<1024x128xi1>, vector<1024x128xf32>
    %swap3A = arith.constant 0 : index
    %swap3A_43 = arith.constant 0 : index
    %swap3A_44 = arith.constant 0 : index
    %swap3A_45 = vector.load %arg6[%swap3A, %swap3A_43, %swap3A_44] : memref<1x1024x128xf32, #tpu.memory_space<vmem>>, vector<1x1024x128xf32>
    %swap3A_46 = vector.shape_cast %swap3A_45 : vector<1x1024x128xf32> to vector<1024x128xf32>
    %swap3A_47 = vector.shape_cast %select_n3A : vector<1024x128xf32> to vector<1x1024x128xf32>
    tpu.vector_store %arg6[%swap3A, %swap3A_43, %swap3A_44], %swap3A_47 {strides = array<i32>} : memref<1x1024x128xf32, #tpu.memory_space<vmem>>, vector<1x1024x128xf32>,
    return
  }
  func.func @transform_0(%arg0: i32) -> (i32, i32, i32) {
    %c0_i32 = arith.constant 0 : i32
    %c0_i32_0 = arith.constant 0 : i32
    %c0_i32_1 = arith.constant 0 : i32
    return %arg0, %c0_i32, %c0_i32_0 : i32, i32, i32
  }
  func.func @transform_1(%arg0: i32) -> (i32, i32, i32) {
    %c0_i32 = arith.constant 0 : i32
    %c0_i32_0 = arith.constant 0 : i32
    %c0_i32_1 = arith.constant 0 : i32
    return %arg0, %c0_i32, %c0_i32_0 : i32, i32, i32
  }
  func.func @transform_2(%arg0: i32) -> (i32, i32) {
    %c0_i32 = arith.constant 0 : i32
    %c0_i32_0 = arith.constant 0 : i32
    %c0_i32_1 = arith.constant 0 : i32
    return %c0_i32, %c0_i32_0 : i32, i32
  }
  func.func @transform_3(%arg0: i32) -> (i32, i32) {
    %c0_i32 = arith.constant 0 : i32
    %c0_i32_0 = arith.constant 0 : i32
    %c0_i32_1 = arith.constant 0 : i32
    return %c0_i32, %c0_i32_0 : i32, i32
  }
  func.func @transform_4(%arg0: i32) -> (i32, i32) {
    %c0_i32 = arith.constant 0 : i32
    %c0_i32_0 = arith.constant 0 : i32
    %c0_i32_1 = arith.constant 0 : i32
    return %c0_i32, %c0_i32_0 : i32, i32
  }
  func.func @transform_5(%arg0: i32) -> (i32, i32, i32) {
    %c0_i32 = arith.constant 0 : i32
    %c0_i32_0 = arith.constant 0 : i32
    %c0_i32_1 = arith.constant 0 : i32
    return %arg0, %c0_i32, %c0_i32_0 : i32, i32, i32
  }
}

module attributes {stable_mosaic.version = 14 : i64} {
  func.func @_knn_body(%arg0: i32, %arg1: memref<2x1024x128xf32, #tpu.memory_space<vmem>>, %arg2: memref<2x1024x20xi32, #tpu.memory_space<vmem>>) attributes {dimension_semantics = [#tpu.dimension_semantics<arbitrary>], iteration_bounds = array<i64: 4>, scalar_prefetch = 0 : i64, scratch_operands = 0 : i64, tpu.core_type = #tpu.core_type<tc>, window_params = [{transform_indices = @transform_0, window_bounds = array<i64: 2, 1024, 128>}, {transform_indices = @transform_1, window_bounds = array<i64: 2, 1024, 20>}]} {
    %iota3A = tpu.iota {dimensions = array<i32: 1>} : vector<1024x1024xi32>
    %iota3A_0 = tpu.iota {dimensions = array<i32: 1>} : vector<1024x20xi32>
    %get3A = arith.constant 0 : index
    %get3A_1 = arith.constant 0 : index
    %get3A_2 = arith.constant 0 : index
    %get3A_3 = vector.load %arg1[%get3A, %get3A_1, %get3A_2] : memref<2x1024x128xf32, #tpu.memory_space<vmem>>, vector<1x1024x128xf32>
    %get3A_4 = vector.shape_cast %get3A_3 : vector<1x1024x128xf32> to vector<1024x128xf32>
    %convert_element_type3A = arith.truncf %get3A_4 : vector<1024x128xf32> to vector<1024x128xbf16>
    %convert_element_type3A_5 = arith.truncf %get3A_4 : vector<1024x128xf32> to vector<1024x128xbf16>
    %dot_general3A = arith.constant dense<0.000000e+00> : vector<1024x1024xf32>
    %dot_general3A_6 = tpu.matmul %convert_element_type3A, %convert_element_type3A_5, %dot_general3A {dimension_numbers = #tpu.dot_dimension_numbers<[1], [1], [0], [0], [0, 0, 1, 0], [], []>, transpose_lhs_hint = false} : vector<1024x128xbf16>, vector<1024x128xbf16>, vector<1024x1024xf32> -> vector<1024x1024xf32>
    %mul3A = arith.constant -2.000000e+00 : f32
    %mul3A_7 = vector.broadcast %mul3A : f32 to vector<1024x1024xf32>
    %mul3A_8 = arith.mulf %mul3A_7, %dot_general3A_6 : vector<1024x1024xf32>
    %mul3A_9 = arith.mulf %get3A_4, %get3A_4 : vector<1024x128xf32>
    %reduce_sum3A = arith.constant dense<0.000000e+00> : vector<1024xf32>
    %reduce_sum3A_10 = vector.multi_reduction <add>, %mul3A_9, %reduce_sum3A [1] : vector<1024x128xf32> to vector<1024xf32>
    %broadcast_in_dim3A = vector.shape_cast %reduce_sum3A_10 : vector<1024xf32> to vector<1024x1xf32>
    %transpose3A = tpu.transpose %broadcast_in_dim3A, [1, 0] : vector<1024x1xf32> -> vector<1x1024xf32>
    %neg3A = arith.constant 0.000000e+00 : f32
    %neg3A_11 = vector.broadcast %neg3A : f32 to vector<1x1024xf32>
    %neg3A_12 = arith.subf %neg3A_11, %transpose3A : vector<1x1024xf32>
    %sub3A = vector.broadcast %neg3A_12 : vector<1x1024xf32> to vector<1024x1024xf32>
    %sub3A_13 = arith.subf %sub3A, %mul3A_8 : vector<1024x1024xf32>
    %sub3A_14 = vector.broadcast %broadcast_in_dim3A : vector<1024x1xf32> to vector<1024x1024xf32>
    %sub3A_15 = arith.subf %sub3A_13, %sub3A_14 : vector<1024x1024xf32>
    %broadcast_in_dim3A_16 = arith.constant 0 : i32
    %broadcast_in_dim3A_17 = vector.broadcast %broadcast_in_dim3A_16 : i32 to vector<1024x20xi32>
    %get3A_18 = arith.constant 1 : index
    %get3A_19 = arith.constant 0 : index
    %get3A_20 = arith.constant 0 : index
    %get3A_21 = vector.load %arg1[%get3A_18, %get3A_19, %get3A_20] : memref<2x1024x128xf32, #tpu.memory_space<vmem>>, vector<1x1024x128xf32>
    %get3A_22 = vector.shape_cast %get3A_21 : vector<1x1024x128xf32> to vector<1024x128xf32>
    %convert_element_type3A_23 = arith.truncf %get3A_22 : vector<1024x128xf32> to vector<1024x128xbf16>
    %convert_element_type3A_24 = arith.truncf %get3A_22 : vector<1024x128xf32> to vector<1024x128xbf16>
    %dot_general3A_25 = arith.constant dense<0.000000e+00> : vector<1024x1024xf32>
    %dot_general3A_26 = tpu.matmul %convert_element_type3A_23, %convert_element_type3A_24, %dot_general3A_25 {dimension_numbers = #tpu.dot_dimension_numbers<[1], [1], [0], [0], [0, 0, 1, 0], [], []>, transpose_lhs_hint = false} : vector<1024x128xbf16>, vector<1024x128xbf16>, vector<1024x1024xf32> -> vector<1024x1024xf32>
    %mul3A_27 = arith.constant -2.000000e+00 : f32
    %mul3A_28 = vector.broadcast %mul3A_27 : f32 to vector<1024x1024xf32>
    %mul3A_29 = arith.mulf %mul3A_28, %dot_general3A_26 : vector<1024x1024xf32>
    %mul3A_30 = arith.mulf %get3A_22, %get3A_22 : vector<1024x128xf32>
    %reduce_sum3A_31 = arith.constant dense<0.000000e+00> : vector<1024xf32>
    %reduce_sum3A_32 = vector.multi_reduction <add>, %mul3A_30, %reduce_sum3A_31 [1] : vector<1024x128xf32> to vector<1024xf32>
    %broadcast_in_dim3A_33 = vector.shape_cast %reduce_sum3A_32 : vector<1024xf32> to vector<1024x1xf32>
    %transpose3A_34 = tpu.transpose %broadcast_in_dim3A_33, [1, 0] : vector<1024x1xf32> -> vector<1x1024xf32>
    %neg3A_35 = arith.constant 0.000000e+00 : f32
    %neg3A_36 = vector.broadcast %neg3A_35 : f32 to vector<1x1024xf32>
    %neg3A_37 = arith.subf %neg3A_36, %transpose3A_34 : vector<1x1024xf32>
    %sub3A_38 = vector.broadcast %neg3A_37 : vector<1x1024xf32> to vector<1024x1024xf32>
    %sub3A_39 = arith.subf %sub3A_38, %mul3A_29 : vector<1024x1024xf32>
    %sub3A_40 = vector.broadcast %broadcast_in_dim3A_33 : vector<1024x1xf32> to vector<1024x1024xf32>
    %sub3A_41 = arith.subf %sub3A_39, %sub3A_40 : vector<1024x1024xf32>
    %broadcast_in_dim3A_42 = arith.constant 0 : i32
    %broadcast_in_dim3A_43 = vector.broadcast %broadcast_in_dim3A_42 : i32 to vector<1024x20xi32>
    %scan3A = arith.constant 0 : i32
    %scan3A_44 = arith.constant 20 : i32
    %scan3A_45 = arith.addi %scan3A, %scan3A_44 : i32
    %scan3A_46 = arith.constant 1 : i32
    %scan3A_47:4 = scf.for %scan3A_75 = %scan3A to %scan3A_45 step %scan3A_46 iter_args(%scan3A_76 = %sub3A_15, %scan3A_77 = %sub3A_41, %scan3A_78 = %broadcast_in_dim3A_17, %scan3A_79 = %broadcast_in_dim3A_43) -> (vector<1024x1024xf32>, vector<1024x1024xf32>, vector<1024x20xi32>, vector<1024x20xi32>)  : i32 {
      %reduce_max3A = arith.constant dense<0xFF800000> : vector<1024xf32>
      %reduce_max3A_80 = vector.multi_reduction <maximumf>, %scan3A_76, %reduce_max3A [1] : vector<1024x1024xf32> to vector<1024xf32>
      %broadcast_in_dim3A_81 = vector.shape_cast %reduce_max3A_80 : vector<1024xf32> to vector<1024x1xf32>
      %ge3A = vector.broadcast %broadcast_in_dim3A_81 : vector<1024x1xf32> to vector<1024x1024xf32>
      %ge3A_82 = arith.cmpf oge, %scan3A_76, %ge3A : vector<1024x1024xf32>
      %jit3A = arith.constant 1024 : i32
      %broadcast_in_dim3A_83 = vector.broadcast %jit3A : i32 to vector<1024x1024xi32>
      %select_n3A = arith.select %ge3A_82, %iota3A, %broadcast_in_dim3A_83 : vector<1024x1024xi1>, vector<1024x1024xi32>
      %reduce_min3A = arith.constant dense<2147483647> : vector<1024xi32>
      %reduce_min3A_84 = vector.multi_reduction <minsi>, %select_n3A, %reduce_min3A [1] : vector<1024x1024xi32> to vector<1024xi32>
      %broadcast_in_dim3A_85 = vector.shape_cast %reduce_min3A_84 : vector<1024xi32> to vector<1024x1xi32>
      %eq3A = vector.broadcast %scan3A_75 : i32 to vector<1024x20xi32>
      %eq3A_86 = arith.cmpi eq, %iota3A_0, %eq3A : vector<1024x20xi32>
      %broadcast_in_dim3A_87 = vector.shape_cast %broadcast_in_dim3A_85 : vector<1024x1xi32> to vector<1024x1xi32>
      %broadcast_in_dim3A_88 = vector.broadcast %broadcast_in_dim3A_87 : vector<1024x1xi32> to vector<1024x20xi32>
      %select_n3A_89 = arith.select %eq3A_86, %broadcast_in_dim3A_88, %scan3A_78 : vector<1024x20xi1>, vector<1024x20xi32>
      %eq3A_90 = vector.broadcast %broadcast_in_dim3A_85 : vector<1024x1xi32> to vector<1024x1024xi32>
      %eq3A_91 = arith.cmpi eq, %iota3A, %eq3A_90 : vector<1024x1024xi32>
      %jit3A_92 = arith.constant -1.000000e+30 : f32
      %broadcast_in_dim3A_93 = vector.broadcast %jit3A_92 : f32 to vector<1024x1024xf32>
      %select_n3A_94 = arith.select %eq3A_91, %broadcast_in_dim3A_93, %scan3A_76 : vector<1024x1024xi1>, vector<1024x1024xf32>
      %reduce_max3A_95 = arith.constant dense<0xFF800000> : vector<1024xf32>
      %reduce_max3A_96 = vector.multi_reduction <maximumf>, %scan3A_77, %reduce_max3A_95 [1] : vector<1024x1024xf32> to vector<1024xf32>
      %broadcast_in_dim3A_97 = vector.shape_cast %reduce_max3A_96 : vector<1024xf32> to vector<1024x1xf32>
      %ge3A_98 = vector.broadcast %broadcast_in_dim3A_97 : vector<1024x1xf32> to vector<1024x1024xf32>
      %ge3A_99 = arith.cmpf oge, %scan3A_77, %ge3A_98 : vector<1024x1024xf32>
      %jit3A_100 = arith.constant 1024 : i32
      %broadcast_in_dim3A_101 = vector.broadcast %jit3A_100 : i32 to vector<1024x1024xi32>
      %select_n3A_102 = arith.select %ge3A_99, %iota3A, %broadcast_in_dim3A_101 : vector<1024x1024xi1>, vector<1024x1024xi32>
      %reduce_min3A_103 = arith.constant dense<2147483647> : vector<1024xi32>
      %reduce_min3A_104 = vector.multi_reduction <minsi>, %select_n3A_102, %reduce_min3A_103 [1] : vector<1024x1024xi32> to vector<1024xi32>
      %broadcast_in_dim3A_105 = vector.shape_cast %reduce_min3A_104 : vector<1024xi32> to vector<1024x1xi32>
      %eq3A_106 = vector.broadcast %scan3A_75 : i32 to vector<1024x20xi32>
      %eq3A_107 = arith.cmpi eq, %iota3A_0, %eq3A_106 : vector<1024x20xi32>
      %broadcast_in_dim3A_108 = vector.shape_cast %broadcast_in_dim3A_105 : vector<1024x1xi32> to vector<1024x1xi32>
      %broadcast_in_dim3A_109 = vector.broadcast %broadcast_in_dim3A_108 : vector<1024x1xi32> to vector<1024x20xi32>
      %select_n3A_110 = arith.select %eq3A_107, %broadcast_in_dim3A_109, %scan3A_79 : vector<1024x20xi1>, vector<1024x20xi32>
      %eq3A_111 = vector.broadcast %broadcast_in_dim3A_105 : vector<1024x1xi32> to vector<1024x1024xi32>
      %eq3A_112 = arith.cmpi eq, %iota3A, %eq3A_111 : vector<1024x1024xi32>
      %jit3A_113 = arith.constant -1.000000e+30 : f32
      %broadcast_in_dim3A_114 = vector.broadcast %jit3A_113 : f32 to vector<1024x1024xf32>
      %select_n3A_115 = arith.select %eq3A_112, %broadcast_in_dim3A_114, %scan3A_77 : vector<1024x1024xi1>, vector<1024x1024xf32>
      scf.yield %select_n3A_94, %select_n3A_115, %select_n3A_89, %select_n3A_110 : vector<1024x1024xf32>, vector<1024x1024xf32>, vector<1024x20xi32>, vector<1024x20xi32>
    }
    %scan3A_48 = arith.constant 20 : i32
    %mul3A_49 = arith.constant 2 : i32
    %mul3A_50 = arith.muli %arg0, %mul3A_49 : i32
    %add3A = arith.constant 0 : i32
    %add3A_51 = arith.addi %mul3A_50, %add3A : i32
    %mul3A_52 = arith.constant 1024 : i32
    %mul3A_53 = arith.muli %add3A_51, %mul3A_52 : i32
    %add3A_54 = vector.broadcast %mul3A_53 : i32 to vector<1024x20xi32>
    %add3A_55 = arith.addi %scan3A_47#2, %add3A_54 : vector<1024x20xi32>
    %swap3A = arith.constant 0 : index
    %swap3A_56 = arith.constant 0 : index
    %swap3A_57 = arith.constant 0 : index
    %swap3A_58 = vector.load %arg2[%swap3A, %swap3A_56, %swap3A_57] : memref<2x1024x20xi32, #tpu.memory_space<vmem>>, vector<1x1024x20xi32>
    %swap3A_59 = vector.shape_cast %swap3A_58 : vector<1x1024x20xi32> to vector<1024x20xi32>
    %swap3A_60 = vector.shape_cast %add3A_55 : vector<1024x20xi32> to vector<1x1024x20xi32>
    tpu.vector_store %arg2[%swap3A, %swap3A_56, %swap3A_57], %swap3A_60 {strides = array<i32>} : memref<2x1024x20xi32, #tpu.memory_space<vmem>>, vector<1x1024x20xi32>,
    %mul3A_61 = arith.constant 2 : i32
    %mul3A_62 = arith.muli %arg0, %mul3A_61 : i32
    %add3A_63 = arith.constant 1 : i32
    %add3A_64 = arith.addi %mul3A_62, %add3A_63 : i32
    %mul3A_65 = arith.constant 1024 : i32
    %mul3A_66 = arith.muli %add3A_64, %mul3A_65 : i32
    %add3A_67 = vector.broadcast %mul3A_66 : i32 to vector<1024x20xi32>
    %add3A_68 = arith.addi %scan3A_47#3, %add3A_67 : vector<1024x20xi32>
    %swap3A_69 = arith.constant 1 : index
    %swap3A_70 = arith.constant 0 : index
    %swap3A_71 = arith.constant 0 : index
    %swap3A_72 = vector.load %arg2[%swap3A_69, %swap3A_70, %swap3A_71] : memref<2x1024x20xi32, #tpu.memory_space<vmem>>, vector<1x1024x20xi32>
    %swap3A_73 = vector.shape_cast %swap3A_72 : vector<1x1024x20xi32> to vector<1024x20xi32>
    %swap3A_74 = vector.shape_cast %add3A_68 : vector<1024x20xi32> to vector<1x1024x20xi32>
    tpu.vector_store %arg2[%swap3A_69, %swap3A_70, %swap3A_71], %swap3A_74 {strides = array<i32>} : memref<2x1024x20xi32, #tpu.memory_space<vmem>>, vector<1x1024x20xi32>,
    return
  }
  func.func @transform_0(%arg0: i32) -> (i32, i32, i32) {
    %c0_i32 = arith.constant 0 : i32
    %c0_i32_0 = arith.constant 0 : i32
    %c0_i32_1 = arith.constant 0 : i32
    return %arg0, %c0_i32, %c0_i32_0 : i32, i32, i32
  }
  func.func @transform_1(%arg0: i32) -> (i32, i32, i32) {
    %c0_i32 = arith.constant 0 : i32
    %c0_i32_0 = arith.constant 0 : i32
    %c0_i32_1 = arith.constant 0 : i32
    return %arg0, %c0_i32, %c0_i32_0 : i32, i32, i32
  }
}

module attributes {stable_mosaic.version = 14 : i64} {
  func.func @_conv_body(%arg0: i32, %arg1: memref<1x20480x128xf32, #tpu.memory_space<vmem>>, %arg2: memref<1x1024x128xf32, #tpu.memory_space<vmem>>, %arg3: memref<256x256xf32, #tpu.memory_space<vmem>>, %arg4: memref<1x256xf32, #tpu.memory_space<vmem>>, %arg5: memref<1x256xf32, #tpu.memory_space<vmem>>, %arg6: memref<1x1024x256xf32, #tpu.memory_space<vmem>>) attributes {dimension_semantics = [#tpu.dimension_semantics<arbitrary>], iteration_bounds = array<i64: 8>, scalar_prefetch = 0 : i64, scratch_operands = 0 : i64, tpu.core_type = #tpu.core_type<tc>, window_params = [{transform_indices = @transform_0, window_bounds = array<i64: 1, 20480, 128>}, {transform_indices = @transform_1, window_bounds = array<i64: 1, 1024, 128>}, {pipeline_mode = #tpu.pipeline_mode<synchronous>, transform_indices = @transform_2, window_bounds = array<i64: 256, 256>}, {pipeline_mode = #tpu.pipeline_mode<synchronous>, transform_indices = @transform_3, window_bounds = array<i64: 1, 256>}, {pipeline_mode = #tpu.pipeline_mode<synchronous>, transform_indices = @transform_4, window_bounds = array<i64: 1, 256>}, {transform_indices = @transform_5, window_bounds = array<i64: 1, 1024, 256>}]} {
    %get3A = arith.constant 0 : index
    %get3A_0 = arith.constant 0 : index
    %get3A_1 = arith.constant 0 : index
    %get3A_2 = vector.load %arg2[%get3A, %get3A_0, %get3A_1] : memref<1x1024x128xf32, #tpu.memory_space<vmem>>, vector<1x1024x128xf32>
    %get3A_3 = vector.shape_cast %get3A_2 : vector<1x1024x128xf32> to vector<1024x128xf32>
    %get3A_4 = arith.constant 0 : index
    %get3A_5 = arith.constant 0 : index
    %get3A_6 = arith.constant 0 : index
    %get3A_7 = vector.load %arg1[%get3A_4, %get3A_5, %get3A_6] : memref<1x20480x128xf32, #tpu.memory_space<vmem>>, vector<1x20480x128xf32>
    %get3A_8 = vector.shape_cast %get3A_7 : vector<1x20480x128xf32> to vector<20480x128xf32>
    %reshape3A = vector.shape_cast %get3A_8 : vector<20480x128xf32> to vector<1024x20x128xf32>
    %broadcast_in_dim3A = vector.shape_cast %get3A_3 : vector<1024x128xf32> to vector<1024x1x128xf32>
    %sub3A = vector.broadcast %broadcast_in_dim3A : vector<1024x1x128xf32> to vector<1024x20x128xf32>
    %sub3A_9 = arith.subf %reshape3A, %sub3A : vector<1024x20x128xf32>
    %reshape3A_10 = vector.shape_cast %sub3A_9 : vector<1024x20x128xf32> to vector<20480x128xf32>
    %get3A_11 = arith.constant 0 : index
    %get3A_12 = arith.constant 0 : index
    %get3A_13 = vector.load %arg3[%get3A_11, %get3A_12] : memref<256x256xf32, #tpu.memory_space<vmem>>, vector<256x128xf32>
    %convert_element_type3A = arith.truncf %reshape3A_10 : vector<20480x128xf32> to vector<20480x128xbf16>
    %convert_element_type3A_14 = arith.truncf %get3A_13 : vector<256x128xf32> to vector<256x128xbf16>
    %dot_general3A = arith.constant dense<0.000000e+00> : vector<20480x256xf32>
    %dot_general3A_15 = tpu.matmul %convert_element_type3A, %convert_element_type3A_14, %dot_general3A {dimension_numbers = #tpu.dot_dimension_numbers<[1], [1], [0], [0], [0, 0, 1, 0], [], []>, transpose_lhs_hint = false} : vector<20480x128xbf16>, vector<256x128xbf16>, vector<20480x256xf32> -> vector<20480x256xf32>
    %reshape3A_16 = vector.shape_cast %dot_general3A_15 : vector<20480x256xf32> to vector<1024x20x256xf32>
    %reduce_max3A = arith.constant dense<0xFF800000> : vector<1024x256xf32>
    %reduce_max3A_17 = vector.multi_reduction <maximumf>, %reshape3A_16, %reduce_max3A [1] : vector<1024x20x256xf32> to vector<1024x256xf32>
    %get3A_18 = arith.constant 0 : index
    %get3A_19 = arith.constant 128 : index
    %get3A_20 = vector.load %arg3[%get3A_18, %get3A_19] : memref<256x256xf32, #tpu.memory_space<vmem>>, vector<256x128xf32>
    %convert_element_type3A_21 = arith.truncf %get3A_3 : vector<1024x128xf32> to vector<1024x128xbf16>
    %convert_element_type3A_22 = arith.truncf %get3A_20 : vector<256x128xf32> to vector<256x128xbf16>
    %dot_general3A_23 = arith.constant dense<0.000000e+00> : vector<1024x256xf32>
    %dot_general3A_24 = tpu.matmul %convert_element_type3A_21, %convert_element_type3A_22, %dot_general3A_23 {dimension_numbers = #tpu.dot_dimension_numbers<[1], [1], [0], [0], [0, 0, 1, 0], [], []>, transpose_lhs_hint = false} : vector<1024x128xbf16>, vector<256x128xbf16>, vector<1024x256xf32> -> vector<1024x256xf32>
    %add3A = arith.addf %reduce_max3A_17, %dot_general3A_24 : vector<1024x256xf32>
    %get3A_25 = arith.constant 0 : index
    %get3A_26 = arith.constant 0 : index
    %get3A_27 = vector.load %arg4[%get3A_25, %get3A_26] : memref<1x256xf32, #tpu.memory_space<vmem>>, vector<1x256xf32>
    %mul3A = arith.constant 0.999994993 : f32
    %mul3A_28 = vector.broadcast %mul3A : f32 to vector<1x256xf32>
    %mul3A_29 = arith.mulf %get3A_27, %mul3A_28 : vector<1x256xf32>
    %mul3A_30 = vector.broadcast %mul3A_29 : vector<1x256xf32> to vector<1024x256xf32>
    %mul3A_31 = arith.mulf %add3A, %mul3A_30 : vector<1024x256xf32>
    %get3A_32 = arith.constant 0 : index
    %get3A_33 = arith.constant 0 : index
    %get3A_34 = vector.load %arg5[%get3A_32, %get3A_33] : memref<1x256xf32, #tpu.memory_space<vmem>>, vector<1x256xf32>
    %add3A_35 = vector.broadcast %get3A_34 : vector<1x256xf32> to vector<1024x256xf32>
    %add3A_36 = arith.addf %mul3A_31, %add3A_35 : vector<1024x256xf32>
    %ge3A = arith.constant 0.000000e+00 : f32
    %ge3A_37 = vector.broadcast %ge3A : f32 to vector<1024x256xf32>
    %ge3A_38 = arith.cmpf oge, %add3A_36, %ge3A_37 : vector<1024x256xf32>
    %mul3A_39 = arith.constant 2.000000e-01 : f32
    %mul3A_40 = vector.broadcast %mul3A_39 : f32 to vector<1024x256xf32>
    %mul3A_41 = arith.mulf %mul3A_40, %add3A_36 : vector<1024x256xf32>
    %select_n3A = arith.select %ge3A_38, %add3A_36, %mul3A_41 : vector<1024x256xi1>, vector<1024x256xf32>
    %swap3A = arith.constant 0 : index
    %swap3A_42 = arith.constant 0 : index
    %swap3A_43 = arith.constant 0 : index
    %swap3A_44 = vector.load %arg6[%swap3A, %swap3A_42, %swap3A_43] : memref<1x1024x256xf32, #tpu.memory_space<vmem>>, vector<1x1024x256xf32>
    %swap3A_45 = vector.shape_cast %swap3A_44 : vector<1x1024x256xf32> to vector<1024x256xf32>
    %swap3A_46 = vector.shape_cast %select_n3A : vector<1024x256xf32> to vector<1x1024x256xf32>
    tpu.vector_store %arg6[%swap3A, %swap3A_42, %swap3A_43], %swap3A_46 {strides = array<i32>} : memref<1x1024x256xf32, #tpu.memory_space<vmem>>, vector<1x1024x256xf32>,
    return
  }
  func.func @transform_0(%arg0: i32) -> (i32, i32, i32) {
    %c0_i32 = arith.constant 0 : i32
    %c0_i32_0 = arith.constant 0 : i32
    %c0_i32_1 = arith.constant 0 : i32
    return %arg0, %c0_i32, %c0_i32_0 : i32, i32, i32
  }
  func.func @transform_1(%arg0: i32) -> (i32, i32, i32) {
    %c0_i32 = arith.constant 0 : i32
    %c0_i32_0 = arith.constant 0 : i32
    %c0_i32_1 = arith.constant 0 : i32
    return %arg0, %c0_i32, %c0_i32_0 : i32, i32, i32
  }
  func.func @transform_2(%arg0: i32) -> (i32, i32) {
    %c0_i32 = arith.constant 0 : i32
    %c0_i32_0 = arith.constant 0 : i32
    %c0_i32_1 = arith.constant 0 : i32
    return %c0_i32, %c0_i32_0 : i32, i32
  }
  func.func @transform_3(%arg0: i32) -> (i32, i32) {
    %c0_i32 = arith.constant 0 : i32
    %c0_i32_0 = arith.constant 0 : i32
    %c0_i32_1 = arith.constant 0 : i32
    return %c0_i32, %c0_i32_0 : i32, i32
  }
  func.func @transform_4(%arg0: i32) -> (i32, i32) {
    %c0_i32 = arith.constant 0 : i32
    %c0_i32_0 = arith.constant 0 : i32
    %c0_i32_1 = arith.constant 0 : i32
    return %c0_i32, %c0_i32_0 : i32, i32
  }
  func.func @transform_5(%arg0: i32) -> (i32, i32, i32) {
    %c0_i32 = arith.constant 0 : i32
    %c0_i32_0 = arith.constant 0 : i32
    %c0_i32_1 = arith.constant 0 : i32
    return %arg0, %c0_i32, %c0_i32_0 : i32, i32, i32
  }
}

module attributes {stable_mosaic.version = 14 : i64} {
  func.func @_final_body(%arg0: i32, %arg1: memref<1x1024x128xf32, #tpu.memory_space<vmem>>, %arg2: memref<1x1024x128xf32, #tpu.memory_space<vmem>>, %arg3: memref<1x1024x128xf32, #tpu.memory_space<vmem>>, %arg4: memref<1x1024x256xf32, #tpu.memory_space<vmem>>, %arg5: memref<1024x512xf32, #tpu.memory_space<vmem>>, %arg6: memref<1x1024xf32, #tpu.memory_space<vmem>>, %arg7: memref<1x1024xf32, #tpu.memory_space<vmem>>, %arg8: memref<512x2048xf32, #tpu.memory_space<vmem>>, %arg9: memref<1x512xf32, #tpu.memory_space<vmem>>, %arg10: memref<1x512xf32, #tpu.memory_space<vmem>>, %arg11: memref<256x512xf32, #tpu.memory_space<vmem>>, %arg12: memref<1x256xf32, #tpu.memory_space<vmem>>, %arg13: memref<1x256xf32, #tpu.memory_space<vmem>>, %arg14: memref<40x256xf32, #tpu.memory_space<vmem>>, %arg15: memref<1x40xf32, #tpu.memory_space<vmem>>, %arg16: memref<1x1x40xf32, #tpu.memory_space<vmem>>, %arg17: memref<1x1x1024xf32, #tpu.memory_space<vmem>>) attributes {dimension_semantics = [#tpu.dimension_semantics<arbitrary>], iteration_bounds = array<i64: 8>, scalar_prefetch = 0 : i64, scratch_operands = 0 : i64, tpu.core_type = #tpu.core_type<tc>, window_params = [{transform_indices = @transform_0, window_bounds = array<i64: 1, 1024, 128>}, {transform_indices = @transform_1, window_bounds = array<i64: 1, 1024, 128>}, {transform_indices = @transform_2, window_bounds = array<i64: 1, 1024, 128>}, {transform_indices = @transform_3, window_bounds = array<i64: 1, 1024, 256>}, {pipeline_mode = #tpu.pipeline_mode<synchronous>, transform_indices = @transform_4, window_bounds = array<i64: 1024, 512>}, {pipeline_mode = #tpu.pipeline_mode<synchronous>, transform_indices = @transform_5, window_bounds = array<i64: 1, 1024>}, {pipeline_mode = #tpu.pipeline_mode<synchronous>, transform_indices = @transform_6, window_bounds = array<i64: 1, 1024>}, {pipeline_mode = #tpu.pipeline_mode<synchronous>, transform_indices = @transform_7, window_bounds = array<i64: 512, 2048>}, {pipeline_mode = #tpu.pipeline_mode<synchronous>, transform_indices = @transform_8, window_bounds = array<i64: 1, 512>}, {pipeline_mode = #tpu.pipeline_mode<synchronous>, transform_indices = @transform_9, window_bounds = array<i64: 1, 512>}, {pipeline_mode = #tpu.pipeline_mode<synchronous>, transform_indices = @transform_10, window_bounds = array<i64: 256, 512>}, {pipeline_mode = #tpu.pipeline_mode<synchronous>, transform_indices = @transform_11, window_bounds = array<i64: 1, 256>}, {pipeline_mode = #tpu.pipeline_mode<synchronous>, transform_indices = @transform_12, window_bounds = array<i64: 1, 256>}, {pipeline_mode = #tpu.pipeline_mode<synchronous>, transform_indices = @transform_13, window_bounds = array<i64: 40, 256>}, {pipeline_mode = #tpu.pipeline_mode<synchronous>, transform_indices = @transform_14, window_bounds = array<i64: 1, 40>}, {transform_indices = @transform_15, window_bounds = array<i64: 1, 1, 40>}, {transform_indices = @transform_16, window_bounds = array<i64: 1, 1, 1024>}]} {
    %get3A = arith.constant 0 : index
    %get3A_0 = arith.constant 0 : index
    %get3A_1 = arith.constant 0 : index
    %get3A_2 = vector.load %arg1[%get3A, %get3A_0, %get3A_1] : memref<1x1024x128xf32, #tpu.memory_space<vmem>>, vector<1x1024x128xf32>
    %get3A_3 = vector.shape_cast %get3A_2 : vector<1x1024x128xf32> to vector<1024x128xf32>
    %slice3A = vector.extract_strided_slice %get3A_3 {offsets = [0, 0], sizes = [1024, 64], strides = [1, 1]} : vector<1024x128xf32> to vector<1024x64xf32>
    %get3A_4 = arith.constant 0 : index
    %get3A_5 = arith.constant 0 : index
    %get3A_6 = arith.constant 0 : index
    %get3A_7 = vector.load %arg2[%get3A_4, %get3A_5, %get3A_6] : memref<1x1024x128xf32, #tpu.memory_space<vmem>>, vector<1x1024x128xf32>
    %get3A_8 = vector.shape_cast %get3A_7 : vector<1x1024x128xf32> to vector<1024x128xf32>
    %slice3A_9 = vector.extract_strided_slice %get3A_8 {offsets = [0, 0], sizes = [1024, 64], strides = [1, 1]} : vector<1024x128xf32> to vector<1024x64xf32>
    %get3A_10 = arith.constant 0 : index
    %get3A_11 = arith.constant 0 : index
    %get3A_12 = arith.constant 0 : index
    %get3A_13 = vector.load %arg3[%get3A_10, %get3A_11, %get3A_12] : memref<1x1024x128xf32, #tpu.memory_space<vmem>>, vector<1x1024x128xf32>
    %get3A_14 = vector.shape_cast %get3A_13 : vector<1x1024x128xf32> to vector<1024x128xf32>
    %get3A_15 = arith.constant 0 : index
    %get3A_16 = arith.constant 0 : index
    %get3A_17 = arith.constant 0 : index
    %get3A_18 = vector.load %arg4[%get3A_15, %get3A_16, %get3A_17] : memref<1x1024x256xf32, #tpu.memory_space<vmem>>, vector<1x1024x256xf32>
    %get3A_19 = vector.shape_cast %get3A_18 : vector<1x1024x256xf32> to vector<1024x256xf32>
    %concatenate3A = tpu.concatenate %slice3A, %slice3A_9, %get3A_14, %get3A_19 in 1 : vector<1024x64xf32>, vector<1024x64xf32>, vector<1024x128xf32>, vector<1024x256xf32> -> vector<1024x512xf32>
    %get3A_20 = arith.constant 0 : index
    %get3A_21 = arith.constant 0 : index
    %get3A_22 = vector.load %arg5[%get3A_20, %get3A_21] : memref<1024x512xf32, #tpu.memory_space<vmem>>, vector<1024x512xf32>
    %convert_element_type3A = arith.truncf %concatenate3A : vector<1024x512xf32> to vector<1024x512xbf16>
    %convert_element_type3A_23 = arith.truncf %get3A_22 : vector<1024x512xf32> to vector<1024x512xbf16>
    %dot_general3A = arith.constant dense<0.000000e+00> : vector<1024x1024xf32>
    %dot_general3A_24 = tpu.matmul %convert_element_type3A, %convert_element_type3A_23, %dot_general3A {dimension_numbers = #tpu.dot_dimension_numbers<[1], [1], [0], [0], [0, 0, 1, 0], [], []>, transpose_lhs_hint = false} : vector<1024x512xbf16>, vector<1024x512xbf16>, vector<1024x1024xf32> -> vector<1024x1024xf32>
    %get3A_25 = arith.constant 0 : index
    %get3A_26 = arith.constant 0 : index
    %get3A_27 = vector.load %arg6[%get3A_25, %get3A_26] : memref<1x1024xf32, #tpu.memory_space<vmem>>, vector<1x1024xf32>
    %mul3A = arith.constant 0.999994993 : f32
    %mul3A_28 = vector.broadcast %mul3A : f32 to vector<1x1024xf32>
    %mul3A_29 = arith.mulf %get3A_27, %mul3A_28 : vector<1x1024xf32>
    %mul3A_30 = vector.broadcast %mul3A_29 : vector<1x1024xf32> to vector<1024x1024xf32>
    %mul3A_31 = arith.mulf %dot_general3A_24, %mul3A_30 : vector<1024x1024xf32>
    %get3A_32 = arith.constant 0 : index
    %get3A_33 = arith.constant 0 : index
    %get3A_34 = vector.load %arg7[%get3A_32, %get3A_33] : memref<1x1024xf32, #tpu.memory_space<vmem>>, vector<1x1024xf32>
    %add3A = vector.broadcast %get3A_34 : vector<1x1024xf32> to vector<1024x1024xf32>
    %add3A_35 = arith.addf %mul3A_31, %add3A : vector<1024x1024xf32>
    %ge3A = arith.constant 0.000000e+00 : f32
    %ge3A_36 = vector.broadcast %ge3A : f32 to vector<1024x1024xf32>
    %ge3A_37 = arith.cmpf oge, %add3A_35, %ge3A_36 : vector<1024x1024xf32>
    %mul3A_38 = arith.constant 2.000000e-01 : f32
    %mul3A_39 = vector.broadcast %mul3A_38 : f32 to vector<1024x1024xf32>
    %mul3A_40 = arith.mulf %mul3A_39, %add3A_35 : vector<1024x1024xf32>
    %select_n3A = arith.select %ge3A_37, %add3A_35, %mul3A_40 : vector<1024x1024xi1>, vector<1024x1024xf32>
    %reduce_max3A = arith.constant dense<0xFF800000> : vector<1024xf32>
    %reduce_max3A_41 = vector.multi_reduction <maximumf>, %select_n3A, %reduce_max3A [0] : vector<1024x1024xf32> to vector<1024xf32>
    %broadcast_in_dim3A = vector.shape_cast %reduce_max3A_41 : vector<1024xf32> to vector<1x1024xf32>
    %reduce_sum3A = arith.constant dense<0.000000e+00> : vector<1024xf32>
    %reduce_sum3A_42 = vector.multi_reduction <add>, %select_n3A, %reduce_sum3A [0] : vector<1024x1024xf32> to vector<1024xf32>
    %broadcast_in_dim3A_43 = vector.shape_cast %reduce_sum3A_42 : vector<1024xf32> to vector<1x1024xf32>
    %mul3A_44 = arith.constant 9.765625E-4 : f32
    %mul3A_45 = vector.broadcast %mul3A_44 : f32 to vector<1x1024xf32>
    %mul3A_46 = arith.mulf %broadcast_in_dim3A_43, %mul3A_45 : vector<1x1024xf32>
    %concatenate3A_47 = tpu.concatenate %broadcast_in_dim3A, %mul3A_46 in 1 : vector<1x1024xf32>, vector<1x1024xf32> -> vector<1x2048xf32>
    %get3A_48 = arith.constant 0 : index
    %get3A_49 = arith.constant 0 : index
    %get3A_50 = vector.load %arg8[%get3A_48, %get3A_49] : memref<512x2048xf32, #tpu.memory_space<vmem>>, vector<512x2048xf32>
    %convert_element_type3A_51 = arith.truncf %concatenate3A_47 : vector<1x2048xf32> to vector<1x2048xbf16>
    %convert_element_type3A_52 = arith.truncf %get3A_50 : vector<512x2048xf32> to vector<512x2048xbf16>
    %dot_general3A_53 = arith.constant dense<0.000000e+00> : vector<1x512xf32>
    %dot_general3A_54 = tpu.matmul %convert_element_type3A_51, %convert_element_type3A_52, %dot_general3A_53 {dimension_numbers = #tpu.dot_dimension_numbers<[1], [1], [0], [0], [0, 0, 1, 0], [], []>, transpose_lhs_hint = false} : vector<1x2048xbf16>, vector<512x2048xbf16>, vector<1x512xf32> -> vector<1x512xf32>
    %get3A_55 = arith.constant 0 : index
    %get3A_56 = arith.constant 0 : index
    %get3A_57 = vector.load %arg9[%get3A_55, %get3A_56] : memref<1x512xf32, #tpu.memory_space<vmem>>, vector<1x512xf32>
    %mul3A_58 = arith.constant 0.999994993 : f32
    %mul3A_59 = vector.broadcast %mul3A_58 : f32 to vector<1x512xf32>
    %mul3A_60 = arith.mulf %get3A_57, %mul3A_59 : vector<1x512xf32>
    %mul3A_61 = arith.mulf %dot_general3A_54, %mul3A_60 : vector<1x512xf32>
    %get3A_62 = arith.constant 0 : index
    %get3A_63 = arith.constant 0 : index
    %get3A_64 = vector.load %arg10[%get3A_62, %get3A_63] : memref<1x512xf32, #tpu.memory_space<vmem>>, vector<1x512xf32>
    %add3A_65 = arith.addf %mul3A_61, %get3A_64 : vector<1x512xf32>
    %ge3A_66 = arith.constant 0.000000e+00 : f32
    %ge3A_67 = vector.broadcast %ge3A_66 : f32 to vector<1x512xf32>
    %ge3A_68 = arith.cmpf oge, %add3A_65, %ge3A_67 : vector<1x512xf32>
    %mul3A_69 = arith.constant 2.000000e-01 : f32
    %mul3A_70 = vector.broadcast %mul3A_69 : f32 to vector<1x512xf32>
    %mul3A_71 = arith.mulf %mul3A_70, %add3A_65 : vector<1x512xf32>
    %select_n3A_72 = arith.select %ge3A_68, %add3A_65, %mul3A_71 : vector<1x512xi1>, vector<1x512xf32>
    %get3A_73 = arith.constant 0 : index
    %get3A_74 = arith.constant 0 : index
    %get3A_75 = vector.load %arg11[%get3A_73, %get3A_74] : memref<256x512xf32, #tpu.memory_space<vmem>>, vector<256x512xf32>
    %convert_element_type3A_76 = arith.truncf %select_n3A_72 : vector<1x512xf32> to vector<1x512xbf16>
    %convert_element_type3A_77 = arith.truncf %get3A_75 : vector<256x512xf32> to vector<256x512xbf16>
    %dot_general3A_78 = arith.constant dense<0.000000e+00> : vector<1x256xf32>
    %dot_general3A_79 = tpu.matmul %convert_element_type3A_76, %convert_element_type3A_77, %dot_general3A_78 {dimension_numbers = #tpu.dot_dimension_numbers<[1], [1], [0], [0], [0, 0, 1, 0], [], []>, transpose_lhs_hint = false} : vector<1x512xbf16>, vector<256x512xbf16>, vector<1x256xf32> -> vector<1x256xf32>
    %get3A_80 = arith.constant 0 : index
    %get3A_81 = arith.constant 0 : index
    %get3A_82 = vector.load %arg12[%get3A_80, %get3A_81] : memref<1x256xf32, #tpu.memory_space<vmem>>, vector<1x256xf32>
    %mul3A_83 = arith.constant 0.999994993 : f32
    %mul3A_84 = vector.broadcast %mul3A_83 : f32 to vector<1x256xf32>
    %mul3A_85 = arith.mulf %get3A_82, %mul3A_84 : vector<1x256xf32>
    %mul3A_86 = arith.mulf %dot_general3A_79, %mul3A_85 : vector<1x256xf32>
    %get3A_87 = arith.constant 0 : index
    %get3A_88 = arith.constant 0 : index
    %get3A_89 = vector.load %arg13[%get3A_87, %get3A_88] : memref<1x256xf32, #tpu.memory_space<vmem>>, vector<1x256xf32>
    %add3A_90 = arith.addf %mul3A_86, %get3A_89 : vector<1x256xf32>
    %ge3A_91 = arith.constant 0.000000e+00 : f32
    %ge3A_92 = vector.broadcast %ge3A_91 : f32 to vector<1x256xf32>
    %ge3A_93 = arith.cmpf oge, %add3A_90, %ge3A_92 : vector<1x256xf32>
    %mul3A_94 = arith.constant 2.000000e-01 : f32
    %mul3A_95 = vector.broadcast %mul3A_94 : f32 to vector<1x256xf32>
    %mul3A_96 = arith.mulf %mul3A_95, %add3A_90 : vector<1x256xf32>
    %select_n3A_97 = arith.select %ge3A_93, %add3A_90, %mul3A_96 : vector<1x256xi1>, vector<1x256xf32>
    %get3A_98 = arith.constant 0 : index
    %get3A_99 = arith.constant 0 : index
    %get3A_100 = vector.load %arg14[%get3A_98, %get3A_99] : memref<40x256xf32, #tpu.memory_space<vmem>>, vector<40x256xf32>
    %convert_element_type3A_101 = arith.truncf %select_n3A_97 : vector<1x256xf32> to vector<1x256xbf16>
    %convert_element_type3A_102 = arith.truncf %get3A_100 : vector<40x256xf32> to vector<40x256xbf16>
    %dot_general3A_103 = arith.constant dense<0.000000e+00> : vector<1x40xf32>
    %dot_general3A_104 = tpu.matmul %convert_element_type3A_101, %convert_element_type3A_102, %dot_general3A_103 {dimension_numbers = #tpu.dot_dimension_numbers<[1], [1], [0], [0], [0, 0, 1, 0], [], []>, transpose_lhs_hint = false} : vector<1x256xbf16>, vector<40x256xbf16>, vector<1x40xf32> -> vector<1x40xf32>
    %get3A_105 = arith.constant 0 : index
    %get3A_106 = arith.constant 0 : index
    %get3A_107 = vector.load %arg15[%get3A_105, %get3A_106] : memref<1x40xf32, #tpu.memory_space<vmem>>, vector<1x40xf32>
    %add3A_108 = arith.addf %dot_general3A_104, %get3A_107 : vector<1x40xf32>
    %reduce_max3A_109 = arith.constant dense<0xFF800000> : vector<1xf32>
    %reduce_max3A_110 = vector.multi_reduction <maximumf>, %add3A_108, %reduce_max3A_109 [1] : vector<1x40xf32> to vector<1xf32>
    %broadcast_in_dim3A_111 = vector.shape_cast %reduce_max3A_110 : vector<1xf32> to vector<1x1xf32>
    %sub3A = vector.broadcast %broadcast_in_dim3A_111 : vector<1x1xf32> to vector<1x40xf32>
    %sub3A_112 = arith.subf %add3A_108, %sub3A : vector<1x40xf32>
    %exp3A = math.exp %sub3A_112 : vector<1x40xf32>
    %reduce_sum3A_113 = arith.constant dense<0.000000e+00> : vector<1xf32>
    %reduce_sum3A_114 = vector.multi_reduction <add>, %exp3A, %reduce_sum3A_113 [1] : vector<1x40xf32> to vector<1xf32>
    %broadcast_in_dim3A_115 = vector.shape_cast %reduce_sum3A_114 : vector<1xf32> to vector<1x1xf32>
    %log3A = math.log %broadcast_in_dim3A_115 : vector<1x1xf32>
    %sub3A_116 = vector.broadcast %log3A : vector<1x1xf32> to vector<1x40xf32>
    %sub3A_117 = arith.subf %sub3A_112, %sub3A_116 : vector<1x40xf32>
    %swap3A = arith.constant 0 : index
    %swap3A_118 = arith.constant 0 : index
    %swap3A_119 = arith.constant 0 : index
    %swap3A_120 = vector.load %arg16[%swap3A, %swap3A_118, %swap3A_119] : memref<1x1x40xf32, #tpu.memory_space<vmem>>, vector<1x1x40xf32>
    %swap3A_121 = vector.shape_cast %swap3A_120 : vector<1x1x40xf32> to vector<1x40xf32>
    %swap3A_122 = vector.shape_cast %sub3A_117 : vector<1x40xf32> to vector<1x1x40xf32>
    tpu.vector_store %arg16[%swap3A, %swap3A_118, %swap3A_119], %swap3A_122 {strides = array<i32>} : memref<1x1x40xf32, #tpu.memory_space<vmem>>, vector<1x1x40xf32>,
    %swap3A_123 = arith.constant 0 : index
    %swap3A_124 = arith.constant 0 : index
    %swap3A_125 = arith.constant 0 : index
    %swap3A_126 = vector.load %arg17[%swap3A_123, %swap3A_124, %swap3A_125] : memref<1x1x1024xf32, #tpu.memory_space<vmem>>, vector<1x1x1024xf32>
    %swap3A_127 = vector.shape_cast %swap3A_126 : vector<1x1x1024xf32> to vector<1x1024xf32>
    %swap3A_128 = vector.shape_cast %broadcast_in_dim3A : vector<1x1024xf32> to vector<1x1x1024xf32>
    tpu.vector_store %arg17[%swap3A_123, %swap3A_124, %swap3A_125], %swap3A_128 {strides = array<i32>} : memref<1x1x1024xf32, #tpu.memory_space<vmem>>, vector<1x1x1024xf32>,
    return
  }
  func.func @transform_0(%arg0: i32) -> (i32, i32, i32) {
    %c0_i32 = arith.constant 0 : i32
    %c0_i32_0 = arith.constant 0 : i32
    %c0_i32_1 = arith.constant 0 : i32
    return %arg0, %c0_i32, %c0_i32_0 : i32, i32, i32
  }
  func.func @transform_1(%arg0: i32) -> (i32, i32, i32) {
    %c0_i32 = arith.constant 0 : i32
    %c0_i32_0 = arith.constant 0 : i32
    %c0_i32_1 = arith.constant 0 : i32
    return %arg0, %c0_i32, %c0_i32_0 : i32, i32, i32
  }
  func.func @transform_2(%arg0: i32) -> (i32, i32, i32) {
    %c0_i32 = arith.constant 0 : i32
    %c0_i32_0 = arith.constant 0 : i32
    %c0_i32_1 = arith.constant 0 : i32
    return %arg0, %c0_i32, %c0_i32_0 : i32, i32, i32
  }
  func.func @transform_3(%arg0: i32) -> (i32, i32, i32) {
    %c0_i32 = arith.constant 0 : i32
    %c0_i32_0 = arith.constant 0 : i32
    %c0_i32_1 = arith.constant 0 : i32
    return %arg0, %c0_i32, %c0_i32_0 : i32, i32, i32
  }
  func.func @transform_4(%arg0: i32) -> (i32, i32) {
    %c0_i32 = arith.constant 0 : i32
    %c0_i32_0 = arith.constant 0 : i32
    %c0_i32_1 = arith.constant 0 : i32
    return %c0_i32, %c0_i32_0 : i32, i32
  }
  func.func @transform_5(%arg0: i32) -> (i32, i32) {
    %c0_i32 = arith.constant 0 : i32
    %c0_i32_0 = arith.constant 0 : i32
    %c0_i32_1 = arith.constant 0 : i32
    return %c0_i32, %c0_i32_0 : i32, i32
  }
  func.func @transform_6(%arg0: i32) -> (i32, i32) {
    %c0_i32 = arith.constant 0 : i32
    %c0_i32_0 = arith.constant 0 : i32
    %c0_i32_1 = arith.constant 0 : i32
    return %c0_i32, %c0_i32_0 : i32, i32
  }
  func.func @transform_7(%arg0: i32) -> (i32, i32) {
    %c0_i32 = arith.constant 0 : i32
    %c0_i32_0 = arith.constant 0 : i32
    %c0_i32_1 = arith.constant 0 : i32
    return %c0_i32, %c0_i32_0 : i32, i32
  }
  func.func @transform_8(%arg0: i32) -> (i32, i32) {
    %c0_i32 = arith.constant 0 : i32
    %c0_i32_0 = arith.constant 0 : i32
    %c0_i32_1 = arith.constant 0 : i32
    return %c0_i32, %c0_i32_0 : i32, i32
  }
  func.func @transform_9(%arg0: i32) -> (i32, i32) {
    %c0_i32 = arith.constant 0 : i32
    %c0_i32_0 = arith.constant 0 : i32
    %c0_i32_1 = arith.constant 0 : i32
    return %c0_i32, %c0_i32_0 : i32, i32
  }
  func.func @transform_10(%arg0: i32) -> (i32, i32) {
    %c0_i32 = arith.constant 0 : i32
    %c0_i32_0 = arith.constant 0 : i32
    %c0_i32_1 = arith.constant 0 : i32
    return %c0_i32, %c0_i32_0 : i32, i32
  }
  func.func @transform_11(%arg0: i32) -> (i32, i32) {
    %c0_i32 = arith.constant 0 : i32
    %c0_i32_0 = arith.constant 0 : i32
    %c0_i32_1 = arith.constant 0 : i32
    return %c0_i32, %c0_i32_0 : i32, i32
  }
  func.func @transform_12(%arg0: i32) -> (i32, i32) {
    %c0_i32 = arith.constant 0 : i32
    %c0_i32_0 = arith.constant 0 : i32
    %c0_i32_1 = arith.constant 0 : i32
    return %c0_i32, %c0_i32_0 : i32, i32
  }
  func.func @transform_13(%arg0: i32) -> (i32, i32) {
    %c0_i32 = arith.constant 0 : i32
    %c0_i32_0 = arith.constant 0 : i32
    %c0_i32_1 = arith.constant 0 : i32
    return %c0_i32, %c0_i32_0 : i32, i32
  }
  func.func @transform_14(%arg0: i32) -> (i32, i32) {
    %c0_i32 = arith.constant 0 : i32
    %c0_i32_0 = arith.constant 0 : i32
    %c0_i32_1 = arith.constant 0 : i32
    return %c0_i32, %c0_i32_0 : i32, i32
  }
  func.func @transform_15(%arg0: i32) -> (i32, i32, i32) {
    %c0_i32 = arith.constant 0 : i32
    %c0_i32_0 = arith.constant 0 : i32
    %c0_i32_1 = arith.constant 0 : i32
    return %arg0, %c0_i32, %c0_i32_0 : i32, i32, i32
  }
  func.func @transform_16(%arg0: i32) -> (i32, i32, i32) {
    %c0_i32 = arith.constant 0 : i32
    %c0_i32_0 = arith.constant 0 : i32
    %c0_i32_1 = arith.constant 0 : i32
    return %arg0, %c0_i32, %c0_i32_0 : i32, i32, i32
  }
}

</mosaic_0001>

<sc_bundles>
// kernel: kernel.15.cloned.1.call-start
scs
__scs_entry_jumppad:
0x0: {  	(pc) =	sbr.rel $0x88, $3  }
0x1: {  	(tag) =	ssettag $0x0;
	lr =	simm.s32 $0x1  }
0x2: {  	[smem:$0x3F89] =	sst lr;
	_ =	strace $0xD0000000  }
0x3: {  	_ = 	snop  }
0x4: {  	_ = 	snop  }
0x5: {  	_ = 	snop  }
0x6: {  	_ = 	snop  }
0x7: {  	_ = 	snop  }
__scs_overlays_trampoline_lowered:
0x8: {  	[smem:$0x3F98] =	sst s0  }
0x9: {  	[smem:$0x3F99] =	sst s1  }
0xa: {  	[smem:$0x3F9A] =	sst s2  }
0xb: {  	[smem:$0x3F9B] =	sst s3  }
0xc: {  	[smem:$0x3F9C] =	sst s4  }
0xd: {  	[smem:$0x3F9D] =	sst s5  }
0xe: {  	[smem:$0x3F9E] =	sst s6  }
0xf: {  	[smem:$0x3F9F] =	sst s7  }
0x10: {  	[smem:$0x3FA0] =	sst s8  }
0x11: {  	[smem:$0x3FA1] =	sst s9;
	s0 =	simm.s32 @!p0 $0x0  }
0x12: {  	s1 =	sld [smem:$0x3F87];
	s0 =	simm.s32 @p0 $0x1  }
0x13: {  	[smem:$0x3FA2] =	sst s0;
	s0 =	simm.s32 @!p1 $0x0  }
0x14: {  	s2 =	sld [smem:$0x3F86];
	s0 =	simm.s32 @p1 $0x1  }
0x15: {  	[smem:$0x3FA3] =	sst s0;
	s0 =	simm.s32 @!p2 $0x0  }
0x16: {  	s3 =	sld [smem:$0x3FDB];
	s0 =	simm.s32 @p2 $0x1  }
0x17: {  	s4 =	simm.s32 $0x1BF5;
	[smem:$0x3FA5] =	sst s0  }
0x18: {  	s0 =	sld [smem:$0x3F88];
	_ =	swait.ge [sflag:s4], $0x0  }
0x19: {  	s7 =	sld [smem:$0x3F89]  }
0x1a: {  	s8 =	sadd.s32 $0xFFFFE003, lr  }
0x1b: {  	s9 =	sadd.s32 $0xFFFFFEF7, lr;
	s5 =	simm.s32 $0xFFFFFFFF;
	p2 =	slt.u32 s8, $0xFFFFF086  }
0x1c: {  	p1 =	slt.u32 s9, $0xF7A;
	s5 =	simm.s32 @!p2 $0x0  }
0x1d: {  	s5 =	simm.s32 @p1 $0x1;
	p0 =	seq.s32 s7, s2  }
0x1e: {  	s7 =	smul.u32 @!p0 $0xF7A, s2;
	p2 =	seq.s32 @!p0 s5, $0x0  }
0x1f: {  	s9 =	smul.u32 $0xF7A, s1;
	s8 =	simm.s32 @!p0 $0x1BF5;
	p2 =	por !p2, p0  }
0x20: {  	[sflag:s8] =	ssyncset.s32 @!p0 $0xFFFFF086;
	s6 =	sadd.s32 @!p0 s3, s7;
	s7 =	simm.s32 @!p0 $0x108  }
0x21: {  	s3 =	sadd.s32 s3, s9;
	s6 =	sadd.s32 @!p0 $0x88, s6;
	s7 =	simm.s32 @p2 $0x1082  }
0x22: {  	[simem:s7], [sflag:s8] =	dma.local @!p0 [hbm:s6], $0xF7A  }
0x23: {  	s9 =	sor.u32 $0xD0000000, s2;
	s6 =	simm.s32 $0x108;
	_ =	swait.ge @!p0 [sflag:s8], $0x0  }
0x24: {  	s3 =	sadd.s32 $0x88, s3;
	s6 =	simm.s32 @!p1 $0x1082;
	[sflag:s4] =	ssyncset.s32 $0xFFFFF086  }
0x25: {  	[simem:s6], [sflag:s4] =	dma.local [hbm:s3], $0xF7A  }
0x26: {  	[smem:$0x3F89] =	sst s1;
	(tag) =	ssettag s2;
	_ =	strace s9  }
0x27: {  	s1 =	sld [smem:$0x3F99]  }
0x28: {  	s2 =	sld [smem:$0x3F9A]  }
0x29: {  	s4 =	sld [smem:$0x3F9C]  }
0x2a: {  	p0 =	seq.s32 s5, $0x0;
	s5 =	sld [smem:$0x3F9D]  }
0x2b: {  	s6 =	sld [smem:$0x3F9E]  }
0x2c: {  	s7 =	sld [smem:$0x3F9F]  }
0x2d: {  	s3 =	simm.s32 $0x108;
	s8 =	sld [smem:$0x3FA0]  }
0x2e: {  	s3 =	simm.s32 @!p0 $0x1082;
	s9 =	sld [smem:$0x3FA1]  }
0x2f: {  	lr =	sadd.s32 s0, s3;
	s0 =	sld [smem:$0x3F98]  }
0x30: {  	s3 =	sld [smem:$0x3F9B]  }
0x31: {  	[smem:$0x3FA4] =	sst s10  }
0x32: {  	s10 =	sld [smem:$0x3FA2];
	_ =	sdelay $0x3  }
0x33: {  	p0 =	seq.s32 s10, $0x1;
	s10 =	sld [smem:$0x3FA4];
	_ =	sdelay $0x3  }
0x34: {  	[smem:$0x3FA4] =	sst s10  }
0x35: {  	s10 =	sld [smem:$0x3FA3];
	_ =	sdelay $0x3  }
0x36: {  	p1 =	seq.s32 s10, $0x1;
	s10 =	sld [smem:$0x3FA4];
	_ =	sdelay $0x3  }
0x37: {  	[smem:$0x3FA4] =	sst s10  }
0x38: {  	s10 =	sld [smem:$0x3FA5]  }
0x39: {  	_ = 	snop;
	(pc) =	sbr.ind lr, $3  }
0x3a: {  	_ = 	snop  }
0x3b: {  	_ = 	snop  }
0x3c: {  	p2 =	seq.s32 s10, $0x1;
	s10 =	sld [smem:$0x3FA4]  }
0x3d: {  	_ =	shalt  }
0x3e: {  	_ =	shalt  }
0x3f: {  	_ =	shalt  }
0x40: {  	_ =	shalt  }
0x41: {  	_ =	shalt  }
0x42: {  	_ =	shalt  }
0x43: {  	_ =	shalt  }
0x44: {  	_ =	shalt  }
0x45: {  	_ =	shalt  }
0x46: {  	_ =	shalt  }
0x47: {  	_ =	shalt  }
0x48: {  	_ =	shalt  }
0x49: {  	_ =	shalt  }
0x4a: {  	_ =	shalt  }
0x4b: {  	_ =	shalt  }
0x4c: {  	_ =	shalt  }
0x4d: {  	_ =	shalt  }
0x4e: {  	_ =	shalt  }
0x4f: {  	_ =	shalt  }
0x50: {  	_ =	shalt  }
0x51: {  	_ =	shalt  }
0x52: {  	_ =	shalt  }
0x53: {  	_ =	shalt  }
0x54: {  	_ =	shalt  }
0x55: {  	_ =	shalt  }
0x56: {  	_ =	shalt  }
0x57: {  	_ =	shalt  }
0x58: {  	_ =	shalt  }
0x59: {  	_ =	shalt  }
0x5a: {  	_ =	shalt  }
0x5b: {  	_ =	shalt  }
0x5c: {  	_ =	shalt  }
0x5d: {  	_ =	shalt  }
0x5e: {  	_ =	shalt  }
0x5f: {  	_ =	shalt  }
0x60: {  	_ =	shalt  }
0x61: {  	_ =	shalt  }
0x62: {  	_ =	shalt  }
0x63: {  	_ =	shalt  }
0x64: {  	_ =	shalt  }
0x65: {  	_ =	shalt  }
0x66: {  	_ =	shalt  }
0x67: {  	_ =	shalt  }
0x68: {  	_ =	shalt  }
0x69: {  	_ =	shalt  }
0x6a: {  	_ =	shalt  }
0x6b: {  	_ =	shalt  }
0x6c: {  	_ =	shalt  }
0x6d: {  	_ =	shalt  }
0x6e: {  	_ =	shalt  }
0x6f: {  	_ =	shalt  }
0x70: {  	_ =	shalt  }
0x71: {  	_ =	shalt  }
0x72: {  	_ =	shalt  }
0x73: {  	_ =	shalt  }
0x74: {  	_ =	shalt  }
0x75: {  	_ =	shalt  }
0x76: {  	_ =	shalt  }
0x77: {  	_ =	shalt  }
0x78: {  	_ =	shalt  }
0x79: {  	_ =	shalt  }
0x7a: {  	_ =	shalt  }
0x7b: {  	_ =	shalt  }
0x7c: {  	_ =	shalt  }
0x7d: {  	_ =	shalt  }
0x7e: {  	_ =	shalt  }
0x7f: {  	_ =	shalt  }
0x80: {  	_ =	shalt  }
0x81: {  	_ =	shalt  }
0x82: {  	_ =	shalt  }
0x83: {  	_ =	shalt  }
0x84: {  	_ =	shalt  }
0x85: {  	_ =	shalt  }
0x86: {  	_ =	shalt  }
0x87: {  	_ =	shalt  }
.Lfunc_end0:
.L_simem_size_0:
called_computation_lowered:
.L_overlay_start_0:
0x88: {  	s2 =	sld [smem:$0x3FD9]  }
0x89: {  	s3 =	sld [smem:$0x3FFE];
	_ =	sdelay $0x1  }
0x8a: {  	s1 =	srdreg.scid  }
0x8b: {  	s0 =	sand.u32 $0x1, s1  }
0x8c: {  	s16 =	sshll.u32 s0, $0xA;
	s2 =	sadd.s32 s3, s2  }
0x8d: {  	s2 =	sadd.s32 s2, s16  }
0x8e: {  	[smem:$0x3FB0] =	sst s2  }
0x8f: {  	_ = 	snop  }
0x90: {  	(tm) =	ssettm $0x1  }
0x91: {  	s17 =	sld [smem:$0x3FFB];
	_ =	sdelay $0x3  }
0x92: {  	_ =	strace s17  }
0x93: {  	s2 =	sld [smem:$0x3FFC];
	_ =	sdelay $0x3  }
0x94: {  	_ =	strace s2  }
0x95: {  	s2 =	sld [smem:$0x3FFD];
	_ =	sdelay $0x3  }
0x96: {  	_ =	strace s2  }
0x97: {  	_ =	strace $0x8FFFFFFF  }
0x98: {  	s18 =	sld [smem:$0x3FDB];
	_ =	sdelay $0x1  }
0x99: {  	s19 =	simm.s32 $_scs_section_size  }
0x9a: {  	s4 =	simm.s32 $_size__tile_overlayer_lowered;
	s5 =	simm.s32 $_tile_overlayer_lowered  }
0x9b: {  	s22 =	simm.s32 $0x1BFF;
	s21 =	sshll.u32 s5, $0x1;
	s2 =	sadd.s32 s19, s18  }
0x9c: {  	s6 =	simm.s32 $0x0;
	s20 =	sshll.u32 s4, $0x1;
	s4 =	sadd.s32 s21, s2  }
0x9d: {  	[timem:s6], [sflag:s22] =	dma.local [hbm:s4], s20  }
0x9e: {  	_ =	swait.ge [sflag:s22], s20  }
0x9f: {  	s3 =	ssub.s32 $0x0, s20;
	[sflag:s22] =	ssyncset.done $0x0  }
0xa0: {  	[sflag:s22] =	ssyncadd.s32 s3;
	_ =	sdelay $0x1  }
0xa1: {  	s23 =	simm.s32 $0x1B8B  }
0xa2: {  	_ =	swait.ge [sflag:s23], $0x1  }
0xa3: {  	[sflag:s23] =	ssyncset.done $0x0  }
0xa4: {  	s25 =	simm.s32 $0x1B8E;
	s24 =	sld [smem:$0x3FFE];
	[sflag:s23] =	ssyncadd.s32 $0xFFFFFFFF  }
0xa5: {  	s26 =	simm.s32 $execute0_lowered;
	[smem:$0x3FD2] =	sst s25  }
0xa6: {  	s4 =	sshll.u32 s26, $0x1;
	_ =	strace $0x80000046;
	[dreg:$0x1] =	wrdreg $0xFFFFFFFF  }
0xa7: {  	s28 =	simm.s32 $_size_execute0_lowered;
	s2 =	sadd.s32 s2, s4;
	[dreg:$0x0] =	wrdreg $0x0  }
0xa8: {  	s4 =	sshll.u32 s28, $0x1;
	[dreg:$0x2] =	wrdreg s2  }
0xa9: {  	[dreg:$0x3] =	wrdreg s4  }
0xaa: {  	[dreg:$0x4] =	wrdreg $0xC0  }
0xab: {  	_ =	task [dreg:s6], $0x5FFFF  }
0xac: {  	[dreg:$0x1] =	wrdreg $0xFFFFFFFF  }
0xad: {  	[dreg:$0x0] =	wrdreg $0x60  }
0xae: {  	[dreg:$0x2] =	wrdreg s24  }
0xaf: {  	[dreg:$0x3] =	wrdreg $0x9  }
0xb0: {  	_ =	task.clear_ibuf [dreg:s6], $0x4FFFF;
	_ =	strace $0x90000046  }
0xb1: {  	s29 =	simm.s32 $0x9;
	_ =	strace $0x80000048  }
0xb2: {  	_ =	swait.ge [sflag:s29], $0x1  }
0xb3: {  	[sflag:s29] =	ssyncadd.s32 $0xFFFFFFFF  }
0xb4: {  	_ =	strace $0x90000048  }
0xb5: {  	_ =	sfence  }
0xb6: {  	s30 =	sld [smem:$0x0];
	_ =	sdelay $0x2  }
0xb7: {  	s31 =	sshll.u32 s1, $0xD;
	s1 =	sshrl.u32 s1, $0x2  }
0xb8: {  	s3 =	sand.u32 $0x4000, s31;
	s1 =	sadd.s32 s1, s30  }
0xb9: {  	s0 =	sor.u32 s3, s0;
	s1 =	sshll.u32 s1, $0x11  }
0xba: {  	s0 =	sor.u32 s1, s0  }
0xbb: {  	s0 =	sadd.s32 $0x8F2B, s0  }
0xbc: {  	[sflag:s0] =	ssyncadd.remote.s32 $0x1  }
0xbd: {  	_ =	sfence.sel $0xFFFF  }
0xbe: {  	[dreg:$0x0] =	wrdreg $0xFFFFFFFF;
	(pc) =	sbr.abs _section_cstart, $3  }
0xbf: {  	[dreg:$0x1] =	wrdreg $0xFFFFFFFF  }
0xc0: {  	_ =	task.clear_ibuf [dreg:s6], $0x2FFFF;
	_ =	strace $0x9FFFFFFF  }
0xc1: {  	(tm) =	ssettm $0x7FFFFFFF  }
tec
execute0_lowered:
.L_overlay_start_1:
0x0: {  	(tag) =	ssettag $0x1  }
0x1: {  	s1 =	srdreg.scid  }
0x2: {  	s0 =	stileid.u32;
	s4 =	rddreg [dreg:$0x0];
	s2 =	simm.s32 $0x0  }
0x3: {  	s13 =	simm.s32 $0x1400;
	s14 =	simm.s32 $0x3C00;
	s15 =	simm.s32 $0xA0  }
0x4: {  	s16 =	simm.s32 $0x6400;
	s17 =	simm.s32 $0xF0;
	s18 =	simm.s32 $0x8C00  }
0x5: {  	s19 =	simm.s32 $0x1;
	s20 =	simm.s32 $0x5;
	s21 =	simm.s32 $0x2  }
0x6: {  	s22 =	simm.s32 $0x6;
	s23 =	simm.s32 $0x3;
	s24 =	simm.s32 $0x7  }
0x7: {  	s25 =	simm.s32 $0x4;
	s26 =	simm.s32 $0x8;
	s28 =	simm.s32 $0x0  }
0x8: {  	s8 =	sand.u32 $0x1, s1;
	s3 =	sshll.u32 s0, $0x1;
	[smem:$0x7FF] =	sst s2  }
0x9: {  	s11 =	sadd.s32 $0x2A400, s4;
	s31 =	smul.u32 $0x28000, s0;
	s5 =	sor.u32 s8, s3  }
0xa: {  	_ =	strace $0x80000047;
	s7 =	ssub.s32 $0x2, s8;
	s6 =	smul.u32 $0x1400, s5  }
0xb: {  	s3 =	sadd.s32 $0x5400, s4;
	s9 =	sshrl.u32 s7, $0x1;
	s10 =	smul.u32 $0x14000, s5  }
0xc: {  	s12 =	smul.u32 $0x14000, s8;
	s29 =	ssub.s32 s7, s9;
	s6 =	sshrl.u32 s6, $0x3  }
0xd: {  	s5 =	smax.u32 s29, $0x1;
	s30 =	sadd.s32 s11, s10;
	s10 =	sadd.s32 s31, s11  }
0xe: {  	s11 =	simm.s32 $0x9;
	s6 =	sadd.s32 s6, s4;
	s7 =	sadd.s32 $0x13100, s30  }
0xf: {  	s8 =	sadd.s32 $0x13600, s30;
	s9 =	sadd.s32 $0x13B00, s30;
	s10 =	sadd.s32 s12, s10  }
0x10: {  	s12 =	simm.s32 $0x50;
	s4 =	sadd.s32 $0x25400, s6;
	s6 =	sadd.s32 $0x12C00, s30  }
.LBB2_1:
0x11: {  	[tilespmem:s2], [sflag:$0x9] =	stream.linear.gather [hbm4b:s4+s2], $0x1400, $0x38;
	[tilespmem:$0xB400] =	vst v63  }
0x12: {  	_ =	swait.ge [sflag:s11], $0x1400  }
0x13: {  	[sflag:s11] =	ssyncset.done $0x0  }
0x14: {  	[sflag:s11] =	ssyncadd.s32 $0xFFFFEC00  }
0x15: {  	[tilespmem:s13], [sflag:$0x1] =	stream.indirect.gather [hbm4b:s3+s12], $0x80, s2, s12, $0xb8;
	[tilespmem:$0xB400] =	vst v63  }
0x16: {  	_ = 	snop  }
0x17: {  	[tilespmem:s14], [sflag:$0x2] =	stream.indirect.gather [hbm4b:s3+s12], $0x80, s12, s12, $0xb8;
	[tilespmem:$0xB400] =	vst v63  }
0x18: {  	_ = 	snop  }
0x19: {  	[tilespmem:s16], [sflag:$0x3] =	stream.indirect.gather [hbm4b:s3+s12], $0x80, s15, s12, $0xb8;
	[tilespmem:$0xB400] =	vst v63  }
0x1a: {  	_ = 	snop  }
0x1b: {  	[tilespmem:s18], [sflag:$0x4] =	stream.indirect.gather [hbm4b:s3+s12], $0x80, s17, s12, $0xb8;
	[tilespmem:$0xB400] =	vst v63  }
0x1c: {  	_ =	swait.ge [sflag:s19], $0x2800  }
0x1d: {  	[sflag:s19] =	ssyncset.done $0x0  }
0x1e: {  	s29 =	sadd.s32 $0x0, s10;
	[sflag:s19] =	ssyncadd.s32 $0xFFFFD800  }
0x1f: {  	[hbm4b:s29+s2] =	stream.linear.scatter [tilespmem:s13], [sflag:$0x5], $0x2800, $0x38;
	[tilespmem:$0xB400] =	vst v63  }
0x20: {  	_ =	swait.ge [sflag:s20], $0x2800  }
0x21: {  	[sflag:s20] =	ssyncset.done $0x0  }
0x22: {  	s30 =	simm.s32 $0x140;
	[sflag:s20] =	ssyncadd.s32 $0xFFFFD800  }
0x23: {  	[tilespmem:s13], [sflag:$0x1] =	stream.indirect.gather [hbm4b:s3+s12], $0x80, s30, s12, $0xb8;
	[tilespmem:$0xB400] =	vst v63  }
0x24: {  	_ =	swait.ge [sflag:s21], $0x2800  }
0x25: {  	[sflag:s21] =	ssyncset.done $0x0  }
0x26: {  	s30 =	sadd.s32 $0x500, s29;
	[sflag:s21] =	ssyncadd.s32 $0xFFFFD800  }
0x27: {  	[hbm4b:s30+s2] =	stream.linear.scatter [tilespmem:s14], [sflag:$0x6], $0x2800, $0x38;
	[tilespmem:$0xB400] =	vst v63  }
0x28: {  	_ =	swait.ge [sflag:s22], $0x2800  }
0x29: {  	[sflag:s22] =	ssyncset.done $0x0  }
0x2a: {  	s30 =	simm.s32 $0x190;
	[sflag:s22] =	ssyncadd.s32 $0xFFFFD800  }
0x2b: {  	[tilespmem:s14], [sflag:$0x2] =	stream.indirect.gather [hbm4b:s3+s12], $0x80, s30, s12, $0xb8;
	[tilespmem:$0xB400] =	vst v63  }
0x2c: {  	_ =	swait.ge [sflag:s23], $0x2800  }
0x2d: {  	[sflag:s23] =	ssyncset.done $0x0  }
0x2e: {  	s30 =	sadd.s32 $0xA00, s29;
	[sflag:s23] =	ssyncadd.s32 $0xFFFFD800  }
0x2f: {  	[hbm4b:s30+s2] =	stream.linear.scatter [tilespmem:s16], [sflag:$0x7], $0x2800, $0x38;
	[tilespmem:$0xB400] =	vst v63  }
0x30: {  	_ =	swait.ge [sflag:s24], $0x2800  }
0x31: {  	[sflag:s24] =	ssyncset.done $0x0  }
0x32: {  	s30 =	simm.s32 $0x1E0;
	[sflag:s24] =	ssyncadd.s32 $0xFFFFD800  }
0x33: {  	[tilespmem:s16], [sflag:$0x3] =	stream.indirect.gather [hbm4b:s3+s12], $0x80, s30, s12, $0xb8;
	[tilespmem:$0xB400] =	vst v63  }
0x34: {  	_ =	swait.ge [sflag:s25], $0x2800  }
0x35: {  	[sflag:s25] =	ssyncset.done $0x0  }
0x36: {  	s29 =	sadd.s32 $0xF00, s29;
	[sflag:s25] =	ssyncadd.s32 $0xFFFFD800  }
0x37: {  	[hbm4b:s29+s2] =	stream.linear.scatter [tilespmem:s18], [sflag:$0x8], $0x2800, $0x38;
	[tilespmem:$0xB400] =	vst v63  }
0x38: {  	_ =	swait.ge [sflag:s26], $0x2800  }
0x39: {  	s31 =	simm.s32 $0x370;
	[sflag:s26] =	ssyncset.done $0x0  }
0x3a: {  	s30 =	simm.s32 $0x1400;
	s29 =	simm.s32 $0x230;
	[sflag:s26] =	ssyncadd.s32 $0xFFFFD800  }
.LBB2_2:
0x3b: {  	[tilespmem:s18], [sflag:$0x4] =	stream.indirect.gather [hbm4b:s3+s12], $0x80, s29, s12, $0xb8;
	[tilespmem:$0xB400] =	vst v63  }
0x3c: {  	s1 =	smov.u32 s30;
	s29 =	smov.u32 s31  }
0x3d: {  	p0 =	sne.s32 s30, $0x11800;
	s30 =	sadd.s32 $0x1400, s30;
	_ =	swait.ge [sflag:s19], $0x2800  }
0x3e: {  	[sflag:s19] =	ssyncset.done $0x0  }
0x3f: {  	s1 =	sadd.s32 s1, s10;
	[sflag:s19] =	ssyncadd.s32 $0xFFFFD800  }
0x40: {  	[hbm4b:s1+s2] =	stream.linear.scatter [tilespmem:s13], [sflag:$0x5], $0x2800, $0x38;
	[tilespmem:$0xB400] =	vst v63  }
0x41: {  	_ =	swait.ge [sflag:s20], $0x2800  }
0x42: {  	[sflag:s20] =	ssyncset.done $0x0  }
0x43: {  	s0 =	sadd.s32 $0xFFFFFF10, s31;
	[sflag:s20] =	ssyncadd.s32 $0xFFFFD800  }
0x44: {  	[tilespmem:s13], [sflag:$0x1] =	stream.indirect.gather [hbm4b:s3+s12], $0x80, s0, s12, $0xb8;
	[tilespmem:$0xB400] =	vst v63  }
0x45: {  	_ =	swait.ge [sflag:s21], $0x2800  }
0x46: {  	[sflag:s21] =	ssyncset.done $0x0  }
0x47: {  	s0 =	sadd.s32 $0x500, s1;
	[sflag:s21] =	ssyncadd.s32 $0xFFFFD800  }
0x48: {  	[hbm4b:s0+s2] =	stream.linear.scatter [tilespmem:s14], [sflag:$0x6], $0x2800, $0x38;
	[tilespmem:$0xB400] =	vst v63  }
0x49: {  	_ =	swait.ge [sflag:s22], $0x2800  }
0x4a: {  	[sflag:s22] =	ssyncset.done $0x0  }
0x4b: {  	s0 =	sadd.s32 $0xFFFFFF60, s31;
	[sflag:s22] =	ssyncadd.s32 $0xFFFFD800  }
0x4c: {  	[tilespmem:s14], [sflag:$0x2] =	stream.indirect.gather [hbm4b:s3+s12], $0x80, s0, s12, $0xb8;
	[tilespmem:$0xB400] =	vst v63  }
0x4d: {  	_ =	swait.ge [sflag:s23], $0x2800  }
0x4e: {  	[sflag:s23] =	ssyncset.done $0x0  }
0x4f: {  	s0 =	sadd.s32 $0xA00, s1;
	[sflag:s23] =	ssyncadd.s32 $0xFFFFD800  }
0x50: {  	[hbm4b:s0+s2] =	stream.linear.scatter [tilespmem:s16], [sflag:$0x7], $0x2800, $0x38;
	[tilespmem:$0xB400] =	vst v63  }
0x51: {  	_ =	swait.ge [sflag:s24], $0x2800  }
0x52: {  	[sflag:s24] =	ssyncset.done $0x0  }
0x53: {  	s0 =	sadd.s32 $0xFFFFFFB0, s31;
	[sflag:s24] =	ssyncadd.s32 $0xFFFFD800  }
0x54: {  	[tilespmem:s16], [sflag:$0x3] =	stream.indirect.gather [hbm4b:s3+s12], $0x80, s0, s12, $0xb8;
	[tilespmem:$0xB400] =	vst v63  }
0x55: {  	_ =	swait.ge [sflag:s25], $0x2800  }
0x56: {  	[sflag:s25] =	ssyncset.done $0x0  }
.Ltmp0:
0x57: {  	s0 =	sadd.s32 $0xF00, s1;
	[sflag:s25] =	ssyncadd.s32 $0xFFFFD800;
	(pc) =	sbr.rel @p0 .LBB2_2-.Ltmp0, $4  }
0x58: {  	[hbm4b:s0+s2] =	stream.linear.scatter [tilespmem:s18], [sflag:$0x8], $0x2800, $0x38;
	[tilespmem:$0xB400] =	vst v63  }
0x59: {  	_ =	swait.ge [sflag:s26], $0x2800  }
0x5a: {  	[sflag:s26] =	ssyncset.done $0x0  }
0x5b: {  	s31 =	sadd.s32 $0x140, s31;
	[sflag:s26] =	ssyncadd.s32 $0xFFFFD800  }
0x5c: {  	[tilespmem:s18], [sflag:$0x4] =	stream.indirect.gather [hbm4b:s3+s12], $0x80, s29, s12, $0xb8;
	[tilespmem:$0xB400] =	vst v63  }
0x5d: {  	_ =	swait.ge [sflag:s19], $0x2800  }
0x5e: {  	[sflag:s19] =	ssyncset.done $0x0  }
0x5f: {  	[sflag:s19] =	ssyncadd.s32 $0xFFFFD800  }
0x60: {  	[hbm4b:s6+s2] =	stream.linear.scatter [tilespmem:s13], [sflag:$0x5], $0x2800, $0x38;
	[tilespmem:$0xB400] =	vst v63  }
0x61: {  	_ =	swait.ge [sflag:s20], $0x2800  }
0x62: {  	[sflag:s20] =	ssyncset.done $0x0  }
0x63: {  	[sflag:s20] =	ssyncadd.s32 $0xFFFFD800  }
0x64: {  	_ =	swait.ge [sflag:s21], $0x2800  }
0x65: {  	[sflag:s21] =	ssyncset.done $0x0  }
0x66: {  	[sflag:s21] =	ssyncadd.s32 $0xFFFFD800  }
0x67: {  	[hbm4b:s7+s2] =	stream.linear.scatter [tilespmem:s14], [sflag:$0x6], $0x2800, $0x38;
	[tilespmem:$0xB400] =	vst v63  }
0x68: {  	_ =	swait.ge [sflag:s22], $0x2800  }
0x69: {  	[sflag:s22] =	ssyncset.done $0x0  }
0x6a: {  	[sflag:s22] =	ssyncadd.s32 $0xFFFFD800  }
0x6b: {  	_ =	swait.ge [sflag:s23], $0x2800  }
0x6c: {  	[sflag:s23] =	ssyncset.done $0x0  }
0x6d: {  	[sflag:s23] =	ssyncadd.s32 $0xFFFFD800  }
0x6e: {  	[hbm4b:s8+s2] =	stream.linear.scatter [tilespmem:s16], [sflag:$0x7], $0x2800, $0x38;
	[tilespmem:$0xB400] =	vst v63  }
0x6f: {  	_ =	swait.ge [sflag:s24], $0x2800  }
0x70: {  	[sflag:s24] =	ssyncset.done $0x0  }
0x71: {  	[sflag:s24] =	ssyncadd.s32 $0xFFFFD800  }
0x72: {  	s28 =	sadd.s32 $0x1, s28;
	_ =	swait.ge [sflag:s25], $0x2800  }
0x73: {  	p0 =	sne.s32 s28, s5;
	[sflag:s25] =	ssyncset.done $0x0  }
.Ltmp1:
0x74: {  	[sflag:s25] =	ssyncadd.s32 $0xFFFFD800;
	(pc) =	sbr.rel @p0 .LBB2_1-.Ltmp1, $4  }
0x75: {  	[hbm4b:s9+s2] =	stream.linear.scatter [tilespmem:s18], [sflag:$0x8], $0x2800, $0x38;
	[tilespmem:$0xB400] =	vst v63  }
0x76: {  	_ =	swait.ge [sflag:s26], $0x2800  }
0x77: {  	[sflag:s26] =	ssyncset.done $0x0  }
0x78: {  	[sflag:s26] =	ssyncadd.s32 $0xFFFFD800  }
0x79: {  	_ =	sfence.sel $0x180000  }
0x7a: {  	[bflag:$0x0] =	sbarrier.arrive $0xFFFF  }
0x7b: {  	_ =	strace $0x90000047  }
0x7c: {  	s0 =	stileid.u32;
	[bflag:$0x2] =	sbarrier.arrive $0xFFFF  }
0x7d: {  	p0 =	sne.s32 s0, $0x0;
	s0 =	rddreg [dreg:$0x1]  }
0x7e: {  	s0 =	sadd.s32 @!p0 $0x100000, s0  }
0x7f: {  	[sflag:s0] =	ssyncadd.tile.s32 @!p0 $0x1;
	_ =	shalt  }
.Lfunc_end2:
_tile_overlayer_lowered:
.L_overlay_start_2:
0x80: {  	(tag) =	ssettag $0x2  }
0x81: {  	s0 =	rddreg [dreg:$0x0];
	s2 =	stileid.u32  }
0x82: {  	s1 =	rddreg [dreg:$0x1];
	p0 =	sne.s32 s2, $0x0  }
0x83: {  	s3 =	rddreg [dreg:$0x2];
	[bflag:$0x3] =	sbarrier.arrive $0xFFFF;
	s2 =	simm.s32 @!p0 $0x1C09  }
0x84: {  	[timem:s3], [sflag:s2] =	dma.local @!p0 [hbm:s0], s1  }
0x85: {  	s0 =	simm.s32 @!p0 $0x9  }
0x86: {  	_ =	swait.ge @!p0 [sflag:s0], s1  }
0x87: {  	s1 =	ssub.s32 @!p0 $0x0, s1;
	[sflag:s0] =	ssyncset.done @!p0 $0x0  }
0x88: {  	[sflag:s0] =	ssyncadd.s32 @!p0 s1  }
0x89: {  	[bflag:$0x3] =	sbarrier.arrive $0xFFFF  }
0x8a: {  	_ =	shalt  }

// kernel: kernel.18.cloned.1.call-start
scs
__scs_entry_jumppad:
0x0: {  	(pc) =	sbr.rel $0x88, $3  }
0x1: {  	(tag) =	ssettag $0x0;
	lr =	simm.s32 $0x1  }
0x2: {  	[smem:$0x3F89] =	sst lr;
	_ =	strace $0xD0000000  }
0x3: {  	_ = 	snop  }
0x4: {  	_ = 	snop  }
0x5: {  	_ = 	snop  }
0x6: {  	_ = 	snop  }
0x7: {  	_ = 	snop  }
__scs_overlays_trampoline_lowered:
0x8: {  	[smem:$0x3F98] =	sst s0  }
0x9: {  	[smem:$0x3F99] =	sst s1  }
0xa: {  	[smem:$0x3F9A] =	sst s2  }
0xb: {  	[smem:$0x3F9B] =	sst s3  }
0xc: {  	[smem:$0x3F9C] =	sst s4  }
0xd: {  	[smem:$0x3F9D] =	sst s5  }
0xe: {  	[smem:$0x3F9E] =	sst s6  }
0xf: {  	[smem:$0x3F9F] =	sst s7  }
0x10: {  	[smem:$0x3FA0] =	sst s8  }
0x11: {  	[smem:$0x3FA1] =	sst s9;
	s0 =	simm.s32 @!p0 $0x0  }
0x12: {  	s1 =	sld [smem:$0x3F87];
	s0 =	simm.s32 @p0 $0x1  }
0x13: {  	[smem:$0x3FA2] =	sst s0;
	s0 =	simm.s32 @!p1 $0x0  }
0x14: {  	s2 =	sld [smem:$0x3F86];
	s0 =	simm.s32 @p1 $0x1  }
0x15: {  	[smem:$0x3FA3] =	sst s0;
	s0 =	simm.s32 @!p2 $0x0  }
0x16: {  	s3 =	sld [smem:$0x3FDB];
	s0 =	simm.s32 @p2 $0x1  }
0x17: {  	s4 =	simm.s32 $0x1BF5;
	[smem:$0x3FA5] =	sst s0  }
0x18: {  	s0 =	sld [smem:$0x3F88];
	_ =	swait.ge [sflag:s4], $0x0  }
0x19: {  	s7 =	sld [smem:$0x3F89]  }
0x1a: {  	s8 =	sadd.s32 $0xFFFFE003, lr  }
0x1b: {  	s9 =	sadd.s32 $0xFFFFFEF7, lr;
	s5 =	simm.s32 $0xFFFFFFFF;
	p2 =	slt.u32 s8, $0xFFFFF086  }
0x1c: {  	p1 =	slt.u32 s9, $0xF7A;
	s5 =	simm.s32 @!p2 $0x0  }
0x1d: {  	s5 =	simm.s32 @p1 $0x1;
	p0 =	seq.s32 s7, s2  }
0x1e: {  	s7 =	smul.u32 @!p0 $0xF7A, s2;
	p2 =	seq.s32 @!p0 s5, $0x0  }
0x1f: {  	s9 =	smul.u32 $0xF7A, s1;
	s8 =	simm.s32 @!p0 $0x1BF5;
	p2 =	por !p2, p0  }
0x20: {  	[sflag:s8] =	ssyncset.s32 @!p0 $0xFFFFF086;
	s6 =	sadd.s32 @!p0 s3, s7;
	s7 =	simm.s32 @!p0 $0x108  }
0x21: {  	s3 =	sadd.s32 s3, s9;
	s6 =	sadd.s32 @!p0 $0x88, s6;
	s7 =	simm.s32 @p2 $0x1082  }
0x22: {  	[simem:s7], [sflag:s8] =	dma.local @!p0 [hbm:s6], $0xF7A  }
0x23: {  	s9 =	sor.u32 $0xD0000000, s2;
	s6 =	simm.s32 $0x108;
	_ =	swait.ge @!p0 [sflag:s8], $0x0  }
0x24: {  	s3 =	sadd.s32 $0x88, s3;
	s6 =	simm.s32 @!p1 $0x1082;
	[sflag:s4] =	ssyncset.s32 $0xFFFFF086  }
0x25: {  	[simem:s6], [sflag:s4] =	dma.local [hbm:s3], $0xF7A  }
0x26: {  	[smem:$0x3F89] =	sst s1;
	(tag) =	ssettag s2;
	_ =	strace s9  }
0x27: {  	s1 =	sld [smem:$0x3F99]  }
0x28: {  	s2 =	sld [smem:$0x3F9A]  }
0x29: {  	s4 =	sld [smem:$0x3F9C]  }
0x2a: {  	p0 =	seq.s32 s5, $0x0;
	s5 =	sld [smem:$0x3F9D]  }
0x2b: {  	s6 =	sld [smem:$0x3F9E]  }
0x2c: {  	s7 =	sld [smem:$0x3F9F]  }
0x2d: {  	s3 =	simm.s32 $0x108;
	s8 =	sld [smem:$0x3FA0]  }
0x2e: {  	s3 =	simm.s32 @!p0 $0x1082;
	s9 =	sld [smem:$0x3FA1]  }
0x2f: {  	lr =	sadd.s32 s0, s3;
	s0 =	sld [smem:$0x3F98]  }
0x30: {  	s3 =	sld [smem:$0x3F9B]  }
0x31: {  	[smem:$0x3FA4] =	sst s10  }
0x32: {  	s10 =	sld [smem:$0x3FA2];
	_ =	sdelay $0x3  }
0x33: {  	p0 =	seq.s32 s10, $0x1;
	s10 =	sld [smem:$0x3FA4];
	_ =	sdelay $0x3  }
0x34: {  	[smem:$0x3FA4] =	sst s10  }
0x35: {  	s10 =	sld [smem:$0x3FA3];
	_ =	sdelay $0x3  }
0x36: {  	p1 =	seq.s32 s10, $0x1;
	s10 =	sld [smem:$0x3FA4];
	_ =	sdelay $0x3  }
0x37: {  	[smem:$0x3FA4] =	sst s10  }
0x38: {  	s10 =	sld [smem:$0x3FA5]  }
0x39: {  	_ = 	snop;
	(pc) =	sbr.ind lr, $3  }
0x3a: {  	_ = 	snop  }
0x3b: {  	_ = 	snop  }
0x3c: {  	p2 =	seq.s32 s10, $0x1;
	s10 =	sld [smem:$0x3FA4]  }
0x3d: {  	_ =	shalt  }
0x3e: {  	_ =	shalt  }
0x3f: {  	_ =	shalt  }
0x40: {  	_ =	shalt  }
0x41: {  	_ =	shalt  }
0x42: {  	_ =	shalt  }
0x43: {  	_ =	shalt  }
0x44: {  	_ =	shalt  }
0x45: {  	_ =	shalt  }
0x46: {  	_ =	shalt  }
0x47: {  	_ =	shalt  }
0x48: {  	_ =	shalt  }
0x49: {  	_ =	shalt  }
0x4a: {  	_ =	shalt  }
0x4b: {  	_ =	shalt  }
0x4c: {  	_ =	shalt  }
0x4d: {  	_ =	shalt  }
0x4e: {  	_ =	shalt  }
0x4f: {  	_ =	shalt  }
0x50: {  	_ =	shalt  }
0x51: {  	_ =	shalt  }
0x52: {  	_ =	shalt  }
0x53: {  	_ =	shalt  }
0x54: {  	_ =	shalt  }
0x55: {  	_ =	shalt  }
0x56: {  	_ =	shalt  }
0x57: {  	_ =	shalt  }
0x58: {  	_ =	shalt  }
0x59: {  	_ =	shalt  }
0x5a: {  	_ =	shalt  }
0x5b: {  	_ =	shalt  }
0x5c: {  	_ =	shalt  }
0x5d: {  	_ =	shalt  }
0x5e: {  	_ =	shalt  }
0x5f: {  	_ =	shalt  }
0x60: {  	_ =	shalt  }
0x61: {  	_ =	shalt  }
0x62: {  	_ =	shalt  }
0x63: {  	_ =	shalt  }
0x64: {  	_ =	shalt  }
0x65: {  	_ =	shalt  }
0x66: {  	_ =	shalt  }
0x67: {  	_ =	shalt  }
0x68: {  	_ =	shalt  }
0x69: {  	_ =	shalt  }
0x6a: {  	_ =	shalt  }
0x6b: {  	_ =	shalt  }
0x6c: {  	_ =	shalt  }
0x6d: {  	_ =	shalt  }
0x6e: {  	_ =	shalt  }
0x6f: {  	_ =	shalt  }
0x70: {  	_ =	shalt  }
0x71: {  	_ =	shalt  }
0x72: {  	_ =	shalt  }
0x73: {  	_ =	shalt  }
0x74: {  	_ =	shalt  }
0x75: {  	_ =	shalt  }
0x76: {  	_ =	shalt  }
0x77: {  	_ =	shalt  }
0x78: {  	_ =	shalt  }
0x79: {  	_ =	shalt  }
0x7a: {  	_ =	shalt  }
0x7b: {  	_ =	shalt  }
0x7c: {  	_ =	shalt  }
0x7d: {  	_ =	shalt  }
0x7e: {  	_ =	shalt  }
0x7f: {  	_ =	shalt  }
0x80: {  	_ =	shalt  }
0x81: {  	_ =	shalt  }
0x82: {  	_ =	shalt  }
0x83: {  	_ =	shalt  }
0x84: {  	_ =	shalt  }
0x85: {  	_ =	shalt  }
0x86: {  	_ =	shalt  }
0x87: {  	_ =	shalt  }
.Lfunc_end0:
.L_simem_size_0:
called_computation.1_lowered:
.L_overlay_start_0:
0x88: {  	s2 =	sld [smem:$0x3FD9]  }
0x89: {  	s3 =	sld [smem:$0x3FFE];
	_ =	sdelay $0x1  }
0x8a: {  	s1 =	srdreg.scid  }
0x8b: {  	s0 =	sand.u32 $0x1, s1  }
0x8c: {  	s16 =	sshll.u32 s0, $0xA;
	s2 =	sadd.s32 s3, s2  }
0x8d: {  	s2 =	sadd.s32 s2, s16  }
0x8e: {  	[smem:$0x3FB0] =	sst s2  }
0x8f: {  	_ = 	snop  }
0x90: {  	(tm) =	ssettm $0x1  }
0x91: {  	s17 =	sld [smem:$0x3FFB];
	_ =	sdelay $0x3  }
0x92: {  	_ =	strace s17  }
0x93: {  	s2 =	sld [smem:$0x3FFC];
	_ =	sdelay $0x3  }
0x94: {  	_ =	strace s2  }
0x95: {  	s2 =	sld [smem:$0x3FFD];
	_ =	sdelay $0x3  }
0x96: {  	_ =	strace s2  }
0x97: {  	_ =	strace $0x8FFFFFFF  }
0x98: {  	s18 =	sld [smem:$0x3FDB];
	_ =	sdelay $0x1  }
0x99: {  	s19 =	simm.s32 $_scs_section_size  }
0x9a: {  	s4 =	simm.s32 $_size__tile_overlayer_lowered;
	s5 =	simm.s32 $_tile_overlayer_lowered  }
0x9b: {  	s22 =	simm.s32 $0x1BFF;
	s21 =	sshll.u32 s5, $0x1;
	s2 =	sadd.s32 s19, s18  }
0x9c: {  	s6 =	simm.s32 $0x0;
	s20 =	sshll.u32 s4, $0x1;
	s4 =	sadd.s32 s21, s2  }
0x9d: {  	[timem:s6], [sflag:s22] =	dma.local [hbm:s4], s20  }
0x9e: {  	_ =	swait.ge [sflag:s22], s20  }
0x9f: {  	s3 =	ssub.s32 $0x0, s20;
	[sflag:s22] =	ssyncset.done $0x0  }
0xa0: {  	[sflag:s22] =	ssyncadd.s32 s3;
	_ =	sdelay $0x1  }
0xa1: {  	s23 =	simm.s32 $0x1B8B  }
0xa2: {  	_ =	swait.ge [sflag:s23], $0x1  }
0xa3: {  	[sflag:s23] =	ssyncset.done $0x0  }
0xa4: {  	s25 =	simm.s32 $0x1B8E;
	s24 =	sld [smem:$0x3FFE];
	[sflag:s23] =	ssyncadd.s32 $0xFFFFFFFF  }
0xa5: {  	s26 =	simm.s32 $execute0_lowered;
	[smem:$0x3FD2] =	sst s25  }
0xa6: {  	s4 =	sshll.u32 s26, $0x1;
	_ =	strace $0x80000049;
	[dreg:$0x1] =	wrdreg $0xFFFFFFFF  }
0xa7: {  	s28 =	simm.s32 $_size_execute0_lowered;
	s2 =	sadd.s32 s2, s4;
	[dreg:$0x0] =	wrdreg $0x0  }
0xa8: {  	s4 =	sshll.u32 s28, $0x1;
	[dreg:$0x2] =	wrdreg s2  }
0xa9: {  	[dreg:$0x3] =	wrdreg s4  }
0xaa: {  	[dreg:$0x4] =	wrdreg $0xC0  }
0xab: {  	_ =	task [dreg:s6], $0x5FFFF  }
0xac: {  	[dreg:$0x1] =	wrdreg $0xFFFFFFFF  }
0xad: {  	[dreg:$0x0] =	wrdreg $0x60  }
0xae: {  	[dreg:$0x2] =	wrdreg s24  }
0xaf: {  	[dreg:$0x3] =	wrdreg $0x9  }
0xb0: {  	_ =	task.clear_ibuf [dreg:s6], $0x4FFFF;
	_ =	strace $0x90000049  }
0xb1: {  	s29 =	simm.s32 $0x9;
	_ =	strace $0x8000004B  }
0xb2: {  	_ =	swait.ge [sflag:s29], $0x1  }
0xb3: {  	[sflag:s29] =	ssyncadd.s32 $0xFFFFFFFF  }
0xb4: {  	_ =	strace $0x9000004B  }
0xb5: {  	_ =	sfence  }
0xb6: {  	s30 =	sld [smem:$0x0];
	_ =	sdelay $0x2  }
0xb7: {  	s31 =	sshll.u32 s1, $0xD;
	s1 =	sshrl.u32 s1, $0x2  }
0xb8: {  	s3 =	sand.u32 $0x4000, s31;
	s1 =	sadd.s32 s1, s30  }
0xb9: {  	s0 =	sor.u32 s3, s0;
	s1 =	sshll.u32 s1, $0x11  }
0xba: {  	s0 =	sor.u32 s1, s0  }
0xbb: {  	s0 =	sadd.s32 $0x8F2B, s0  }
0xbc: {  	[sflag:s0] =	ssyncadd.remote.s32 $0x1  }
0xbd: {  	_ =	sfence.sel $0xFFFF  }
0xbe: {  	[dreg:$0x0] =	wrdreg $0xFFFFFFFF;
	(pc) =	sbr.abs _section_cstart, $3  }
0xbf: {  	[dreg:$0x1] =	wrdreg $0xFFFFFFFF  }
0xc0: {  	_ =	task.clear_ibuf [dreg:s6], $0x2FFFF;
	_ =	strace $0x9FFFFFFF  }
0xc1: {  	(tm) =	ssettm $0x7FFFFFFF  }
tec
execute0_lowered:
.L_overlay_start_1:
0x0: {  	(tag) =	ssettag $0x1  }
0x1: {  	s1 =	srdreg.scid  }
0x2: {  	s0 =	stileid.u32;
	s4 =	rddreg [dreg:$0x0];
	s2 =	simm.s32 $0x0  }
0x3: {  	s13 =	simm.s32 $0x1400;
	s14 =	simm.s32 $0x3C00;
	s15 =	simm.s32 $0xA0  }
0x4: {  	s16 =	simm.s32 $0x6400;
	s17 =	simm.s32 $0xF0;
	s18 =	simm.s32 $0x8C00  }
0x5: {  	s19 =	simm.s32 $0x1;
	s20 =	simm.s32 $0x5;
	s21 =	simm.s32 $0x2  }
0x6: {  	s22 =	simm.s32 $0x6;
	s23 =	simm.s32 $0x3;
	s24 =	simm.s32 $0x7  }
0x7: {  	s25 =	simm.s32 $0x4;
	s26 =	simm.s32 $0x8;
	s28 =	simm.s32 $0x0  }
0x8: {  	s8 =	sand.u32 $0x1, s1;
	s3 =	sshll.u32 s0, $0x1;
	[smem:$0x7FF] =	sst s2  }
0x9: {  	s11 =	sadd.s32 $0x2A400, s4;
	s31 =	smul.u32 $0x28000, s0;
	s5 =	sor.u32 s8, s3  }
0xa: {  	_ =	strace $0x8000004A;
	s7 =	ssub.s32 $0x2, s8;
	s6 =	smul.u32 $0x1400, s5  }
0xb: {  	s3 =	sadd.s32 $0x5400, s4;
	s9 =	sshrl.u32 s7, $0x1;
	s10 =	smul.u32 $0x14000, s5  }
0xc: {  	s12 =	smul.u32 $0x14000, s8;
	s29 =	ssub.s32 s7, s9;
	s6 =	sshrl.u32 s6, $0x3  }
0xd: {  	s5 =	smax.u32 s29, $0x1;
	s30 =	sadd.s32 s11, s10;
	s10 =	sadd.s32 s31, s11  }
0xe: {  	s11 =	simm.s32 $0x9;
	s6 =	sadd.s32 s6, s4;
	s7 =	sadd.s32 $0x13100, s30  }
0xf: {  	s8 =	sadd.s32 $0x13600, s30;
	s9 =	sadd.s32 $0x13B00, s30;
	s10 =	sadd.s32 s12, s10  }
0x10: {  	s12 =	simm.s32 $0x50;
	s4 =	sadd.s32 $0x25400, s6;
	s6 =	sadd.s32 $0x12C00, s30  }
.LBB2_1:
0x11: {  	[tilespmem:s2], [sflag:$0x9] =	stream.linear.gather [hbm4b:s4+s2], $0x1400, $0x38;
	[tilespmem:$0xB400] =	vst v63  }
0x12: {  	_ =	swait.ge [sflag:s11], $0x1400  }
0x13: {  	[sflag:s11] =	ssyncset.done $0x0  }
0x14: {  	[sflag:s11] =	ssyncadd.s32 $0xFFFFEC00  }
0x15: {  	[tilespmem:s13], [sflag:$0x1] =	stream.indirect.gather [hbm4b:s3+s12], $0x80, s2, s12, $0xb8;
	[tilespmem:$0xB400] =	vst v63  }
0x16: {  	_ = 	snop  }
0x17: {  	[tilespmem:s14], [sflag:$0x2] =	stream.indirect.gather [hbm4b:s3+s12], $0x80, s12, s12, $0xb8;
	[tilespmem:$0xB400] =	vst v63  }
0x18: {  	_ = 	snop  }
0x19: {  	[tilespmem:s16], [sflag:$0x3] =	stream.indirect.gather [hbm4b:s3+s12], $0x80, s15, s12, $0xb8;
	[tilespmem:$0xB400] =	vst v63  }
0x1a: {  	_ = 	snop  }
0x1b: {  	[tilespmem:s18], [sflag:$0x4] =	stream.indirect.gather [hbm4b:s3+s12], $0x80, s17, s12, $0xb8;
	[tilespmem:$0xB400] =	vst v63  }
0x1c: {  	_ =	swait.ge [sflag:s19], $0x2800  }
0x1d: {  	[sflag:s19] =	ssyncset.done $0x0  }
0x1e: {  	s29 =	sadd.s32 $0x0, s10;
	[sflag:s19] =	ssyncadd.s32 $0xFFFFD800  }
0x1f: {  	[hbm4b:s29+s2] =	stream.linear.scatter [tilespmem:s13], [sflag:$0x5], $0x2800, $0x38;
	[tilespmem:$0xB400] =	vst v63  }
0x20: {  	_ =	swait.ge [sflag:s20], $0x2800  }
0x21: {  	[sflag:s20] =	ssyncset.done $0x0  }
0x22: {  	s30 =	simm.s32 $0x140;
	[sflag:s20] =	ssyncadd.s32 $0xFFFFD800  }
0x23: {  	[tilespmem:s13], [sflag:$0x1] =	stream.indirect.gather [hbm4b:s3+s12], $0x80, s30, s12, $0xb8;
	[tilespmem:$0xB400] =	vst v63  }
0x24: {  	_ =	swait.ge [sflag:s21], $0x2800  }
0x25: {  	[sflag:s21] =	ssyncset.done $0x0  }
0x26: {  	s30 =	sadd.s32 $0x500, s29;
	[sflag:s21] =	ssyncadd.s32 $0xFFFFD800  }
0x27: {  	[hbm4b:s30+s2] =	stream.linear.scatter [tilespmem:s14], [sflag:$0x6], $0x2800, $0x38;
	[tilespmem:$0xB400] =	vst v63  }
0x28: {  	_ =	swait.ge [sflag:s22], $0x2800  }
0x29: {  	[sflag:s22] =	ssyncset.done $0x0  }
0x2a: {  	s30 =	simm.s32 $0x190;
	[sflag:s22] =	ssyncadd.s32 $0xFFFFD800  }
0x2b: {  	[tilespmem:s14], [sflag:$0x2] =	stream.indirect.gather [hbm4b:s3+s12], $0x80, s30, s12, $0xb8;
	[tilespmem:$0xB400] =	vst v63  }
0x2c: {  	_ =	swait.ge [sflag:s23], $0x2800  }
0x2d: {  	[sflag:s23] =	ssyncset.done $0x0  }
0x2e: {  	s30 =	sadd.s32 $0xA00, s29;
	[sflag:s23] =	ssyncadd.s32 $0xFFFFD800  }
0x2f: {  	[hbm4b:s30+s2] =	stream.linear.scatter [tilespmem:s16], [sflag:$0x7], $0x2800, $0x38;
	[tilespmem:$0xB400] =	vst v63  }
0x30: {  	_ =	swait.ge [sflag:s24], $0x2800  }
0x31: {  	[sflag:s24] =	ssyncset.done $0x0  }
0x32: {  	s30 =	simm.s32 $0x1E0;
	[sflag:s24] =	ssyncadd.s32 $0xFFFFD800  }
0x33: {  	[tilespmem:s16], [sflag:$0x3] =	stream.indirect.gather [hbm4b:s3+s12], $0x80, s30, s12, $0xb8;
	[tilespmem:$0xB400] =	vst v63  }
0x34: {  	_ =	swait.ge [sflag:s25], $0x2800  }
0x35: {  	[sflag:s25] =	ssyncset.done $0x0  }
0x36: {  	s29 =	sadd.s32 $0xF00, s29;
	[sflag:s25] =	ssyncadd.s32 $0xFFFFD800  }
0x37: {  	[hbm4b:s29+s2] =	stream.linear.scatter [tilespmem:s18], [sflag:$0x8], $0x2800, $0x38;
	[tilespmem:$0xB400] =	vst v63  }
0x38: {  	_ =	swait.ge [sflag:s26], $0x2800  }
0x39: {  	s31 =	simm.s32 $0x370;
	[sflag:s26] =	ssyncset.done $0x0  }
0x3a: {  	s30 =	simm.s32 $0x1400;
	s29 =	simm.s32 $0x230;
	[sflag:s26] =	ssyncadd.s32 $0xFFFFD800  }
.LBB2_2:
0x3b: {  	[tilespmem:s18], [sflag:$0x4] =	stream.indirect.gather [hbm4b:s3+s12], $0x80, s29, s12, $0xb8;
	[tilespmem:$0xB400] =	vst v63  }
0x3c: {  	s1 =	smov.u32 s30;
	s29 =	smov.u32 s31  }
0x3d: {  	p0 =	sne.s32 s30, $0x11800;
	s30 =	sadd.s32 $0x1400, s30;
	_ =	swait.ge [sflag:s19], $0x2800  }
0x3e: {  	[sflag:s19] =	ssyncset.done $0x0  }
0x3f: {  	s1 =	sadd.s32 s1, s10;
	[sflag:s19] =	ssyncadd.s32 $0xFFFFD800  }
0x40: {  	[hbm4b:s1+s2] =	stream.linear.scatter [tilespmem:s13], [sflag:$0x5], $0x2800, $0x38;
	[tilespmem:$0xB400] =	vst v63  }
0x41: {  	_ =	swait.ge [sflag:s20], $0x2800  }
0x42: {  	[sflag:s20] =	ssyncset.done $0x0  }
0x43: {  	s0 =	sadd.s32 $0xFFFFFF10, s31;
	[sflag:s20] =	ssyncadd.s32 $0xFFFFD800  }
0x44: {  	[tilespmem:s13], [sflag:$0x1] =	stream.indirect.gather [hbm4b:s3+s12], $0x80, s0, s12, $0xb8;
	[tilespmem:$0xB400] =	vst v63  }
0x45: {  	_ =	swait.ge [sflag:s21], $0x2800  }
0x46: {  	[sflag:s21] =	ssyncset.done $0x0  }
0x47: {  	s0 =	sadd.s32 $0x500, s1;
	[sflag:s21] =	ssyncadd.s32 $0xFFFFD800  }
0x48: {  	[hbm4b:s0+s2] =	stream.linear.scatter [tilespmem:s14], [sflag:$0x6], $0x2800, $0x38;
	[tilespmem:$0xB400] =	vst v63  }
0x49: {  	_ =	swait.ge [sflag:s22], $0x2800  }
0x4a: {  	[sflag:s22] =	ssyncset.done $0x0  }
0x4b: {  	s0 =	sadd.s32 $0xFFFFFF60, s31;
	[sflag:s22] =	ssyncadd.s32 $0xFFFFD800  }
0x4c: {  	[tilespmem:s14], [sflag:$0x2] =	stream.indirect.gather [hbm4b:s3+s12], $0x80, s0, s12, $0xb8;
	[tilespmem:$0xB400] =	vst v63  }
0x4d: {  	_ =	swait.ge [sflag:s23], $0x2800  }
0x4e: {  	[sflag:s23] =	ssyncset.done $0x0  }
0x4f: {  	s0 =	sadd.s32 $0xA00, s1;
	[sflag:s23] =	ssyncadd.s32 $0xFFFFD800  }
0x50: {  	[hbm4b:s0+s2] =	stream.linear.scatter [tilespmem:s16], [sflag:$0x7], $0x2800, $0x38;
	[tilespmem:$0xB400] =	vst v63  }
0x51: {  	_ =	swait.ge [sflag:s24], $0x2800  }
0x52: {  	[sflag:s24] =	ssyncset.done $0x0  }
0x53: {  	s0 =	sadd.s32 $0xFFFFFFB0, s31;
	[sflag:s24] =	ssyncadd.s32 $0xFFFFD800  }
0x54: {  	[tilespmem:s16], [sflag:$0x3] =	stream.indirect.gather [hbm4b:s3+s12], $0x80, s0, s12, $0xb8;
	[tilespmem:$0xB400] =	vst v63  }
0x55: {  	_ =	swait.ge [sflag:s25], $0x2800  }
0x56: {  	[sflag:s25] =	ssyncset.done $0x0  }
.Ltmp0:
0x57: {  	s0 =	sadd.s32 $0xF00, s1;
	[sflag:s25] =	ssyncadd.s32 $0xFFFFD800;
	(pc) =	sbr.rel @p0 .LBB2_2-.Ltmp0, $4  }
0x58: {  	[hbm4b:s0+s2] =	stream.linear.scatter [tilespmem:s18], [sflag:$0x8], $0x2800, $0x38;
	[tilespmem:$0xB400] =	vst v63  }
0x59: {  	_ =	swait.ge [sflag:s26], $0x2800  }
0x5a: {  	[sflag:s26] =	ssyncset.done $0x0  }
0x5b: {  	s31 =	sadd.s32 $0x140, s31;
	[sflag:s26] =	ssyncadd.s32 $0xFFFFD800  }
0x5c: {  	[tilespmem:s18], [sflag:$0x4] =	stream.indirect.gather [hbm4b:s3+s12], $0x80, s29, s12, $0xb8;
	[tilespmem:$0xB400] =	vst v63  }
0x5d: {  	_ =	swait.ge [sflag:s19], $0x2800  }
0x5e: {  	[sflag:s19] =	ssyncset.done $0x0  }
0x5f: {  	[sflag:s19] =	ssyncadd.s32 $0xFFFFD800  }
0x60: {  	[hbm4b:s6+s2] =	stream.linear.scatter [tilespmem:s13], [sflag:$0x5], $0x2800, $0x38;
	[tilespmem:$0xB400] =	vst v63  }
0x61: {  	_ =	swait.ge [sflag:s20], $0x2800  }
0x62: {  	[sflag:s20] =	ssyncset.done $0x0  }
0x63: {  	[sflag:s20] =	ssyncadd.s32 $0xFFFFD800  }
0x64: {  	_ =	swait.ge [sflag:s21], $0x2800  }
0x65: {  	[sflag:s21] =	ssyncset.done $0x0  }
0x66: {  	[sflag:s21] =	ssyncadd.s32 $0xFFFFD800  }
0x67: {  	[hbm4b:s7+s2] =	stream.linear.scatter [tilespmem:s14], [sflag:$0x6], $0x2800, $0x38;
	[tilespmem:$0xB400] =	vst v63  }
0x68: {  	_ =	swait.ge [sflag:s22], $0x2800  }
0x69: {  	[sflag:s22] =	ssyncset.done $0x0  }
0x6a: {  	[sflag:s22] =	ssyncadd.s32 $0xFFFFD800  }
0x6b: {  	_ =	swait.ge [sflag:s23], $0x2800  }
0x6c: {  	[sflag:s23] =	ssyncset.done $0x0  }
0x6d: {  	[sflag:s23] =	ssyncadd.s32 $0xFFFFD800  }
0x6e: {  	[hbm4b:s8+s2] =	stream.linear.scatter [tilespmem:s16], [sflag:$0x7], $0x2800, $0x38;
	[tilespmem:$0xB400] =	vst v63  }
0x6f: {  	_ =	swait.ge [sflag:s24], $0x2800  }
0x70: {  	[sflag:s24] =	ssyncset.done $0x0  }
0x71: {  	[sflag:s24] =	ssyncadd.s32 $0xFFFFD800  }
0x72: {  	s28 =	sadd.s32 $0x1, s28;
	_ =	swait.ge [sflag:s25], $0x2800  }
0x73: {  	p0 =	sne.s32 s28, s5;
	[sflag:s25] =	ssyncset.done $0x0  }
.Ltmp1:
0x74: {  	[sflag:s25] =	ssyncadd.s32 $0xFFFFD800;
	(pc) =	sbr.rel @p0 .LBB2_1-.Ltmp1, $4  }
0x75: {  	[hbm4b:s9+s2] =	stream.linear.scatter [tilespmem:s18], [sflag:$0x8], $0x2800, $0x38;
	[tilespmem:$0xB400] =	vst v63  }
0x76: {  	_ =	swait.ge [sflag:s26], $0x2800  }
0x77: {  	[sflag:s26] =	ssyncset.done $0x0  }
0x78: {  	[sflag:s26] =	ssyncadd.s32 $0xFFFFD800  }
0x79: {  	_ =	sfence.sel $0x180000  }
0x7a: {  	[bflag:$0x0] =	sbarrier.arrive $0xFFFF  }
0x7b: {  	_ =	strace $0x9000004A  }
0x7c: {  	s0 =	stileid.u32;
	[bflag:$0x2] =	sbarrier.arrive $0xFFFF  }
0x7d: {  	p0 =	sne.s32 s0, $0x0;
	s0 =	rddreg [dreg:$0x1]  }
0x7e: {  	s0 =	sadd.s32 @!p0 $0x100000, s0  }
0x7f: {  	[sflag:s0] =	ssyncadd.tile.s32 @!p0 $0x1;
	_ =	shalt  }
.Lfunc_end2:
_tile_overlayer_lowered:
.L_overlay_start_2:
0x80: {  	(tag) =	ssettag $0x2  }
0x81: {  	s0 =	rddreg [dreg:$0x0];
	s2 =	stileid.u32  }
0x82: {  	s1 =	rddreg [dreg:$0x1];
	p0 =	sne.s32 s2, $0x0  }
0x83: {  	s3 =	rddreg [dreg:$0x2];
	[bflag:$0x3] =	sbarrier.arrive $0xFFFF;
	s2 =	simm.s32 @!p0 $0x1C09  }
0x84: {  	[timem:s3], [sflag:s2] =	dma.local @!p0 [hbm:s0], s1  }
0x85: {  	s0 =	simm.s32 @!p0 $0x9  }
0x86: {  	_ =	swait.ge @!p0 [sflag:s0], s1  }
0x87: {  	s1 =	ssub.s32 @!p0 $0x0, s1;
	[sflag:s0] =	ssyncset.done @!p0 $0x0  }
0x88: {  	[sflag:s0] =	ssyncadd.s32 @!p0 s1  }
0x89: {  	[bflag:$0x3] =	sbarrier.arrive $0xFFFF  }
0x8a: {  	_ =	shalt  }

// kernel: kernel.21.cloned.1.call-start
scs
__scs_entry_jumppad:
0x0: {  	(pc) =	sbr.rel $0x88, $3  }
0x1: {  	(tag) =	ssettag $0x0;
	lr =	simm.s32 $0x1  }
0x2: {  	[smem:$0x3F89] =	sst lr;
	_ =	strace $0xD0000000  }
0x3: {  	_ = 	snop  }
0x4: {  	_ = 	snop  }
0x5: {  	_ = 	snop  }
0x6: {  	_ = 	snop  }
0x7: {  	_ = 	snop  }
__scs_overlays_trampoline_lowered:
0x8: {  	[smem:$0x3F98] =	sst s0  }
0x9: {  	[smem:$0x3F99] =	sst s1  }
0xa: {  	[smem:$0x3F9A] =	sst s2  }
0xb: {  	[smem:$0x3F9B] =	sst s3  }
0xc: {  	[smem:$0x3F9C] =	sst s4  }
0xd: {  	[smem:$0x3F9D] =	sst s5  }
0xe: {  	[smem:$0x3F9E] =	sst s6  }
0xf: {  	[smem:$0x3F9F] =	sst s7  }
0x10: {  	[smem:$0x3FA0] =	sst s8  }
0x11: {  	[smem:$0x3FA1] =	sst s9;
	s0 =	simm.s32 @!p0 $0x0  }
0x12: {  	s1 =	sld [smem:$0x3F87];
	s0 =	simm.s32 @p0 $0x1  }
0x13: {  	[smem:$0x3FA2] =	sst s0;
	s0 =	simm.s32 @!p1 $0x0  }
0x14: {  	s2 =	sld [smem:$0x3F86];
	s0 =	simm.s32 @p1 $0x1  }
0x15: {  	[smem:$0x3FA3] =	sst s0;
	s0 =	simm.s32 @!p2 $0x0  }
0x16: {  	s3 =	sld [smem:$0x3FDB];
	s0 =	simm.s32 @p2 $0x1  }
0x17: {  	s4 =	simm.s32 $0x1BF5;
	[smem:$0x3FA5] =	sst s0  }
0x18: {  	s0 =	sld [smem:$0x3F88];
	_ =	swait.ge [sflag:s4], $0x0  }
0x19: {  	s7 =	sld [smem:$0x3F89]  }
0x1a: {  	s8 =	sadd.s32 $0xFFFFE003, lr  }
0x1b: {  	s9 =	sadd.s32 $0xFFFFFEF7, lr;
	s5 =	simm.s32 $0xFFFFFFFF;
	p2 =	slt.u32 s8, $0xFFFFF086  }
0x1c: {  	p1 =	slt.u32 s9, $0xF7A;
	s5 =	simm.s32 @!p2 $0x0  }
0x1d: {  	s5 =	simm.s32 @p1 $0x1;
	p0 =	seq.s32 s7, s2  }
0x1e: {  	s7 =	smul.u32 @!p0 $0xF7A, s2;
	p2 =	seq.s32 @!p0 s5, $0x0  }
0x1f: {  	s9 =	smul.u32 $0xF7A, s1;
	s8 =	simm.s32 @!p0 $0x1BF5;
	p2 =	por !p2, p0  }
0x20: {  	[sflag:s8] =	ssyncset.s32 @!p0 $0xFFFFF086;
	s6 =	sadd.s32 @!p0 s3, s7;
	s7 =	simm.s32 @!p0 $0x108  }
0x21: {  	s3 =	sadd.s32 s3, s9;
	s6 =	sadd.s32 @!p0 $0x88, s6;
	s7 =	simm.s32 @p2 $0x1082  }
0x22: {  	[simem:s7], [sflag:s8] =	dma.local @!p0 [hbm:s6], $0xF7A  }
0x23: {  	s9 =	sor.u32 $0xD0000000, s2;
	s6 =	simm.s32 $0x108;
	_ =	swait.ge @!p0 [sflag:s8], $0x0  }
0x24: {  	s3 =	sadd.s32 $0x88, s3;
	s6 =	simm.s32 @!p1 $0x1082;
	[sflag:s4] =	ssyncset.s32 $0xFFFFF086  }
0x25: {  	[simem:s6], [sflag:s4] =	dma.local [hbm:s3], $0xF7A  }
0x26: {  	[smem:$0x3F89] =	sst s1;
	(tag) =	ssettag s2;
	_ =	strace s9  }
0x27: {  	s1 =	sld [smem:$0x3F99]  }
0x28: {  	s2 =	sld [smem:$0x3F9A]  }
0x29: {  	s4 =	sld [smem:$0x3F9C]  }
0x2a: {  	p0 =	seq.s32 s5, $0x0;
	s5 =	sld [smem:$0x3F9D]  }
0x2b: {  	s6 =	sld [smem:$0x3F9E]  }
0x2c: {  	s7 =	sld [smem:$0x3F9F]  }
0x2d: {  	s3 =	simm.s32 $0x108;
	s8 =	sld [smem:$0x3FA0]  }
0x2e: {  	s3 =	simm.s32 @!p0 $0x1082;
	s9 =	sld [smem:$0x3FA1]  }
0x2f: {  	lr =	sadd.s32 s0, s3;
	s0 =	sld [smem:$0x3F98]  }
0x30: {  	s3 =	sld [smem:$0x3F9B]  }
0x31: {  	[smem:$0x3FA4] =	sst s10  }
0x32: {  	s10 =	sld [smem:$0x3FA2];
	_ =	sdelay $0x3  }
0x33: {  	p0 =	seq.s32 s10, $0x1;
	s10 =	sld [smem:$0x3FA4];
	_ =	sdelay $0x3  }
0x34: {  	[smem:$0x3FA4] =	sst s10  }
0x35: {  	s10 =	sld [smem:$0x3FA3];
	_ =	sdelay $0x3  }
0x36: {  	p1 =	seq.s32 s10, $0x1;
	s10 =	sld [smem:$0x3FA4];
	_ =	sdelay $0x3  }
0x37: {  	[smem:$0x3FA4] =	sst s10  }
0x38: {  	s10 =	sld [smem:$0x3FA5]  }
0x39: {  	_ = 	snop;
	(pc) =	sbr.ind lr, $3  }
0x3a: {  	_ = 	snop  }
0x3b: {  	_ = 	snop  }
0x3c: {  	p2 =	seq.s32 s10, $0x1;
	s10 =	sld [smem:$0x3FA4]  }
0x3d: {  	_ =	shalt  }
0x3e: {  	_ =	shalt  }
0x3f: {  	_ =	shalt  }
0x40: {  	_ =	shalt  }
0x41: {  	_ =	shalt  }
0x42: {  	_ =	shalt  }
0x43: {  	_ =	shalt  }
0x44: {  	_ =	shalt  }
0x45: {  	_ =	shalt  }
0x46: {  	_ =	shalt  }
0x47: {  	_ =	shalt  }
0x48: {  	_ =	shalt  }
0x49: {  	_ =	shalt  }
0x4a: {  	_ =	shalt  }
0x4b: {  	_ =	shalt  }
0x4c: {  	_ =	shalt  }
0x4d: {  	_ =	shalt  }
0x4e: {  	_ =	shalt  }
0x4f: {  	_ =	shalt  }
0x50: {  	_ =	shalt  }
0x51: {  	_ =	shalt  }
0x52: {  	_ =	shalt  }
0x53: {  	_ =	shalt  }
0x54: {  	_ =	shalt  }
0x55: {  	_ =	shalt  }
0x56: {  	_ =	shalt  }
0x57: {  	_ =	shalt  }
0x58: {  	_ =	shalt  }
0x59: {  	_ =	shalt  }
0x5a: {  	_ =	shalt  }
0x5b: {  	_ =	shalt  }
0x5c: {  	_ =	shalt  }
0x5d: {  	_ =	shalt  }
0x5e: {  	_ =	shalt  }
0x5f: {  	_ =	shalt  }
0x60: {  	_ =	shalt  }
0x61: {  	_ =	shalt  }
0x62: {  	_ =	shalt  }
0x63: {  	_ =	shalt  }
0x64: {  	_ =	shalt  }
0x65: {  	_ =	shalt  }
0x66: {  	_ =	shalt  }
0x67: {  	_ =	shalt  }
0x68: {  	_ =	shalt  }
0x69: {  	_ =	shalt  }
0x6a: {  	_ =	shalt  }
0x6b: {  	_ =	shalt  }
0x6c: {  	_ =	shalt  }
0x6d: {  	_ =	shalt  }
0x6e: {  	_ =	shalt  }
0x6f: {  	_ =	shalt  }
0x70: {  	_ =	shalt  }
0x71: {  	_ =	shalt  }
0x72: {  	_ =	shalt  }
0x73: {  	_ =	shalt  }
0x74: {  	_ =	shalt  }
0x75: {  	_ =	shalt  }
0x76: {  	_ =	shalt  }
0x77: {  	_ =	shalt  }
0x78: {  	_ =	shalt  }
0x79: {  	_ =	shalt  }
0x7a: {  	_ =	shalt  }
0x7b: {  	_ =	shalt  }
0x7c: {  	_ =	shalt  }
0x7d: {  	_ =	shalt  }
0x7e: {  	_ =	shalt  }
0x7f: {  	_ =	shalt  }
0x80: {  	_ =	shalt  }
0x81: {  	_ =	shalt  }
0x82: {  	_ =	shalt  }
0x83: {  	_ =	shalt  }
0x84: {  	_ =	shalt  }
0x85: {  	_ =	shalt  }
0x86: {  	_ =	shalt  }
0x87: {  	_ =	shalt  }
.Lfunc_end0:
.L_simem_size_0:
called_computation.2_lowered:
.L_overlay_start_0:
0x88: {  	s2 =	sld [smem:$0x3FD9]  }
0x89: {  	s3 =	sld [smem:$0x3FFE];
	_ =	sdelay $0x1  }
0x8a: {  	s1 =	srdreg.scid  }
0x8b: {  	s0 =	sand.u32 $0x1, s1  }
0x8c: {  	s16 =	sshll.u32 s0, $0xA;
	s2 =	sadd.s32 s3, s2  }
0x8d: {  	s2 =	sadd.s32 s2, s16  }
0x8e: {  	[smem:$0x3FB0] =	sst s2  }
0x8f: {  	_ = 	snop  }
0x90: {  	(tm) =	ssettm $0x1  }
0x91: {  	s17 =	sld [smem:$0x3FFB];
	_ =	sdelay $0x3  }
0x92: {  	_ =	strace s17  }
0x93: {  	s2 =	sld [smem:$0x3FFC];
	_ =	sdelay $0x3  }
0x94: {  	_ =	strace s2  }
0x95: {  	s2 =	sld [smem:$0x3FFD];
	_ =	sdelay $0x3  }
0x96: {  	_ =	strace s2  }
0x97: {  	_ =	strace $0x8FFFFFFF  }
0x98: {  	s18 =	sld [smem:$0x3FDB];
	_ =	sdelay $0x1  }
0x99: {  	s19 =	simm.s32 $_scs_section_size  }
0x9a: {  	s4 =	simm.s32 $_size__tile_overlayer_lowered;
	s5 =	simm.s32 $_tile_overlayer_lowered  }
0x9b: {  	s22 =	simm.s32 $0x1BFF;
	s21 =	sshll.u32 s5, $0x1;
	s2 =	sadd.s32 s19, s18  }
0x9c: {  	s6 =	simm.s32 $0x0;
	s20 =	sshll.u32 s4, $0x1;
	s4 =	sadd.s32 s21, s2  }
0x9d: {  	[timem:s6], [sflag:s22] =	dma.local [hbm:s4], s20  }
0x9e: {  	_ =	swait.ge [sflag:s22], s20  }
0x9f: {  	s3 =	ssub.s32 $0x0, s20;
	[sflag:s22] =	ssyncset.done $0x0  }
0xa0: {  	[sflag:s22] =	ssyncadd.s32 s3;
	_ =	sdelay $0x1  }
0xa1: {  	s23 =	simm.s32 $0x1B8B  }
0xa2: {  	_ =	swait.ge [sflag:s23], $0x1  }
0xa3: {  	[sflag:s23] =	ssyncset.done $0x0  }
0xa4: {  	s25 =	simm.s32 $0x1B8E;
	s24 =	sld [smem:$0x3FFE];
	[sflag:s23] =	ssyncadd.s32 $0xFFFFFFFF  }
0xa5: {  	s26 =	simm.s32 $execute0_lowered;
	[smem:$0x3FD2] =	sst s25  }
0xa6: {  	s4 =	sshll.u32 s26, $0x1;
	_ =	strace $0x8000004C;
	[dreg:$0x1] =	wrdreg $0xFFFFFFFF  }
0xa7: {  	s28 =	simm.s32 $_size_execute0_lowered;
	s2 =	sadd.s32 s2, s4;
	[dreg:$0x0] =	wrdreg $0x0  }
0xa8: {  	s4 =	sshll.u32 s28, $0x1;
	[dreg:$0x2] =	wrdreg s2  }
0xa9: {  	[dreg:$0x3] =	wrdreg s4  }
0xaa: {  	[dreg:$0x4] =	wrdreg $0xC0  }
0xab: {  	_ =	task [dreg:s6], $0x5FFFF  }
0xac: {  	[dreg:$0x1] =	wrdreg $0xFFFFFFFF  }
0xad: {  	[dreg:$0x0] =	wrdreg $0x60  }
0xae: {  	[dreg:$0x2] =	wrdreg s24  }
0xaf: {  	[dreg:$0x3] =	wrdreg $0x9  }
0xb0: {  	_ =	task.clear_ibuf [dreg:s6], $0x4FFFF;
	_ =	strace $0x9000004C  }
0xb1: {  	s29 =	simm.s32 $0x9;
	_ =	strace $0x8000004E  }
0xb2: {  	_ =	swait.ge [sflag:s29], $0x1  }
0xb3: {  	[sflag:s29] =	ssyncadd.s32 $0xFFFFFFFF  }
0xb4: {  	_ =	strace $0x9000004E  }
0xb5: {  	_ =	sfence  }
0xb6: {  	s30 =	sld [smem:$0x0];
	_ =	sdelay $0x2  }
0xb7: {  	s31 =	sshll.u32 s1, $0xD;
	s1 =	sshrl.u32 s1, $0x2  }
0xb8: {  	s3 =	sand.u32 $0x4000, s31;
	s1 =	sadd.s32 s1, s30  }
0xb9: {  	s0 =	sor.u32 s3, s0;
	s1 =	sshll.u32 s1, $0x11  }
0xba: {  	s0 =	sor.u32 s1, s0  }
0xbb: {  	s0 =	sadd.s32 $0x8F2B, s0  }
0xbc: {  	[sflag:s0] =	ssyncadd.remote.s32 $0x1  }
0xbd: {  	_ =	sfence.sel $0xFFFF  }
0xbe: {  	[dreg:$0x0] =	wrdreg $0xFFFFFFFF;
	(pc) =	sbr.abs _section_cstart, $3  }
0xbf: {  	[dreg:$0x1] =	wrdreg $0xFFFFFFFF  }
0xc0: {  	_ =	task.clear_ibuf [dreg:s6], $0x2FFFF;
	_ =	strace $0x9FFFFFFF  }
0xc1: {  	(tm) =	ssettm $0x7FFFFFFF  }
tec
execute0_lowered:
.L_overlay_start_1:
0x0: {  	(tag) =	ssettag $0x1  }
0x1: {  	s1 =	srdreg.scid  }
0x2: {  	s0 =	stileid.u32;
	s4 =	rddreg [dreg:$0x0];
	s2 =	simm.s32 $0x0  }
0x3: {  	s13 =	simm.s32 $0x1400;
	s14 =	simm.s32 $0x3C00;
	s15 =	simm.s32 $0xA0  }
0x4: {  	s16 =	simm.s32 $0x6400;
	s17 =	simm.s32 $0xF0;
	s18 =	simm.s32 $0x8C00  }
0x5: {  	s19 =	simm.s32 $0x1;
	s20 =	simm.s32 $0x5;
	s21 =	simm.s32 $0x2  }
0x6: {  	s22 =	simm.s32 $0x6;
	s23 =	simm.s32 $0x3;
	s24 =	simm.s32 $0x7  }
0x7: {  	s25 =	simm.s32 $0x4;
	s26 =	simm.s32 $0x8;
	s28 =	simm.s32 $0x0  }
0x8: {  	s8 =	sand.u32 $0x1, s1;
	s3 =	sshll.u32 s0, $0x1;
	[smem:$0x7FF] =	sst s2  }
0x9: {  	s11 =	sadd.s32 $0x4A400, s4;
	s31 =	smul.u32 $0x28000, s0;
	s5 =	sor.u32 s8, s3  }
0xa: {  	_ =	strace $0x8000004D;
	s7 =	ssub.s32 $0x2, s8;
	s6 =	smul.u32 $0x1400, s5  }
0xb: {  	s3 =	sadd.s32 $0x25400, s4;
	s9 =	sshrl.u32 s7, $0x1;
	s10 =	smul.u32 $0x14000, s5  }
0xc: {  	s12 =	smul.u32 $0x14000, s8;
	s29 =	ssub.s32 s7, s9;
	s6 =	sshrl.u32 s6, $0x3  }
0xd: {  	s5 =	smax.u32 s29, $0x1;
	s30 =	sadd.s32 s11, s10;
	s10 =	sadd.s32 s31, s11  }
0xe: {  	s11 =	simm.s32 $0x9;
	s6 =	sadd.s32 s6, s4;
	s7 =	sadd.s32 $0x13100, s30  }
0xf: {  	s8 =	sadd.s32 $0x13600, s30;
	s9 =	sadd.s32 $0x13B00, s30;
	s10 =	sadd.s32 s12, s10  }
0x10: {  	s12 =	simm.s32 $0x50;
	s4 =	sadd.s32 $0x45400, s6;
	s6 =	sadd.s32 $0x12C00, s30  }
.LBB2_1:
0x11: {  	[tilespmem:s2], [sflag:$0x9] =	stream.linear.gather [hbm4b:s4+s2], $0x1400, $0x38;
	[tilespmem:$0xB400] =	vst v63  }
0x12: {  	_ =	swait.ge [sflag:s11], $0x1400  }
0x13: {  	[sflag:s11] =	ssyncset.done $0x0  }
0x14: {  	[sflag:s11] =	ssyncadd.s32 $0xFFFFEC00  }
0x15: {  	[tilespmem:s13], [sflag:$0x1] =	stream.indirect.gather [hbm4b:s3+s12], $0x80, s2, s12, $0xb8;
	[tilespmem:$0xB400] =	vst v63  }
0x16: {  	_ = 	snop  }
0x17: {  	[tilespmem:s14], [sflag:$0x2] =	stream.indirect.gather [hbm4b:s3+s12], $0x80, s12, s12, $0xb8;
	[tilespmem:$0xB400] =	vst v63  }
0x18: {  	_ = 	snop  }
0x19: {  	[tilespmem:s16], [sflag:$0x3] =	stream.indirect.gather [hbm4b:s3+s12], $0x80, s15, s12, $0xb8;
	[tilespmem:$0xB400] =	vst v63  }
0x1a: {  	_ = 	snop  }
0x1b: {  	[tilespmem:s18], [sflag:$0x4] =	stream.indirect.gather [hbm4b:s3+s12], $0x80, s17, s12, $0xb8;
	[tilespmem:$0xB400] =	vst v63  }
0x1c: {  	_ =	swait.ge [sflag:s19], $0x2800  }
0x1d: {  	[sflag:s19] =	ssyncset.done $0x0  }
0x1e: {  	s29 =	sadd.s32 $0x0, s10;
	[sflag:s19] =	ssyncadd.s32 $0xFFFFD800  }
0x1f: {  	[hbm4b:s29+s2] =	stream.linear.scatter [tilespmem:s13], [sflag:$0x5], $0x2800, $0x38;
	[tilespmem:$0xB400] =	vst v63  }
0x20: {  	_ =	swait.ge [sflag:s20], $0x2800  }
0x21: {  	[sflag:s20] =	ssyncset.done $0x0  }
0x22: {  	s30 =	simm.s32 $0x140;
	[sflag:s20] =	ssyncadd.s32 $0xFFFFD800  }
0x23: {  	[tilespmem:s13], [sflag:$0x1] =	stream.indirect.gather [hbm4b:s3+s12], $0x80, s30, s12, $0xb8;
	[tilespmem:$0xB400] =	vst v63  }
0x24: {  	_ =	swait.ge [sflag:s21], $0x2800  }
0x25: {  	[sflag:s21] =	ssyncset.done $0x0  }
0x26: {  	s30 =	sadd.s32 $0x500, s29;
	[sflag:s21] =	ssyncadd.s32 $0xFFFFD800  }
0x27: {  	[hbm4b:s30+s2] =	stream.linear.scatter [tilespmem:s14], [sflag:$0x6], $0x2800, $0x38;
	[tilespmem:$0xB400] =	vst v63  }
0x28: {  	_ =	swait.ge [sflag:s22], $0x2800  }
0x29: {  	[sflag:s22] =	ssyncset.done $0x0  }
0x2a: {  	s30 =	simm.s32 $0x190;
	[sflag:s22] =	ssyncadd.s32 $0xFFFFD800  }
0x2b: {  	[tilespmem:s14], [sflag:$0x2] =	stream.indirect.gather [hbm4b:s3+s12], $0x80, s30, s12, $0xb8;
	[tilespmem:$0xB400] =	vst v63  }
0x2c: {  	_ =	swait.ge [sflag:s23], $0x2800  }
0x2d: {  	[sflag:s23] =	ssyncset.done $0x0  }
0x2e: {  	s30 =	sadd.s32 $0xA00, s29;
	[sflag:s23] =	ssyncadd.s32 $0xFFFFD800  }
0x2f: {  	[hbm4b:s30+s2] =	stream.linear.scatter [tilespmem:s16], [sflag:$0x7], $0x2800, $0x38;
	[tilespmem:$0xB400] =	vst v63  }
0x30: {  	_ =	swait.ge [sflag:s24], $0x2800  }
0x31: {  	[sflag:s24] =	ssyncset.done $0x0  }
0x32: {  	s30 =	simm.s32 $0x1E0;
	[sflag:s24] =	ssyncadd.s32 $0xFFFFD800  }
0x33: {  	[tilespmem:s16], [sflag:$0x3] =	stream.indirect.gather [hbm4b:s3+s12], $0x80, s30, s12, $0xb8;
	[tilespmem:$0xB400] =	vst v63  }
0x34: {  	_ =	swait.ge [sflag:s25], $0x2800  }
0x35: {  	[sflag:s25] =	ssyncset.done $0x0  }
0x36: {  	s29 =	sadd.s32 $0xF00, s29;
	[sflag:s25] =	ssyncadd.s32 $0xFFFFD800  }
0x37: {  	[hbm4b:s29+s2] =	stream.linear.scatter [tilespmem:s18], [sflag:$0x8], $0x2800, $0x38;
	[tilespmem:$0xB400] =	vst v63  }
0x38: {  	_ =	swait.ge [sflag:s26], $0x2800  }
0x39: {  	s31 =	simm.s32 $0x370;
	[sflag:s26] =	ssyncset.done $0x0  }
0x3a: {  	s30 =	simm.s32 $0x1400;
	s29 =	simm.s32 $0x230;
	[sflag:s26] =	ssyncadd.s32 $0xFFFFD800  }
.LBB2_2:
0x3b: {  	[tilespmem:s18], [sflag:$0x4] =	stream.indirect.gather [hbm4b:s3+s12], $0x80, s29, s12, $0xb8;
	[tilespmem:$0xB400] =	vst v63  }
0x3c: {  	s1 =	smov.u32 s30;
	s29 =	smov.u32 s31  }
0x3d: {  	p0 =	sne.s32 s30, $0x11800;
	s30 =	sadd.s32 $0x1400, s30;
	_ =	swait.ge [sflag:s19], $0x2800  }
0x3e: {  	[sflag:s19] =	ssyncset.done $0x0  }
0x3f: {  	s1 =	sadd.s32 s1, s10;
	[sflag:s19] =	ssyncadd.s32 $0xFFFFD800  }
0x40: {  	[hbm4b:s1+s2] =	stream.linear.scatter [tilespmem:s13], [sflag:$0x5], $0x2800, $0x38;
	[tilespmem:$0xB400] =	vst v63  }
0x41: {  	_ =	swait.ge [sflag:s20], $0x2800  }
0x42: {  	[sflag:s20] =	ssyncset.done $0x0  }
0x43: {  	s0 =	sadd.s32 $0xFFFFFF10, s31;
	[sflag:s20] =	ssyncadd.s32 $0xFFFFD800  }
0x44: {  	[tilespmem:s13], [sflag:$0x1] =	stream.indirect.gather [hbm4b:s3+s12], $0x80, s0, s12, $0xb8;
	[tilespmem:$0xB400] =	vst v63  }
0x45: {  	_ =	swait.ge [sflag:s21], $0x2800  }
0x46: {  	[sflag:s21] =	ssyncset.done $0x0  }
0x47: {  	s0 =	sadd.s32 $0x500, s1;
	[sflag:s21] =	ssyncadd.s32 $0xFFFFD800  }
0x48: {  	[hbm4b:s0+s2] =	stream.linear.scatter [tilespmem:s14], [sflag:$0x6], $0x2800, $0x38;
	[tilespmem:$0xB400] =	vst v63  }
0x49: {  	_ =	swait.ge [sflag:s22], $0x2800  }
0x4a: {  	[sflag:s22] =	ssyncset.done $0x0  }
0x4b: {  	s0 =	sadd.s32 $0xFFFFFF60, s31;
	[sflag:s22] =	ssyncadd.s32 $0xFFFFD800  }
0x4c: {  	[tilespmem:s14], [sflag:$0x2] =	stream.indirect.gather [hbm4b:s3+s12], $0x80, s0, s12, $0xb8;
	[tilespmem:$0xB400] =	vst v63  }
0x4d: {  	_ =	swait.ge [sflag:s23], $0x2800  }
0x4e: {  	[sflag:s23] =	ssyncset.done $0x0  }
0x4f: {  	s0 =	sadd.s32 $0xA00, s1;
	[sflag:s23] =	ssyncadd.s32 $0xFFFFD800  }
0x50: {  	[hbm4b:s0+s2] =	stream.linear.scatter [tilespmem:s16], [sflag:$0x7], $0x2800, $0x38;
	[tilespmem:$0xB400] =	vst v63  }
0x51: {  	_ =	swait.ge [sflag:s24], $0x2800  }
0x52: {  	[sflag:s24] =	ssyncset.done $0x0  }
0x53: {  	s0 =	sadd.s32 $0xFFFFFFB0, s31;
	[sflag:s24] =	ssyncadd.s32 $0xFFFFD800  }
0x54: {  	[tilespmem:s16], [sflag:$0x3] =	stream.indirect.gather [hbm4b:s3+s12], $0x80, s0, s12, $0xb8;
	[tilespmem:$0xB400] =	vst v63  }
0x55: {  	_ =	swait.ge [sflag:s25], $0x2800  }
0x56: {  	[sflag:s25] =	ssyncset.done $0x0  }
.Ltmp0:
0x57: {  	s0 =	sadd.s32 $0xF00, s1;
	[sflag:s25] =	ssyncadd.s32 $0xFFFFD800;
	(pc) =	sbr.rel @p0 .LBB2_2-.Ltmp0, $4  }
0x58: {  	[hbm4b:s0+s2] =	stream.linear.scatter [tilespmem:s18], [sflag:$0x8], $0x2800, $0x38;
	[tilespmem:$0xB400] =	vst v63  }
0x59: {  	_ =	swait.ge [sflag:s26], $0x2800  }
0x5a: {  	[sflag:s26] =	ssyncset.done $0x0  }
0x5b: {  	s31 =	sadd.s32 $0x140, s31;
	[sflag:s26] =	ssyncadd.s32 $0xFFFFD800  }
0x5c: {  	[tilespmem:s18], [sflag:$0x4] =	stream.indirect.gather [hbm4b:s3+s12], $0x80, s29, s12, $0xb8;
	[tilespmem:$0xB400] =	vst v63  }
0x5d: {  	_ =	swait.ge [sflag:s19], $0x2800  }
0x5e: {  	[sflag:s19] =	ssyncset.done $0x0  }
0x5f: {  	[sflag:s19] =	ssyncadd.s32 $0xFFFFD800  }
0x60: {  	[hbm4b:s6+s2] =	stream.linear.scatter [tilespmem:s13], [sflag:$0x5], $0x2800, $0x38;
	[tilespmem:$0xB400] =	vst v63  }
0x61: {  	_ =	swait.ge [sflag:s20], $0x2800  }
0x62: {  	[sflag:s20] =	ssyncset.done $0x0  }
0x63: {  	[sflag:s20] =	ssyncadd.s32 $0xFFFFD800  }
0x64: {  	_ =	swait.ge [sflag:s21], $0x2800  }
0x65: {  	[sflag:s21] =	ssyncset.done $0x0  }
0x66: {  	[sflag:s21] =	ssyncadd.s32 $0xFFFFD800  }
0x67: {  	[hbm4b:s7+s2] =	stream.linear.scatter [tilespmem:s14], [sflag:$0x6], $0x2800, $0x38;
	[tilespmem:$0xB400] =	vst v63  }
0x68: {  	_ =	swait.ge [sflag:s22], $0x2800  }
0x69: {  	[sflag:s22] =	ssyncset.done $0x0  }
0x6a: {  	[sflag:s22] =	ssyncadd.s32 $0xFFFFD800  }
0x6b: {  	_ =	swait.ge [sflag:s23], $0x2800  }
0x6c: {  	[sflag:s23] =	ssyncset.done $0x0  }
0x6d: {  	[sflag:s23] =	ssyncadd.s32 $0xFFFFD800  }
0x6e: {  	[hbm4b:s8+s2] =	stream.linear.scatter [tilespmem:s16], [sflag:$0x7], $0x2800, $0x38;
	[tilespmem:$0xB400] =	vst v63  }
0x6f: {  	_ =	swait.ge [sflag:s24], $0x2800  }
0x70: {  	[sflag:s24] =	ssyncset.done $0x0  }
0x71: {  	[sflag:s24] =	ssyncadd.s32 $0xFFFFD800  }
0x72: {  	s28 =	sadd.s32 $0x1, s28;
	_ =	swait.ge [sflag:s25], $0x2800  }
0x73: {  	p0 =	sne.s32 s28, s5;
	[sflag:s25] =	ssyncset.done $0x0  }
.Ltmp1:
0x74: {  	[sflag:s25] =	ssyncadd.s32 $0xFFFFD800;
	(pc) =	sbr.rel @p0 .LBB2_1-.Ltmp1, $4  }
0x75: {  	[hbm4b:s9+s2] =	stream.linear.scatter [tilespmem:s18], [sflag:$0x8], $0x2800, $0x38;
	[tilespmem:$0xB400] =	vst v63  }
0x76: {  	_ =	swait.ge [sflag:s26], $0x2800  }
0x77: {  	[sflag:s26] =	ssyncset.done $0x0  }
0x78: {  	[sflag:s26] =	ssyncadd.s32 $0xFFFFD800  }
0x79: {  	_ =	sfence.sel $0x180000  }
0x7a: {  	[bflag:$0x0] =	sbarrier.arrive $0xFFFF  }
0x7b: {  	_ =	strace $0x9000004D  }
0x7c: {  	s0 =	stileid.u32;
	[bflag:$0x2] =	sbarrier.arrive $0xFFFF  }
0x7d: {  	p0 =	sne.s32 s0, $0x0;
	s0 =	rddreg [dreg:$0x1]  }
0x7e: {  	s0 =	sadd.s32 @!p0 $0x100000, s0  }
0x7f: {  	[sflag:s0] =	ssyncadd.tile.s32 @!p0 $0x1;
	_ =	shalt  }
.Lfunc_end2:
_tile_overlayer_lowered:
.L_overlay_start_2:
0x80: {  	(tag) =	ssettag $0x2  }
0x81: {  	s0 =	rddreg [dreg:$0x0];
	s2 =	stileid.u32  }
0x82: {  	s1 =	rddreg [dreg:$0x1];
	p0 =	sne.s32 s2, $0x0  }
0x83: {  	s3 =	rddreg [dreg:$0x2];
	[bflag:$0x3] =	sbarrier.arrive $0xFFFF;
	s2 =	simm.s32 @!p0 $0x1C09  }
0x84: {  	[timem:s3], [sflag:s2] =	dma.local @!p0 [hbm:s0], s1  }
0x85: {  	s0 =	simm.s32 @!p0 $0x9  }
0x86: {  	_ =	swait.ge @!p0 [sflag:s0], s1  }
0x87: {  	s1 =	ssub.s32 @!p0 $0x0, s1;
	[sflag:s0] =	ssyncset.done @!p0 $0x0  }
0x88: {  	[sflag:s0] =	ssyncadd.s32 @!p0 s1  }
0x89: {  	[bflag:$0x3] =	sbarrier.arrive $0xFFFF  }
0x8a: {  	_ =	shalt  }

// kernel: kernel.24.cloned.1.call-start
scs
__scs_entry_jumppad:
0x0: {  	(pc) =	sbr.rel $0x88, $3  }
0x1: {  	(tag) =	ssettag $0x0;
	lr =	simm.s32 $0x1  }
0x2: {  	[smem:$0x3F89] =	sst lr;
	_ =	strace $0xD0000000  }
0x3: {  	_ = 	snop  }
0x4: {  	_ = 	snop  }
0x5: {  	_ = 	snop  }
0x6: {  	_ = 	snop  }
0x7: {  	_ = 	snop  }
__scs_overlays_trampoline_lowered:
0x8: {  	[smem:$0x3F98] =	sst s0  }
0x9: {  	[smem:$0x3F99] =	sst s1  }
0xa: {  	[smem:$0x3F9A] =	sst s2  }
0xb: {  	[smem:$0x3F9B] =	sst s3  }
0xc: {  	[smem:$0x3F9C] =	sst s4  }
0xd: {  	[smem:$0x3F9D] =	sst s5  }
0xe: {  	[smem:$0x3F9E] =	sst s6  }
0xf: {  	[smem:$0x3F9F] =	sst s7  }
0x10: {  	[smem:$0x3FA0] =	sst s8  }
0x11: {  	[smem:$0x3FA1] =	sst s9;
	s0 =	simm.s32 @!p0 $0x0  }
0x12: {  	s1 =	sld [smem:$0x3F87];
	s0 =	simm.s32 @p0 $0x1  }
0x13: {  	[smem:$0x3FA2] =	sst s0;
	s0 =	simm.s32 @!p1 $0x0  }
0x14: {  	s2 =	sld [smem:$0x3F86];
	s0 =	simm.s32 @p1 $0x1  }
0x15: {  	[smem:$0x3FA3] =	sst s0;
	s0 =	simm.s32 @!p2 $0x0  }
0x16: {  	s3 =	sld [smem:$0x3FDB];
	s0 =	simm.s32 @p2 $0x1  }
0x17: {  	s4 =	simm.s32 $0x1BF5;
	[smem:$0x3FA5] =	sst s0  }
0x18: {  	s0 =	sld [smem:$0x3F88];
	_ =	swait.ge [sflag:s4], $0x0  }
0x19: {  	s7 =	sld [smem:$0x3F89]  }
0x1a: {  	s8 =	sadd.s32 $0xFFFFE003, lr  }
0x1b: {  	s9 =	sadd.s32 $0xFFFFFEF7, lr;
	s5 =	simm.s32 $0xFFFFFFFF;
	p2 =	slt.u32 s8, $0xFFFFF086  }
0x1c: {  	p1 =	slt.u32 s9, $0xF7A;
	s5 =	simm.s32 @!p2 $0x0  }
0x1d: {  	s5 =	simm.s32 @p1 $0x1;
	p0 =	seq.s32 s7, s2  }
0x1e: {  	s7 =	smul.u32 @!p0 $0xF7A, s2;
	p2 =	seq.s32 @!p0 s5, $0x0  }
0x1f: {  	s9 =	smul.u32 $0xF7A, s1;
	s8 =	simm.s32 @!p0 $0x1BF5;
	p2 =	por !p2, p0  }
0x20: {  	[sflag:s8] =	ssyncset.s32 @!p0 $0xFFFFF086;
	s6 =	sadd.s32 @!p0 s3, s7;
	s7 =	simm.s32 @!p0 $0x108  }
0x21: {  	s3 =	sadd.s32 s3, s9;
	s6 =	sadd.s32 @!p0 $0x88, s6;
	s7 =	simm.s32 @p2 $0x1082  }
0x22: {  	[simem:s7], [sflag:s8] =	dma.local @!p0 [hbm:s6], $0xF7A  }
0x23: {  	s9 =	sor.u32 $0xD0000000, s2;
	s6 =	simm.s32 $0x108;
	_ =	swait.ge @!p0 [sflag:s8], $0x0  }
0x24: {  	s3 =	sadd.s32 $0x88, s3;
	s6 =	simm.s32 @!p1 $0x1082;
	[sflag:s4] =	ssyncset.s32 $0xFFFFF086  }
0x25: {  	[simem:s6], [sflag:s4] =	dma.local [hbm:s3], $0xF7A  }
0x26: {  	[smem:$0x3F89] =	sst s1;
	(tag) =	ssettag s2;
	_ =	strace s9  }
0x27: {  	s1 =	sld [smem:$0x3F99]  }
0x28: {  	s2 =	sld [smem:$0x3F9A]  }
0x29: {  	s4 =	sld [smem:$0x3F9C]  }
0x2a: {  	p0 =	seq.s32 s5, $0x0;
	s5 =	sld [smem:$0x3F9D]  }
0x2b: {  	s6 =	sld [smem:$0x3F9E]  }
0x2c: {  	s7 =	sld [smem:$0x3F9F]  }
0x2d: {  	s3 =	simm.s32 $0x108;
	s8 =	sld [smem:$0x3FA0]  }
0x2e: {  	s3 =	simm.s32 @!p0 $0x1082;
	s9 =	sld [smem:$0x3FA1]  }
0x2f: {  	lr =	sadd.s32 s0, s3;
	s0 =	sld [smem:$0x3F98]  }
0x30: {  	s3 =	sld [smem:$0x3F9B]  }
0x31: {  	[smem:$0x3FA4] =	sst s10  }
0x32: {  	s10 =	sld [smem:$0x3FA2];
	_ =	sdelay $0x3  }
0x33: {  	p0 =	seq.s32 s10, $0x1;
	s10 =	sld [smem:$0x3FA4];
	_ =	sdelay $0x3  }
0x34: {  	[smem:$0x3FA4] =	sst s10  }
0x35: {  	s10 =	sld [smem:$0x3FA3];
	_ =	sdelay $0x3  }
0x36: {  	p1 =	seq.s32 s10, $0x1;
	s10 =	sld [smem:$0x3FA4];
	_ =	sdelay $0x3  }
0x37: {  	[smem:$0x3FA4] =	sst s10  }
0x38: {  	s10 =	sld [smem:$0x3FA5]  }
0x39: {  	_ = 	snop;
	(pc) =	sbr.ind lr, $3  }
0x3a: {  	_ = 	snop  }
0x3b: {  	_ = 	snop  }
0x3c: {  	p2 =	seq.s32 s10, $0x1;
	s10 =	sld [smem:$0x3FA4]  }
0x3d: {  	_ =	shalt  }
0x3e: {  	_ =	shalt  }
0x3f: {  	_ =	shalt  }
0x40: {  	_ =	shalt  }
0x41: {  	_ =	shalt  }
0x42: {  	_ =	shalt  }
0x43: {  	_ =	shalt  }
0x44: {  	_ =	shalt  }
0x45: {  	_ =	shalt  }
0x46: {  	_ =	shalt  }
0x47: {  	_ =	shalt  }
0x48: {  	_ =	shalt  }
0x49: {  	_ =	shalt  }
0x4a: {  	_ =	shalt  }
0x4b: {  	_ =	shalt  }
0x4c: {  	_ =	shalt  }
0x4d: {  	_ =	shalt  }
0x4e: {  	_ =	shalt  }
0x4f: {  	_ =	shalt  }
0x50: {  	_ =	shalt  }
0x51: {  	_ =	shalt  }
0x52: {  	_ =	shalt  }
0x53: {  	_ =	shalt  }
0x54: {  	_ =	shalt  }
0x55: {  	_ =	shalt  }
0x56: {  	_ =	shalt  }
0x57: {  	_ =	shalt  }
0x58: {  	_ =	shalt  }
0x59: {  	_ =	shalt  }
0x5a: {  	_ =	shalt  }
0x5b: {  	_ =	shalt  }
0x5c: {  	_ =	shalt  }
0x5d: {  	_ =	shalt  }
0x5e: {  	_ =	shalt  }
0x5f: {  	_ =	shalt  }
0x60: {  	_ =	shalt  }
0x61: {  	_ =	shalt  }
0x62: {  	_ =	shalt  }
0x63: {  	_ =	shalt  }
0x64: {  	_ =	shalt  }
0x65: {  	_ =	shalt  }
0x66: {  	_ =	shalt  }
0x67: {  	_ =	shalt  }
0x68: {  	_ =	shalt  }
0x69: {  	_ =	shalt  }
0x6a: {  	_ =	shalt  }
0x6b: {  	_ =	shalt  }
0x6c: {  	_ =	shalt  }
0x6d: {  	_ =	shalt  }
0x6e: {  	_ =	shalt  }
0x6f: {  	_ =	shalt  }
0x70: {  	_ =	shalt  }
0x71: {  	_ =	shalt  }
0x72: {  	_ =	shalt  }
0x73: {  	_ =	shalt  }
0x74: {  	_ =	shalt  }
0x75: {  	_ =	shalt  }
0x76: {  	_ =	shalt  }
0x77: {  	_ =	shalt  }
0x78: {  	_ =	shalt  }
0x79: {  	_ =	shalt  }
0x7a: {  	_ =	shalt  }
0x7b: {  	_ =	shalt  }
0x7c: {  	_ =	shalt  }
0x7d: {  	_ =	shalt  }
0x7e: {  	_ =	shalt  }
0x7f: {  	_ =	shalt  }
0x80: {  	_ =	shalt  }
0x81: {  	_ =	shalt  }
0x82: {  	_ =	shalt  }
0x83: {  	_ =	shalt  }
0x84: {  	_ =	shalt  }
0x85: {  	_ =	shalt  }
0x86: {  	_ =	shalt  }
0x87: {  	_ =	shalt  }
.Lfunc_end0:
.L_simem_size_0:
called_computation.3_lowered:
.L_overlay_start_0:
0x88: {  	s2 =	sld [smem:$0x3FD9]  }
0x89: {  	s3 =	sld [smem:$0x3FFE];
	_ =	sdelay $0x1  }
0x8a: {  	s1 =	srdreg.scid  }
0x8b: {  	s0 =	sand.u32 $0x1, s1  }
0x8c: {  	s16 =	sshll.u32 s0, $0xA;
	s2 =	sadd.s32 s3, s2  }
0x8d: {  	s2 =	sadd.s32 s2, s16  }
0x8e: {  	[smem:$0x3FB0] =	sst s2  }
0x8f: {  	_ = 	snop  }
0x90: {  	(tm) =	ssettm $0x1  }
0x91: {  	s17 =	sld [smem:$0x3FFB];
	_ =	sdelay $0x3  }
0x92: {  	_ =	strace s17  }
0x93: {  	s2 =	sld [smem:$0x3FFC];
	_ =	sdelay $0x3  }
0x94: {  	_ =	strace s2  }
0x95: {  	s2 =	sld [smem:$0x3FFD];
	_ =	sdelay $0x3  }
0x96: {  	_ =	strace s2  }
0x97: {  	_ =	strace $0x8FFFFFFF  }
0x98: {  	s18 =	sld [smem:$0x3FDB];
	_ =	sdelay $0x1  }
0x99: {  	s19 =	simm.s32 $_scs_section_size  }
0x9a: {  	s4 =	simm.s32 $_size__tile_overlayer_lowered;
	s5 =	simm.s32 $_tile_overlayer_lowered  }
0x9b: {  	s22 =	simm.s32 $0x1BFF;
	s21 =	sshll.u32 s5, $0x1;
	s2 =	sadd.s32 s19, s18  }
0x9c: {  	s6 =	simm.s32 $0x0;
	s20 =	sshll.u32 s4, $0x1;
	s4 =	sadd.s32 s21, s2  }
0x9d: {  	[timem:s6], [sflag:s22] =	dma.local [hbm:s4], s20  }
0x9e: {  	_ =	swait.ge [sflag:s22], s20  }
0x9f: {  	s3 =	ssub.s32 $0x0, s20;
	[sflag:s22] =	ssyncset.done $0x0  }
0xa0: {  	[sflag:s22] =	ssyncadd.s32 s3;
	_ =	sdelay $0x1  }
0xa1: {  	s23 =	simm.s32 $0x1B8B  }
0xa2: {  	_ =	swait.ge [sflag:s23], $0x1  }
0xa3: {  	[sflag:s23] =	ssyncset.done $0x0  }
0xa4: {  	s25 =	simm.s32 $0x1B8E;
	s24 =	sld [smem:$0x3FFE];
	[sflag:s23] =	ssyncadd.s32 $0xFFFFFFFF  }
0xa5: {  	s26 =	simm.s32 $execute0_lowered;
	[smem:$0x3FD2] =	sst s25  }
0xa6: {  	s4 =	sshll.u32 s26, $0x1;
	_ =	strace $0x8000004F;
	[dreg:$0x1] =	wrdreg $0xFFFFFFFF  }
0xa7: {  	s28 =	simm.s32 $_size_execute0_lowered;
	s2 =	sadd.s32 s2, s4;
	[dreg:$0x0] =	wrdreg $0x0  }
0xa8: {  	s4 =	sshll.u32 s28, $0x1;
	[dreg:$0x2] =	wrdreg s2  }
0xa9: {  	[dreg:$0x3] =	wrdreg s4  }
0xaa: {  	[dreg:$0x4] =	wrdreg $0xC0  }
0xab: {  	_ =	task [dreg:s6], $0x5FFFF  }
0xac: {  	[dreg:$0x1] =	wrdreg $0xFFFFFFFF  }
0xad: {  	[dreg:$0x0] =	wrdreg $0x60  }
0xae: {  	[dreg:$0x2] =	wrdreg s24  }
0xaf: {  	[dreg:$0x3] =	wrdreg $0x9  }
0xb0: {  	_ =	task.clear_ibuf [dreg:s6], $0x4FFFF;
	_ =	strace $0x9000004F  }
0xb1: {  	s29 =	simm.s32 $0x9;
	_ =	strace $0x80000051  }
0xb2: {  	_ =	swait.ge [sflag:s29], $0x1  }
0xb3: {  	[sflag:s29] =	ssyncadd.s32 $0xFFFFFFFF  }
0xb4: {  	_ =	strace $0x90000051  }
0xb5: {  	_ =	sfence  }
0xb6: {  	s30 =	sld [smem:$0x0];
	_ =	sdelay $0x2  }
0xb7: {  	s31 =	sshll.u32 s1, $0xD;
	s1 =	sshrl.u32 s1, $0x2  }
0xb8: {  	s3 =	sand.u32 $0x4000, s31;
	s1 =	sadd.s32 s1, s30  }
0xb9: {  	s0 =	sor.u32 s3, s0;
	s1 =	sshll.u32 s1, $0x11  }
0xba: {  	s0 =	sor.u32 s1, s0  }
0xbb: {  	s0 =	sadd.s32 $0x8F2B, s0  }
0xbc: {  	[sflag:s0] =	ssyncadd.remote.s32 $0x1  }
0xbd: {  	_ =	sfence.sel $0xFFFF  }
0xbe: {  	[dreg:$0x0] =	wrdreg $0xFFFFFFFF;
	(pc) =	sbr.abs _section_cstart, $3  }
0xbf: {  	[dreg:$0x1] =	wrdreg $0xFFFFFFFF  }
0xc0: {  	_ =	task.clear_ibuf [dreg:s6], $0x2FFFF;
	_ =	strace $0x9FFFFFFF  }
0xc1: {  	(tm) =	ssettm $0x7FFFFFFF  }
tec
execute0_lowered:
.L_overlay_start_1:
0x0: {  	(tag) =	ssettag $0x1  }
0x1: {  	s1 =	srdreg.scid  }
0x2: {  	s0 =	stileid.u32;
	s4 =	rddreg [dreg:$0x0];
	s2 =	simm.s32 $0x0  }
0x3: {  	s13 =	simm.s32 $0x1400;
	s14 =	simm.s32 $0x3C00;
	s15 =	simm.s32 $0xA0  }
0x4: {  	s16 =	simm.s32 $0x6400;
	s17 =	simm.s32 $0xF0;
	s18 =	simm.s32 $0x8C00  }
0x5: {  	s19 =	simm.s32 $0x1;
	s20 =	simm.s32 $0x5;
	s21 =	simm.s32 $0x2  }
0x6: {  	s22 =	simm.s32 $0x6;
	s23 =	simm.s32 $0x3;
	s24 =	simm.s32 $0x7  }
0x7: {  	s25 =	simm.s32 $0x4;
	s26 =	simm.s32 $0x8;
	s28 =	simm.s32 $0x0  }
0x8: {  	s8 =	sand.u32 $0x1, s1;
	s3 =	sshll.u32 s0, $0x1;
	[smem:$0x7FF] =	sst s2  }
0x9: {  	s11 =	sadd.s32 $0x4A400, s4;
	s31 =	smul.u32 $0x28000, s0;
	s5 =	sor.u32 s8, s3  }
0xa: {  	_ =	strace $0x80000050;
	s7 =	ssub.s32 $0x2, s8;
	s6 =	smul.u32 $0x1400, s5  }
0xb: {  	s3 =	sadd.s32 $0x25400, s4;
	s9 =	sshrl.u32 s7, $0x1;
	s10 =	smul.u32 $0x14000, s5  }
0xc: {  	s12 =	smul.u32 $0x14000, s8;
	s29 =	ssub.s32 s7, s9;
	s6 =	sshrl.u32 s6, $0x3  }
0xd: {  	s5 =	smax.u32 s29, $0x1;
	s30 =	sadd.s32 s11, s10;
	s10 =	sadd.s32 s31, s11  }
0xe: {  	s11 =	simm.s32 $0x9;
	s6 =	sadd.s32 s6, s4;
	s7 =	sadd.s32 $0x13100, s30  }
0xf: {  	s8 =	sadd.s32 $0x13600, s30;
	s9 =	sadd.s32 $0x13B00, s30;
	s10 =	sadd.s32 s12, s10  }
0x10: {  	s12 =	simm.s32 $0x50;
	s4 =	sadd.s32 $0x45400, s6;
	s6 =	sadd.s32 $0x12C00, s30  }
.LBB2_1:
0x11: {  	[tilespmem:s2], [sflag:$0x9] =	stream.linear.gather [hbm4b:s4+s2], $0x1400, $0x38;
	[tilespmem:$0xB400] =	vst v63  }
0x12: {  	_ =	swait.ge [sflag:s11], $0x1400  }
0x13: {  	[sflag:s11] =	ssyncset.done $0x0  }
0x14: {  	[sflag:s11] =	ssyncadd.s32 $0xFFFFEC00  }
0x15: {  	[tilespmem:s13], [sflag:$0x1] =	stream.indirect.gather [hbm4b:s3+s12], $0x80, s2, s12, $0xb8;
	[tilespmem:$0xB400] =	vst v63  }
0x16: {  	_ = 	snop  }
0x17: {  	[tilespmem:s14], [sflag:$0x2] =	stream.indirect.gather [hbm4b:s3+s12], $0x80, s12, s12, $0xb8;
	[tilespmem:$0xB400] =	vst v63  }
0x18: {  	_ = 	snop  }
0x19: {  	[tilespmem:s16], [sflag:$0x3] =	stream.indirect.gather [hbm4b:s3+s12], $0x80, s15, s12, $0xb8;
	[tilespmem:$0xB400] =	vst v63  }
0x1a: {  	_ = 	snop  }
0x1b: {  	[tilespmem:s18], [sflag:$0x4] =	stream.indirect.gather [hbm4b:s3+s12], $0x80, s17, s12, $0xb8;
	[tilespmem:$0xB400] =	vst v63  }
0x1c: {  	_ =	swait.ge [sflag:s19], $0x2800  }
0x1d: {  	[sflag:s19] =	ssyncset.done $0x0  }
0x1e: {  	s29 =	sadd.s32 $0x0, s10;
	[sflag:s19] =	ssyncadd.s32 $0xFFFFD800  }
0x1f: {  	[hbm4b:s29+s2] =	stream.linear.scatter [tilespmem:s13], [sflag:$0x5], $0x2800, $0x38;
	[tilespmem:$0xB400] =	vst v63  }
0x20: {  	_ =	swait.ge [sflag:s20], $0x2800  }
0x21: {  	[sflag:s20] =	ssyncset.done $0x0  }
0x22: {  	s30 =	simm.s32 $0x140;
	[sflag:s20] =	ssyncadd.s32 $0xFFFFD800  }
0x23: {  	[tilespmem:s13], [sflag:$0x1] =	stream.indirect.gather [hbm4b:s3+s12], $0x80, s30, s12, $0xb8;
	[tilespmem:$0xB400] =	vst v63  }
0x24: {  	_ =	swait.ge [sflag:s21], $0x2800  }
0x25: {  	[sflag:s21] =	ssyncset.done $0x0  }
0x26: {  	s30 =	sadd.s32 $0x500, s29;
	[sflag:s21] =	ssyncadd.s32 $0xFFFFD800  }
0x27: {  	[hbm4b:s30+s2] =	stream.linear.scatter [tilespmem:s14], [sflag:$0x6], $0x2800, $0x38;
	[tilespmem:$0xB400] =	vst v63  }
0x28: {  	_ =	swait.ge [sflag:s22], $0x2800  }
0x29: {  	[sflag:s22] =	ssyncset.done $0x0  }
0x2a: {  	s30 =	simm.s32 $0x190;
	[sflag:s22] =	ssyncadd.s32 $0xFFFFD800  }
0x2b: {  	[tilespmem:s14], [sflag:$0x2] =	stream.indirect.gather [hbm4b:s3+s12], $0x80, s30, s12, $0xb8;
	[tilespmem:$0xB400] =	vst v63  }
0x2c: {  	_ =	swait.ge [sflag:s23], $0x2800  }
0x2d: {  	[sflag:s23] =	ssyncset.done $0x0  }
0x2e: {  	s30 =	sadd.s32 $0xA00, s29;
	[sflag:s23] =	ssyncadd.s32 $0xFFFFD800  }
0x2f: {  	[hbm4b:s30+s2] =	stream.linear.scatter [tilespmem:s16], [sflag:$0x7], $0x2800, $0x38;
	[tilespmem:$0xB400] =	vst v63  }
0x30: {  	_ =	swait.ge [sflag:s24], $0x2800  }
0x31: {  	[sflag:s24] =	ssyncset.done $0x0  }
0x32: {  	s30 =	simm.s32 $0x1E0;
	[sflag:s24] =	ssyncadd.s32 $0xFFFFD800  }
0x33: {  	[tilespmem:s16], [sflag:$0x3] =	stream.indirect.gather [hbm4b:s3+s12], $0x80, s30, s12, $0xb8;
	[tilespmem:$0xB400] =	vst v63  }
0x34: {  	_ =	swait.ge [sflag:s25], $0x2800  }
0x35: {  	[sflag:s25] =	ssyncset.done $0x0  }
0x36: {  	s29 =	sadd.s32 $0xF00, s29;
	[sflag:s25] =	ssyncadd.s32 $0xFFFFD800  }
0x37: {  	[hbm4b:s29+s2] =	stream.linear.scatter [tilespmem:s18], [sflag:$0x8], $0x2800, $0x38;
	[tilespmem:$0xB400] =	vst v63  }
0x38: {  	_ =	swait.ge [sflag:s26], $0x2800  }
0x39: {  	s31 =	simm.s32 $0x370;
	[sflag:s26] =	ssyncset.done $0x0  }
0x3a: {  	s30 =	simm.s32 $0x1400;
	s29 =	simm.s32 $0x230;
	[sflag:s26] =	ssyncadd.s32 $0xFFFFD800  }
.LBB2_2:
0x3b: {  	[tilespmem:s18], [sflag:$0x4] =	stream.indirect.gather [hbm4b:s3+s12], $0x80, s29, s12, $0xb8;
	[tilespmem:$0xB400] =	vst v63  }
0x3c: {  	s1 =	smov.u32 s30;
	s29 =	smov.u32 s31  }
0x3d: {  	p0 =	sne.s32 s30, $0x11800;
	s30 =	sadd.s32 $0x1400, s30;
	_ =	swait.ge [sflag:s19], $0x2800  }
0x3e: {  	[sflag:s19] =	ssyncset.done $0x0  }
0x3f: {  	s1 =	sadd.s32 s1, s10;
	[sflag:s19] =	ssyncadd.s32 $0xFFFFD800  }
0x40: {  	[hbm4b:s1+s2] =	stream.linear.scatter [tilespmem:s13], [sflag:$0x5], $0x2800, $0x38;
	[tilespmem:$0xB400] =	vst v63  }
0x41: {  	_ =	swait.ge [sflag:s20], $0x2800  }
0x42: {  	[sflag:s20] =	ssyncset.done $0x0  }
0x43: {  	s0 =	sadd.s32 $0xFFFFFF10, s31;
	[sflag:s20] =	ssyncadd.s32 $0xFFFFD800  }
0x44: {  	[tilespmem:s13], [sflag:$0x1] =	stream.indirect.gather [hbm4b:s3+s12], $0x80, s0, s12, $0xb8;
	[tilespmem:$0xB400] =	vst v63  }
0x45: {  	_ =	swait.ge [sflag:s21], $0x2800  }
0x46: {  	[sflag:s21] =	ssyncset.done $0x0  }
0x47: {  	s0 =	sadd.s32 $0x500, s1;
	[sflag:s21] =	ssyncadd.s32 $0xFFFFD800  }
0x48: {  	[hbm4b:s0+s2] =	stream.linear.scatter [tilespmem:s14], [sflag:$0x6], $0x2800, $0x38;
	[tilespmem:$0xB400] =	vst v63  }
0x49: {  	_ =	swait.ge [sflag:s22], $0x2800  }
0x4a: {  	[sflag:s22] =	ssyncset.done $0x0  }
0x4b: {  	s0 =	sadd.s32 $0xFFFFFF60, s31;
	[sflag:s22] =	ssyncadd.s32 $0xFFFFD800  }
0x4c: {  	[tilespmem:s14], [sflag:$0x2] =	stream.indirect.gather [hbm4b:s3+s12], $0x80, s0, s12, $0xb8;
	[tilespmem:$0xB400] =	vst v63  }
0x4d: {  	_ =	swait.ge [sflag:s23], $0x2800  }
0x4e: {  	[sflag:s23] =	ssyncset.done $0x0  }
0x4f: {  	s0 =	sadd.s32 $0xA00, s1;
	[sflag:s23] =	ssyncadd.s32 $0xFFFFD800  }
0x50: {  	[hbm4b:s0+s2] =	stream.linear.scatter [tilespmem:s16], [sflag:$0x7], $0x2800, $0x38;
	[tilespmem:$0xB400] =	vst v63  }
0x51: {  	_ =	swait.ge [sflag:s24], $0x2800  }
0x52: {  	[sflag:s24] =	ssyncset.done $0x0  }
0x53: {  	s0 =	sadd.s32 $0xFFFFFFB0, s31;
	[sflag:s24] =	ssyncadd.s32 $0xFFFFD800  }
0x54: {  	[tilespmem:s16], [sflag:$0x3] =	stream.indirect.gather [hbm4b:s3+s12], $0x80, s0, s12, $0xb8;
	[tilespmem:$0xB400] =	vst v63  }
0x55: {  	_ =	swait.ge [sflag:s25], $0x2800  }
0x56: {  	[sflag:s25] =	ssyncset.done $0x0  }
.Ltmp0:
0x57: {  	s0 =	sadd.s32 $0xF00, s1;
	[sflag:s25] =	ssyncadd.s32 $0xFFFFD800;
	(pc) =	sbr.rel @p0 .LBB2_2-.Ltmp0, $4  }
0x58: {  	[hbm4b:s0+s2] =	stream.linear.scatter [tilespmem:s18], [sflag:$0x8], $0x2800, $0x38;
	[tilespmem:$0xB400] =	vst v63  }
0x59: {  	_ =	swait.ge [sflag:s26], $0x2800  }
0x5a: {  	[sflag:s26] =	ssyncset.done $0x0  }
0x5b: {  	s31 =	sadd.s32 $0x140, s31;
	[sflag:s26] =	ssyncadd.s32 $0xFFFFD800  }
0x5c: {  	[tilespmem:s18], [sflag:$0x4] =	stream.indirect.gather [hbm4b:s3+s12], $0x80, s29, s12, $0xb8;
	[tilespmem:$0xB400] =	vst v63  }
0x5d: {  	_ =	swait.ge [sflag:s19], $0x2800  }
0x5e: {  	[sflag:s19] =	ssyncset.done $0x0  }
0x5f: {  	[sflag:s19] =	ssyncadd.s32 $0xFFFFD800  }
0x60: {  	[hbm4b:s6+s2] =	stream.linear.scatter [tilespmem:s13], [sflag:$0x5], $0x2800, $0x38;
	[tilespmem:$0xB400] =	vst v63  }
0x61: {  	_ =	swait.ge [sflag:s20], $0x2800  }
0x62: {  	[sflag:s20] =	ssyncset.done $0x0  }
0x63: {  	[sflag:s20] =	ssyncadd.s32 $0xFFFFD800  }
0x64: {  	_ =	swait.ge [sflag:s21], $0x2800  }
0x65: {  	[sflag:s21] =	ssyncset.done $0x0  }
0x66: {  	[sflag:s21] =	ssyncadd.s32 $0xFFFFD800  }
0x67: {  	[hbm4b:s7+s2] =	stream.linear.scatter [tilespmem:s14], [sflag:$0x6], $0x2800, $0x38;
	[tilespmem:$0xB400] =	vst v63  }
0x68: {  	_ =	swait.ge [sflag:s22], $0x2800  }
0x69: {  	[sflag:s22] =	ssyncset.done $0x0  }
0x6a: {  	[sflag:s22] =	ssyncadd.s32 $0xFFFFD800  }
0x6b: {  	_ =	swait.ge [sflag:s23], $0x2800  }
0x6c: {  	[sflag:s23] =	ssyncset.done $0x0  }
0x6d: {  	[sflag:s23] =	ssyncadd.s32 $0xFFFFD800  }
0x6e: {  	[hbm4b:s8+s2] =	stream.linear.scatter [tilespmem:s16], [sflag:$0x7], $0x2800, $0x38;
	[tilespmem:$0xB400] =	vst v63  }
0x6f: {  	_ =	swait.ge [sflag:s24], $0x2800  }
0x70: {  	[sflag:s24] =	ssyncset.done $0x0  }
0x71: {  	[sflag:s24] =	ssyncadd.s32 $0xFFFFD800  }
0x72: {  	s28 =	sadd.s32 $0x1, s28;
	_ =	swait.ge [sflag:s25], $0x2800  }
0x73: {  	p0 =	sne.s32 s28, s5;
	[sflag:s25] =	ssyncset.done $0x0  }
.Ltmp1:
0x74: {  	[sflag:s25] =	ssyncadd.s32 $0xFFFFD800;
	(pc) =	sbr.rel @p0 .LBB2_1-.Ltmp1, $4  }
0x75: {  	[hbm4b:s9+s2] =	stream.linear.scatter [tilespmem:s18], [sflag:$0x8], $0x2800, $0x38;
	[tilespmem:$0xB400] =	vst v63  }
0x76: {  	_ =	swait.ge [sflag:s26], $0x2800  }
0x77: {  	[sflag:s26] =	ssyncset.done $0x0  }
0x78: {  	[sflag:s26] =	ssyncadd.s32 $0xFFFFD800  }
0x79: {  	_ =	sfence.sel $0x180000  }
0x7a: {  	[bflag:$0x0] =	sbarrier.arrive $0xFFFF  }
0x7b: {  	_ =	strace $0x90000050  }
0x7c: {  	s0 =	stileid.u32;
	[bflag:$0x2] =	sbarrier.arrive $0xFFFF  }
0x7d: {  	p0 =	sne.s32 s0, $0x0;
	s0 =	rddreg [dreg:$0x1]  }
0x7e: {  	s0 =	sadd.s32 @!p0 $0x100000, s0  }
0x7f: {  	[sflag:s0] =	ssyncadd.tile.s32 @!p0 $0x1;
	_ =	shalt  }
.Lfunc_end2:
_tile_overlayer_lowered:
.L_overlay_start_2:
0x80: {  	(tag) =	ssettag $0x2  }
0x81: {  	s0 =	rddreg [dreg:$0x0];
	s2 =	stileid.u32  }
0x82: {  	s1 =	rddreg [dreg:$0x1];
	p0 =	sne.s32 s2, $0x0  }
0x83: {  	s3 =	rddreg [dreg:$0x2];
	[bflag:$0x3] =	sbarrier.arrive $0xFFFF;
	s2 =	simm.s32 @!p0 $0x1C09  }
0x84: {  	[timem:s3], [sflag:s2] =	dma.local @!p0 [hbm:s0], s1  }
0x85: {  	s0 =	simm.s32 @!p0 $0x9  }
0x86: {  	_ =	swait.ge @!p0 [sflag:s0], s1  }
0x87: {  	s1 =	ssub.s32 @!p0 $0x0, s1;
	[sflag:s0] =	ssyncset.done @!p0 $0x0  }
0x88: {  	[sflag:s0] =	ssyncadd.s32 @!p0 s1  }
0x89: {  	[bflag:$0x3] =	sbarrier.arrive $0xFFFF  }
0x8a: {  	_ =	shalt  }

</sc_bundles>
